<compile_context>
chip_gen: v7x
topology: tpu7x:2x2x1
jax: 0.10.2.dev20260603
libtpu: 0.0.44.dev20260713+nightly
codegen_flags: <defaults>
</compile_context>

<pallas_src>
import functools

import jax
import jax.numpy as jnp
from jax import lax
from jax.experimental import pallas as pl
from jax.experimental.pallas import tpu as pltpu
from jax.experimental.pallas import tpu_sc as plsc

N = 10000
E = 320000
D_IN = 128
D = 64
HP = 16
W = D + HP
NC, NS = 2, 16
NW = NC * NS
CL = 128
NCH = 80
EP = NW * NCH * CL
NP = 10240
RPC = NP // NS
TBA = 640


def _dense_in_body(x_ref, wm_ref, bm_ref, fc1_ref, al_ref, ar_ref,
                   zel_ref, er_ref):
    h = jnp.maximum(
        jnp.dot(x_ref[...], wm_ref[...], preferred_element_type=jnp.float32)
        + bm_ref[...], 0.0)
    z = jnp.dot(h, fc1_ref[...], preferred_element_type=jnp.float32)
    zel_ref[...] = jnp.dot(z, al_ref[...], preferred_element_type=jnp.float32)
    er_ref[...] = jnp.dot(z, ar_ref[...], preferred_element_type=jnp.float32)


def _dense_in(x, wm, bm2, fc1, alm, arm):
    return pl.pallas_call(
        _dense_in_body,
        grid=(NP // TBA,),
        in_specs=[
            pl.BlockSpec((TBA, D_IN), lambda i: (i, 0)),
            pl.BlockSpec((D_IN, D), lambda i: (0, 0)),
            pl.BlockSpec((1, D), lambda i: (0, 0)),
            pl.BlockSpec((D, D), lambda i: (0, 0)),
            pl.BlockSpec((D, W), lambda i: (0, 0)),
            pl.BlockSpec((D, HP), lambda i: (0, 0)),
        ],
        out_specs=[
            pl.BlockSpec((TBA, W), lambda i: (i, 0)),
            pl.BlockSpec((TBA, HP), lambda i: (i, 0)),
        ],
        out_shape=[
            jax.ShapeDtypeStruct((NP, W), jnp.float32),
            jax.ShapeDtypeStruct((NP, HP), jnp.float32),
        ],
    )(x, wm, bm2, fc1, alm, arm)


def _dense_mid_body(acc_ref, p1_ref, pd_ref, b1_ref, fc2_ref, al_ref, ar_ref,
                    zel_ref, er_ref):
    csum = acc_ref[0] + acc_ref[1]
    nsum = jnp.dot(csum, p1_ref[...], preferred_element_type=jnp.float32)
    dx = jnp.dot(csum, pd_ref[...], preferred_element_type=jnp.float32)
    h1 = nsum / jnp.maximum(dx, 1e-9) + b1_ref[...]
    z2 = jnp.dot(h1, fc2_ref[...], preferred_element_type=jnp.float32)
    zel_ref[...] = jnp.dot(z2, al_ref[...], preferred_element_type=jnp.float32)
    er_ref[...] = jnp.dot(z2, ar_ref[...], preferred_element_type=jnp.float32)


def _dense_mid(acc1, p1, pd1, b1f, fc2, alm, arm):
    return pl.pallas_call(
        _dense_mid_body,
        grid=(NP // TBA,),
        in_specs=[
            pl.BlockSpec((NC, TBA, W), lambda i: (0, i, 0)),
            pl.BlockSpec((W, D), lambda i: (0, 0)),
            pl.BlockSpec((W, D), lambda i: (0, 0)),
            pl.BlockSpec((1, D), lambda i: (0, 0)),
            pl.BlockSpec((D, D), lambda i: (0, 0)),
            pl.BlockSpec((D, W), lambda i: (0, 0)),
            pl.BlockSpec((D, HP), lambda i: (0, 0)),
        ],
        out_specs=[
            pl.BlockSpec((TBA, W), lambda i: (i, 0)),
            pl.BlockSpec((TBA, HP), lambda i: (i, 0)),
        ],
        out_shape=[
            jax.ShapeDtypeStruct((NP, W), jnp.float32),
            jax.ShapeDtypeStruct((NP, HP), jnp.float32),
        ],
    )(acc1, p1, pd1, b1f, fc2, alm, arm)


def _dense_out_body(acc_ref, p1_ref, pd_ref, b2_ref, o_ref):
    csum = acc_ref[0] + acc_ref[1]
    nsum = jnp.dot(csum, p1_ref[...], preferred_element_type=jnp.float32)
    dx = jnp.dot(csum, pd_ref[...], preferred_element_type=jnp.float32)
    h2 = nsum / jnp.maximum(dx, 1e-9) + b2_ref[...]
    nrm = jnp.sqrt(jnp.sum(h2 * h2, axis=1, keepdims=True))
    o_ref[...] = h2 / jnp.maximum(nrm, 1e-12)


def _dense_out(acc2, p1, pd2, b2f):
    return pl.pallas_call(
        _dense_out_body,
        grid=(NP // TBA,),
        in_specs=[
            pl.BlockSpec((NC, TBA, W), lambda i: (0, i, 0)),
            pl.BlockSpec((W, D), lambda i: (0, 0)),
            pl.BlockSpec((W, D), lambda i: (0, 0)),
            pl.BlockSpec((1, D), lambda i: (0, 0)),
        ],
        out_specs=pl.BlockSpec((TBA, D), lambda i: (i, 0)),
        out_shape=jax.ShapeDtypeStruct((NP, D), jnp.float32),
    )(acc2, p1, pd2, b2f)


def _make_edge_pass(bcast_heads):
    mesh = plsc.VectorSubcoreMesh(core_axis_name="c", subcore_axis_name="s")

    @functools.partial(
        pl.kernel,
        out_type=jax.ShapeDtypeStruct((NC, NP, W), jnp.float32),
        mesh=mesh,
        compiler_params=pltpu.CompilerParams(use_tc_tiling_on_sc=False),
        scratch_types=[
            pltpu.VMEM((NCH, CL), jnp.int32),
            pltpu.VMEM((NCH, CL), jnp.int32),
            pltpu.VMEM((CL, W), jnp.float32),
            pltpu.VMEM((CL, W), jnp.float32),
            pltpu.VMEM((CL, HP), jnp.float32),
            pltpu.VMEM((CL, HP), jnp.float32),
            pltpu.VMEM_SHARED((NP, W), jnp.float32),
            pltpu.SemaphoreType.DMA,
            pltpu.SemaphoreType.DMA,
            pltpu.SemaphoreType.DMA,
            pltpu.SemaphoreType.DMA,
        ],
    )
    def k(zel_hbm, er_hbm, src_hbm, dst_hbm, acc_out,
          srcv, dstv, zel0, zel1, er0, er1, acc_sh, gz0, gz1, ge0, ge1):
        cid = lax.axis_index("c")
        sid = lax.axis_index("s")
        wid = sid * NC + cid

        zero16 = jnp.zeros((16,), jnp.float32)

        @plsc.parallel_loop(0, CL)
        def _zrow(i):
            for q in range(W // 16):
                zel0[i, pl.ds(16 * q, 16)] = zero16

        for t in range(RPC // CL):
            pltpu.sync_copy(zel0, acc_sh.at[pl.ds(sid * RPC + t * CL, CL)])
        plsc.subcore_barrier()

        pltpu.sync_copy(src_hbm.at[wid], srcv)
        pltpu.sync_copy(dst_hbm.at[wid], dstv)

        def fire(c, zelb, erb, sz, se):
            cz = pltpu.async_copy(zel_hbm.at[srcv.at[c]], zelb, sz)
            ce = pltpu.async_copy(er_hbm.at[dstv.at[c]], erb, se)
            return cz, ce

        def work(c, zelb, erb, sz, se):
            pltpu.make_async_copy(zel_hbm.at[srcv.at[c]], zelb, sz).wait()
            pltpu.make_async_copy(er_hbm.at[dstv.at[c]], erb, se).wait()

            @plsc.parallel_loop(0, CL, unroll=8)
            def _edge(i):
                e = zelb[i, pl.ds(D, HP)] + erb[i, :]
                e = jnp.where(e >= 0.0, e, 0.2 * e)
                ex = jnp.exp(e)
                zelb[i, pl.ds(D, HP)] = ex
                for q in range(D // 16):
                    s = ex[bcast_heads[q]]
                    zelb[i, pl.ds(16 * q, 16)] = zelb[i, pl.ds(16 * q, 16)] * s

            pltpu.sync_copy(zelb, acc_sh.at[dstv.at[c]], add=True)

        c0 = fire(0, zel0, er0, gz0, ge0)
        del c0

        def pair(t, _):
            j0 = 2 * t
            fire(j0 + 1, zel1, er1, gz1, ge1)
            work(j0, zel0, er0, gz0, ge0)

            @pl.when(t + 1 < NCH // 2)
            def _():
                fire(j0 + 2, zel0, er0, gz0, ge0)

            work(j0 + 1, zel1, er1, gz1, ge1)
            return 0

        lax.fori_loop(0, NCH // 2, pair, 0)
        plsc.subcore_barrier()

        r0 = sid * RPC
        pltpu.sync_copy(acc_sh.at[pl.ds(r0, RPC)],
                        acc_out.at[cid, pl.ds(r0, RPC)])

    return k


_edge_pass_l1 = _make_edge_pass((0, 1, 2, 3))
_edge_pass_l2 = _make_edge_pass((0, 0, 0, 0))


def kernel(x, edge_index, W_map, b_map, fc1, attn_l1, attn_r1, bias1,
           fc2, attn_l2, attn_r2, bias2):
    f32 = jnp.float32
    ar = jnp.arange(D)

    eye = jnp.eye(D, dtype=f32)
    el1m = jnp.zeros((D, HP), f32).at[ar, ar // 16].set(attn_l1.reshape(D))
    er1m = jnp.zeros((D, HP), f32).at[ar, ar // 16].set(attn_r1.reshape(D))
    el2m = jnp.zeros((D, HP), f32).at[:, 0].set(attn_l2.reshape(D))
    er2m = jnp.zeros((D, HP), f32).at[:, 0].set(attn_r2.reshape(D))
    alm1 = jnp.concatenate([eye, el1m], axis=1)
    alm2 = jnp.concatenate([eye, el2m], axis=1)
    p1 = jnp.concatenate([eye, jnp.zeros((HP, D), f32)], axis=0)
    r1 = jnp.zeros((HP, D), f32).at[ar // 16, ar].set(1.0)
    r2 = jnp.zeros((HP, D), f32).at[0, :].set(1.0)
    pd1 = jnp.concatenate([jnp.zeros((D, D), f32), r1], axis=0)
    pd2 = jnp.concatenate([jnp.zeros((D, D), f32), r2], axis=0)
    bm2 = b_map.reshape(1, D)
    b1f = bias1.reshape(1, D)
    b2f = bias2.reshape(1, D)

    xp = jnp.zeros((NP, D_IN), f32).at[:N].set(x)
    pad_src = jnp.full((EP - E,), N, jnp.int32)
    pad_dst = N + jnp.arange(EP - E, dtype=jnp.int32) % (NP - N)
    src3 = jnp.concatenate([edge_index[0], pad_src]).reshape(NW, NCH, CL)
    dst3 = jnp.concatenate([edge_index[1], pad_dst]).reshape(NW, NCH, CL)

    zel1, er1t = _dense_in(xp, W_map, bm2, fc1, alm1, er1m)
    acc1 = _edge_pass_l1(zel1, er1t, src3, dst3)
    zel2, er2t = _dense_mid(acc1, p1, pd1, b1f, fc2, alm2, er2m)
    acc2 = _edge_pass_l2(zel2, er2t, src3, dst3)
    return _dense_out(acc2, p1, pd2, b2f)[:N]

# --- scband reference (transcript-rebuilt; emitter-appended) ---
"""Pipeline reference for scband-hanlink-pred-model-31628139167801 (READ-ONLY COPY).

The authoritative reference and input builder live on the scoring server;
editing this copy changes nothing except your own understanding.
"""

import jax, jax.numpy as jnp
import numpy as np

N = 10000
E = 320000
D_IN = 128
D_MAP = 64
H1, D1 = 4, 16   # NodeAttention GATConv: heads=4, out=16 -> flatten 64
H2, D2 = 1, 64   # gat2 GATConv: heads=1, out=64


def _gat_conv(h_src, h_dst, src, dst, fc, attn_l, attn_r, bias, n_dst, H, D):
    # DGL GATConv (shared fc since in_feats is int), allow_zero_in_degree=True
    z_src = (h_src @ fc).reshape(-1, H, D)
    z_dst = (h_dst @ fc).reshape(-1, H, D)
    el = (z_src * attn_l[None]).sum(-1)          # [N_src, H]
    er = (z_dst * attn_r[None]).sum(-1)          # [N_dst, H]
    e = jax.nn.leaky_relu(el[src] + er[dst], negative_slope=0.2)  # [E, H]
    # edge softmax over incoming edges per dst node (numerically stable)
    emax = jax.ops.segment_max(e, dst, num_segments=n_dst)
    emax = jnp.where(jnp.isfinite(emax), emax, 0.0)
    emax = jax.lax.stop_gradient(emax)
    ex = jnp.exp(e - emax[dst])
    denom = jax.ops.segment_sum(ex, dst, num_segments=n_dst)
    alpha = ex / jnp.maximum(denom[dst], 1e-9)   # [E, H]
    msg = z_src[src] * alpha[:, :, None]         # [E, H, D]
    out = jax.ops.segment_sum(msg, dst, num_segments=n_dst)  # [N_dst, H, D]
    out = out + bias[None]                        # bias [H, D]
    return out


def setup_inputs(seed: int = 0) -> dict:
    key = jax.random.key(seed)
    ks = jax.random.split(key, 13)
    x = jax.random.normal(ks[0], (N, D_IN), dtype=jnp.float32)
    edge_index = jax.random.randint(ks[1], (2, E), 0, N, dtype=jnp.int32)
    s = 0.05
    return {
        'x': x,
        'edge_index': edge_index,
        # FeatureMappingLayer linear for ntype 'node'
        'W_map': jax.random.normal(ks[2], (D_IN, D_MAP), jnp.float32) * s,
        'b_map': jnp.zeros((D_MAP,), jnp.float32),
        # NodeAttentionLayer GATConv(64 -> 16, heads=4)
        'fc1': jax.random.normal(ks[3], (D_MAP, H1 * D1), jnp.float32) * s,
        'attn_l1': jax.random.normal(ks[4], (H1, D1), jnp.float32) * s,
        'attn_r1': jax.random.normal(ks[5], (H1, D1), jnp.float32) * s,
        'bias1': jnp.zeros((H1, D1), jnp.float32),
        # gat2 GATConv(64 -> 64, heads=1)
        'fc2': jax.random.normal(ks[6], (D_MAP, H2 * D2), jnp.float32) * s,
        'attn_l2': jax.random.normal(ks[7], (H2, D2), jnp.float32) * s,
        'attn_r2': jax.random.normal(ks[8], (H2, D2), jnp.float32) * s,
        'bias2': jnp.zeros((H2, D2), jnp.float32),
    }


def reference(x, edge_index, W_map, b_map, fc1, attn_l1, attn_r1, bias1, fc2, attn_l2, attn_r2, bias2):
    src = edge_index[0]
    dst = edge_index[1]
    # FeatureMappingLayer: relu(Linear(feat))
    h = jax.nn.relu(x @ W_map + b_map)                       # [N, 64]
    # NodeAttentionLayer: GATConv(64->16, heads=4), flatten(1); single etype so stack+sum is identity
    h1 = _gat_conv(h, h, src, dst, fc1, attn_l1, attn_r1, bias1, N, H1, D1)
    h1 = h1.reshape(N, H1 * D1)                              # [N, 64]
    # second layer: gat2 GATConv(64->64, heads=1) on h1[:, :64], squeeze(1)
    h1c = h1[:, :64]
    h2 = _gat_conv(h1c, h1c, src, dst, fc2, attn_l2, attn_r2, bias2, N, H2, D2)
    h2 = h2.reshape(N, D2)                                   # squeeze head dim
    # F.normalize(p=2, dim=1)
    norm = jnp.sqrt(jnp.sum(h2 * h2, axis=1, keepdims=True))
    out = h2 / jnp.maximum(norm, 1e-12)
    return out

if __name__ == "__main__":
    import jax
    _d = setup_inputs()
    print(jax.jit(kernel)(*tuple(_d.values())))

</pallas_src>

<mosaic_0001>
#map = affine_map<(d0, d1) -> (0, 0)>
#map1 = affine_map<(d0, d1) -> (0, 0, 0)>
module attributes {stable_mosaic.version = 14 : i64} {
  func.func @k(%arg0: i32, %arg1: i32, %arg2: memref<10240x80xf32, #tpu.memory_space<hbm>>, %arg3: memref<10240x16xf32, #tpu.memory_space<hbm>>, %arg4: memref<32x80x128xi32, #tpu.memory_space<hbm>>, %arg5: memref<32x80x128xi32, #tpu.memory_space<hbm>>, %arg6: memref<2x10240x80xf32, #tpu.memory_space<hbm>>, %arg7: memref<80x128xi32, #tpu.memory_space<vmem>>, %arg8: memref<80x128xi32, #tpu.memory_space<vmem>>, %arg9: memref<128x80xf32, #tpu.memory_space<vmem>>, %arg10: memref<128x80xf32, #tpu.memory_space<vmem>>, %arg11: memref<128x16xf32, #tpu.memory_space<vmem>>, %arg12: memref<128x16xf32, #tpu.memory_space<vmem>>, %arg13: memref<10240x80xf32, #tpu.memory_space<vmem_shared>>, %arg14: memref<!tpu.dma_semaphore, #tpu.memory_space<semaphore_mem>>, %arg15: memref<!tpu.dma_semaphore, #tpu.memory_space<semaphore_mem>>, %arg16: memref<!tpu.dma_semaphore, #tpu.memory_space<semaphore_mem>>, %arg17: memref<!tpu.dma_semaphore, #tpu.memory_space<semaphore_mem>>) attributes {dimension_semantics = [#tpu.dimension_semantics<core_parallel>, #tpu.dimension_semantics<subcore_parallel>], iteration_bounds = array<i64: 2, 16>, scalar_prefetch = 0 : i64, scratch_operands = 11 : i64, tpu.core_type = #tpu.core_type<sc_vector_subcore>, window_params = [{transform_indices = #map}, {transform_indices = #map}, {transform_indices = #map1}, {transform_indices = #map1}, {transform_indices = #map1}]} {
    %mul3A = arith.constant 2 : i32
    %mul3A_0 = arith.muli %arg1, %mul3A : i32
    %add3A = arith.addi %mul3A_0, %arg0 : i32
    %broadcast_in_dim3A = arith.constant 0.000000e+00 : f32
    %broadcast_in_dim3A_1 = vector.broadcast %broadcast_in_dim3A : f32 to vector<16xf32>
    %parallel_loop3A = arith.constant 0 : i32
    %parallel_loop3A_2 = arith.constant 128 : i32
    %parallel_loop3A_3 = arith.constant 1 : i32
    scf.for %parallel_loop3A_46 = %parallel_loop3A to %parallel_loop3A_2 step %parallel_loop3A_3  : i32 {
      %parallel_loop3A_47 = arith.index_cast %parallel_loop3A_46 : i32 to index
      %parallel_loop3A_48 = arith.constant 0 : index
      %parallel_loop3A_49 = tpu.vector_load %arg9[%parallel_loop3A_47, %parallel_loop3A_48] {strides = array<i32>} : memref<128x80xf32, #tpu.memory_space<vmem>>, vector<1x16xf32>,
      %parallel_loop3A_50 = vector.shape_cast %parallel_loop3A_49 : vector<1x16xf32> to vector<16xf32>
      %parallel_loop3A_51 = vector.shape_cast %broadcast_in_dim3A_1 : vector<16xf32> to vector<1x16xf32>
      tpu.vector_store %arg9[%parallel_loop3A_47, %parallel_loop3A_48], %parallel_loop3A_51 {strides = array<i32>} : memref<128x80xf32, #tpu.memory_space<vmem>>, vector<1x16xf32>,
      %parallel_loop3A_52 = arith.index_cast %parallel_loop3A_46 : i32 to index
      %parallel_loop3A_53 = arith.constant 16 : index
      %parallel_loop3A_54 = tpu.vector_load %arg9[%parallel_loop3A_52, %parallel_loop3A_53] {strides = array<i32>} : memref<128x80xf32, #tpu.memory_space<vmem>>, vector<1x16xf32>,
      %parallel_loop3A_55 = vector.shape_cast %parallel_loop3A_54 : vector<1x16xf32> to vector<16xf32>
      %parallel_loop3A_56 = vector.shape_cast %broadcast_in_dim3A_1 : vector<16xf32> to vector<1x16xf32>
      tpu.vector_store %arg9[%parallel_loop3A_52, %parallel_loop3A_53], %parallel_loop3A_56 {strides = array<i32>} : memref<128x80xf32, #tpu.memory_space<vmem>>, vector<1x16xf32>,
      %parallel_loop3A_57 = arith.index_cast %parallel_loop3A_46 : i32 to index
      %parallel_loop3A_58 = arith.constant 32 : index
      %parallel_loop3A_59 = tpu.vector_load %arg9[%parallel_loop3A_57, %parallel_loop3A_58] {strides = array<i32>} : memref<128x80xf32, #tpu.memory_space<vmem>>, vector<1x16xf32>,
      %parallel_loop3A_60 = vector.shape_cast %parallel_loop3A_59 : vector<1x16xf32> to vector<16xf32>
      %parallel_loop3A_61 = vector.shape_cast %broadcast_in_dim3A_1 : vector<16xf32> to vector<1x16xf32>
      tpu.vector_store %arg9[%parallel_loop3A_57, %parallel_loop3A_58], %parallel_loop3A_61 {strides = array<i32>} : memref<128x80xf32, #tpu.memory_space<vmem>>, vector<1x16xf32>,
      %parallel_loop3A_62 = arith.index_cast %parallel_loop3A_46 : i32 to index
      %parallel_loop3A_63 = arith.constant 48 : index
      %parallel_loop3A_64 = tpu.vector_load %arg9[%parallel_loop3A_62, %parallel_loop3A_63] {strides = array<i32>} : memref<128x80xf32, #tpu.memory_space<vmem>>, vector<1x16xf32>,
      %parallel_loop3A_65 = vector.shape_cast %parallel_loop3A_64 : vector<1x16xf32> to vector<16xf32>
      %parallel_loop3A_66 = vector.shape_cast %broadcast_in_dim3A_1 : vector<16xf32> to vector<1x16xf32>
      tpu.vector_store %arg9[%parallel_loop3A_62, %parallel_loop3A_63], %parallel_loop3A_66 {strides = array<i32>} : memref<128x80xf32, #tpu.memory_space<vmem>>, vector<1x16xf32>,
      %parallel_loop3A_67 = arith.index_cast %parallel_loop3A_46 : i32 to index
      %parallel_loop3A_68 = arith.constant 64 : index
      %parallel_loop3A_69 = tpu.vector_load %arg9[%parallel_loop3A_67, %parallel_loop3A_68] {strides = array<i32>} : memref<128x80xf32, #tpu.memory_space<vmem>>, vector<1x16xf32>,
      %parallel_loop3A_70 = vector.shape_cast %parallel_loop3A_69 : vector<1x16xf32> to vector<16xf32>
      %parallel_loop3A_71 = vector.shape_cast %broadcast_in_dim3A_1 : vector<16xf32> to vector<1x16xf32>
      tpu.vector_store %arg9[%parallel_loop3A_67, %parallel_loop3A_68], %parallel_loop3A_71 {strides = array<i32>} : memref<128x80xf32, #tpu.memory_space<vmem>>, vector<1x16xf32>,
    } {sc.loop_unroll_factor = 1 : i64, sc.parallel_access}
    %mul3A_4 = arith.constant 640 : i32
    %mul3A_5 = arith.muli %arg1, %mul3A_4 : i32
    %add3A_6 = arith.constant 0 : i32
    %add3A_7 = arith.addi %mul3A_5, %add3A_6 : i32
    "tpu.region"() ({
      %run_scoped3A = tpu.sem_alloc : memref<!tpu.dma_semaphore, #tpu.memory_space<semaphore_mem>>
      %dma_start3A_46 = arith.constant 0 : i32
      %dma_start3A_47 = tpu.memref_slice %arg13[%add3A_7, %dma_start3A_46] : memref<10240x80xf32, #tpu.memory_space<vmem_shared>> -> memref<128x80xf32, #tpu.memory_space<vmem_shared>>
      %dma_start3A_48 = arith.constant 0 : i32
      %dma_start3A_49 = tpu.memref_slice %arg13[%add3A_7, %dma_start3A_48] : memref<10240x80xf32, #tpu.memory_space<vmem_shared>> -> memref<128x80xf32, #tpu.memory_space<vmem_shared>>
      tpu.enqueue_dma source(%arg9 : memref<128x80xf32, #tpu.memory_space<vmem>>) target(%dma_start3A_49 : memref<128x80xf32, #tpu.memory_space<vmem_shared>>) target_semaphore(%run_scoped3A : memref<!tpu.dma_semaphore, #tpu.memory_space<semaphore_mem>>)
      %dma_wait3A = arith.constant 0 : i32
      %dma_wait3A_50 = tpu.memref_slice %arg13[%add3A_7, %dma_wait3A] : memref<10240x80xf32, #tpu.memory_space<vmem_shared>> -> memref<128x80xf32, #tpu.memory_space<vmem_shared>>
      %dma_wait3A_51 = arith.constant 0 : i32
      %dma_wait3A_52 = tpu.memref_slice %arg13[%add3A_7, %dma_wait3A_51] : memref<10240x80xf32, #tpu.memory_space<vmem_shared>> -> memref<128x80xf32, #tpu.memory_space<vmem_shared>>
      tpu.wait_dma2 semaphore(%run_scoped3A : memref<!tpu.dma_semaphore, #tpu.memory_space<semaphore_mem>>) src(%arg9 : memref<128x80xf32, #tpu.memory_space<vmem>>) dst(%dma_wait3A_52 : memref<128x80xf32, #tpu.memory_space<vmem_shared>>)
      tpu.yield
    }) : () -> ()
    %mul3A_8 = arith.constant 640 : i32
    %mul3A_9 = arith.muli %arg1, %mul3A_8 : i32
    %add3A_10 = arith.constant 128 : i32
    %add3A_11 = arith.addi %mul3A_9, %add3A_10 : i32
    "tpu.region"() ({
      %run_scoped3A = tpu.sem_alloc : memref<!tpu.dma_semaphore, #tpu.memory_space<semaphore_mem>>
      %dma_start3A_46 = arith.constant 0 : i32
      %dma_start3A_47 = tpu.memref_slice %arg13[%add3A_11, %dma_start3A_46] : memref<10240x80xf32, #tpu.memory_space<vmem_shared>> -> memref<128x80xf32, #tpu.memory_space<vmem_shared>>
      %dma_start3A_48 = arith.constant 0 : i32
      %dma_start3A_49 = tpu.memref_slice %arg13[%add3A_11, %dma_start3A_48] : memref<10240x80xf32, #tpu.memory_space<vmem_shared>> -> memref<128x80xf32, #tpu.memory_space<vmem_shared>>
      tpu.enqueue_dma source(%arg9 : memref<128x80xf32, #tpu.memory_space<vmem>>) target(%dma_start3A_49 : memref<128x80xf32, #tpu.memory_space<vmem_shared>>) target_semaphore(%run_scoped3A : memref<!tpu.dma_semaphore, #tpu.memory_space<semaphore_mem>>)
      %dma_wait3A = arith.constant 0 : i32
      %dma_wait3A_50 = tpu.memref_slice %arg13[%add3A_11, %dma_wait3A] : memref<10240x80xf32, #tpu.memory_space<vmem_shared>> -> memref<128x80xf32, #tpu.memory_space<vmem_shared>>
      %dma_wait3A_51 = arith.constant 0 : i32
      %dma_wait3A_52 = tpu.memref_slice %arg13[%add3A_11, %dma_wait3A_51] : memref<10240x80xf32, #tpu.memory_space<vmem_shared>> -> memref<128x80xf32, #tpu.memory_space<vmem_shared>>
      tpu.wait_dma2 semaphore(%run_scoped3A : memref<!tpu.dma_semaphore, #tpu.memory_space<semaphore_mem>>) src(%arg9 : memref<128x80xf32, #tpu.memory_space<vmem>>) dst(%dma_wait3A_52 : memref<128x80xf32, #tpu.memory_space<vmem_shared>>)
      tpu.yield
    }) : () -> ()
    %mul3A_12 = arith.constant 640 : i32
    %mul3A_13 = arith.muli %arg1, %mul3A_12 : i32
    %add3A_14 = arith.constant 256 : i32
    %add3A_15 = arith.addi %mul3A_13, %add3A_14 : i32
    "tpu.region"() ({
      %run_scoped3A = tpu.sem_alloc : memref<!tpu.dma_semaphore, #tpu.memory_space<semaphore_mem>>
      %dma_start3A_46 = arith.constant 0 : i32
      %dma_start3A_47 = tpu.memref_slice %arg13[%add3A_15, %dma_start3A_46] : memref<10240x80xf32, #tpu.memory_space<vmem_shared>> -> memref<128x80xf32, #tpu.memory_space<vmem_shared>>
      %dma_start3A_48 = arith.constant 0 : i32
      %dma_start3A_49 = tpu.memref_slice %arg13[%add3A_15, %dma_start3A_48] : memref<10240x80xf32, #tpu.memory_space<vmem_shared>> -> memref<128x80xf32, #tpu.memory_space<vmem_shared>>
      tpu.enqueue_dma source(%arg9 : memref<128x80xf32, #tpu.memory_space<vmem>>) target(%dma_start3A_49 : memref<128x80xf32, #tpu.memory_space<vmem_shared>>) target_semaphore(%run_scoped3A : memref<!tpu.dma_semaphore, #tpu.memory_space<semaphore_mem>>)
      %dma_wait3A = arith.constant 0 : i32
      %dma_wait3A_50 = tpu.memref_slice %arg13[%add3A_15, %dma_wait3A] : memref<10240x80xf32, #tpu.memory_space<vmem_shared>> -> memref<128x80xf32, #tpu.memory_space<vmem_shared>>
      %dma_wait3A_51 = arith.constant 0 : i32
      %dma_wait3A_52 = tpu.memref_slice %arg13[%add3A_15, %dma_wait3A_51] : memref<10240x80xf32, #tpu.memory_space<vmem_shared>> -> memref<128x80xf32, #tpu.memory_space<vmem_shared>>
      tpu.wait_dma2 semaphore(%run_scoped3A : memref<!tpu.dma_semaphore, #tpu.memory_space<semaphore_mem>>) src(%arg9 : memref<128x80xf32, #tpu.memory_space<vmem>>) dst(%dma_wait3A_52 : memref<128x80xf32, #tpu.memory_space<vmem_shared>>)
      tpu.yield
    }) : () -> ()
    %mul3A_16 = arith.constant 640 : i32
    %mul3A_17 = arith.muli %arg1, %mul3A_16 : i32
    %add3A_18 = arith.constant 384 : i32
    %add3A_19 = arith.addi %mul3A_17, %add3A_18 : i32
    "tpu.region"() ({
      %run_scoped3A = tpu.sem_alloc : memref<!tpu.dma_semaphore, #tpu.memory_space<semaphore_mem>>
      %dma_start3A_46 = arith.constant 0 : i32
      %dma_start3A_47 = tpu.memref_slice %arg13[%add3A_19, %dma_start3A_46] : memref<10240x80xf32, #tpu.memory_space<vmem_shared>> -> memref<128x80xf32, #tpu.memory_space<vmem_shared>>
      %dma_start3A_48 = arith.constant 0 : i32
      %dma_start3A_49 = tpu.memref_slice %arg13[%add3A_19, %dma_start3A_48] : memref<10240x80xf32, #tpu.memory_space<vmem_shared>> -> memref<128x80xf32, #tpu.memory_space<vmem_shared>>
      tpu.enqueue_dma source(%arg9 : memref<128x80xf32, #tpu.memory_space<vmem>>) target(%dma_start3A_49 : memref<128x80xf32, #tpu.memory_space<vmem_shared>>) target_semaphore(%run_scoped3A : memref<!tpu.dma_semaphore, #tpu.memory_space<semaphore_mem>>)
      %dma_wait3A = arith.constant 0 : i32
      %dma_wait3A_50 = tpu.memref_slice %arg13[%add3A_19, %dma_wait3A] : memref<10240x80xf32, #tpu.memory_space<vmem_shared>> -> memref<128x80xf32, #tpu.memory_space<vmem_shared>>
      %dma_wait3A_51 = arith.constant 0 : i32
      %dma_wait3A_52 = tpu.memref_slice %arg13[%add3A_19, %dma_wait3A_51] : memref<10240x80xf32, #tpu.memory_space<vmem_shared>> -> memref<128x80xf32, #tpu.memory_space<vmem_shared>>
      tpu.wait_dma2 semaphore(%run_scoped3A : memref<!tpu.dma_semaphore, #tpu.memory_space<semaphore_mem>>) src(%arg9 : memref<128x80xf32, #tpu.memory_space<vmem>>) dst(%dma_wait3A_52 : memref<128x80xf32, #tpu.memory_space<vmem_shared>>)
      tpu.yield
    }) : () -> ()
    %mul3A_20 = arith.constant 640 : i32
    %mul3A_21 = arith.muli %arg1, %mul3A_20 : i32
    %add3A_22 = arith.constant 512 : i32
    %add3A_23 = arith.addi %mul3A_21, %add3A_22 : i32
    "tpu.region"() ({
      %run_scoped3A = tpu.sem_alloc : memref<!tpu.dma_semaphore, #tpu.memory_space<semaphore_mem>>
      %dma_start3A_46 = arith.constant 0 : i32
      %dma_start3A_47 = tpu.memref_slice %arg13[%add3A_23, %dma_start3A_46] : memref<10240x80xf32, #tpu.memory_space<vmem_shared>> -> memref<128x80xf32, #tpu.memory_space<vmem_shared>>
      %dma_start3A_48 = arith.constant 0 : i32
      %dma_start3A_49 = tpu.memref_slice %arg13[%add3A_23, %dma_start3A_48] : memref<10240x80xf32, #tpu.memory_space<vmem_shared>> -> memref<128x80xf32, #tpu.memory_space<vmem_shared>>
      tpu.enqueue_dma source(%arg9 : memref<128x80xf32, #tpu.memory_space<vmem>>) target(%dma_start3A_49 : memref<128x80xf32, #tpu.memory_space<vmem_shared>>) target_semaphore(%run_scoped3A : memref<!tpu.dma_semaphore, #tpu.memory_space<semaphore_mem>>)
      %dma_wait3A = arith.constant 0 : i32
      %dma_wait3A_50 = tpu.memref_slice %arg13[%add3A_23, %dma_wait3A] : memref<10240x80xf32, #tpu.memory_space<vmem_shared>> -> memref<128x80xf32, #tpu.memory_space<vmem_shared>>
      %dma_wait3A_51 = arith.constant 0 : i32
      %dma_wait3A_52 = tpu.memref_slice %arg13[%add3A_23, %dma_wait3A_51] : memref<10240x80xf32, #tpu.memory_space<vmem_shared>> -> memref<128x80xf32, #tpu.memory_space<vmem_shared>>
      tpu.wait_dma2 semaphore(%run_scoped3A : memref<!tpu.dma_semaphore, #tpu.memory_space<semaphore_mem>>) src(%arg9 : memref<128x80xf32, #tpu.memory_space<vmem>>) dst(%dma_wait3A_52 : memref<128x80xf32, #tpu.memory_space<vmem_shared>>)
      tpu.yield
    }) : () -> ()
    %barrier3A = arith.constant 0 : index
    tpu.barrier barrier_id(%barrier3A)
    "tpu.region"() ({
      %run_scoped3A = tpu.sem_alloc : memref<!tpu.dma_semaphore, #tpu.memory_space<semaphore_mem>>
      %dma_start3A_46 = arith.constant 0 : i32
      %dma_start3A_47 = arith.constant 0 : i32
      %dma_start3A_48 = tpu.memref_slice %arg4[%add3A, %dma_start3A_46, %dma_start3A_47] : memref<32x80x128xi32, #tpu.memory_space<hbm>> -> memref<1x80x128xi32, #tpu.memory_space<hbm>>
      %dma_start3A_49 = tpu.memref_squeeze %dma_start3A_48 : memref<1x80x128xi32, #tpu.memory_space<hbm>> -> memref<80x128xi32, #tpu.memory_space<hbm>>
      %dma_start3A_50 = arith.constant 0 : i32
      %dma_start3A_51 = arith.constant 0 : i32
      %dma_start3A_52 = tpu.memref_slice %arg4[%add3A, %dma_start3A_50, %dma_start3A_51] : memref<32x80x128xi32, #tpu.memory_space<hbm>> -> memref<1x80x128xi32, #tpu.memory_space<hbm>>
      %dma_start3A_53 = tpu.memref_squeeze %dma_start3A_52 : memref<1x80x128xi32, #tpu.memory_space<hbm>> -> memref<80x128xi32, #tpu.memory_space<hbm>>
      tpu.enqueue_dma source(%dma_start3A_53 : memref<80x128xi32, #tpu.memory_space<hbm>>) target(%arg7 : memref<80x128xi32, #tpu.memory_space<vmem>>) target_semaphore(%run_scoped3A : memref<!tpu.dma_semaphore, #tpu.memory_space<semaphore_mem>>)
      %dma_wait3A = arith.constant 0 : i32
      %dma_wait3A_54 = arith.constant 0 : i32
      %dma_wait3A_55 = tpu.memref_slice %arg4[%add3A, %dma_wait3A, %dma_wait3A_54] : memref<32x80x128xi32, #tpu.memory_space<hbm>> -> memref<1x80x128xi32, #tpu.memory_space<hbm>>
      %dma_wait3A_56 = tpu.memref_squeeze %dma_wait3A_55 : memref<1x80x128xi32, #tpu.memory_space<hbm>> -> memref<80x128xi32, #tpu.memory_space<hbm>>
      %dma_wait3A_57 = arith.constant 0 : i32
      %dma_wait3A_58 = arith.constant 0 : i32
      %dma_wait3A_59 = tpu.memref_slice %arg4[%add3A, %dma_wait3A_57, %dma_wait3A_58] : memref<32x80x128xi32, #tpu.memory_space<hbm>> -> memref<1x80x128xi32, #tpu.memory_space<hbm>>
      %dma_wait3A_60 = tpu.memref_squeeze %dma_wait3A_59 : memref<1x80x128xi32, #tpu.memory_space<hbm>> -> memref<80x128xi32, #tpu.memory_space<hbm>>
      tpu.wait_dma2 semaphore(%run_scoped3A : memref<!tpu.dma_semaphore, #tpu.memory_space<semaphore_mem>>) src(%dma_wait3A_60 : memref<80x128xi32, #tpu.memory_space<hbm>>) dst(%arg7 : memref<80x128xi32, #tpu.memory_space<vmem>>)
      tpu.yield
    }) : () -> ()
    "tpu.region"() ({
      %run_scoped3A = tpu.sem_alloc : memref<!tpu.dma_semaphore, #tpu.memory_space<semaphore_mem>>
      %dma_start3A_46 = arith.constant 0 : i32
      %dma_start3A_47 = arith.constant 0 : i32
      %dma_start3A_48 = tpu.memref_slice %arg5[%add3A, %dma_start3A_46, %dma_start3A_47] : memref<32x80x128xi32, #tpu.memory_space<hbm>> -> memref<1x80x128xi32, #tpu.memory_space<hbm>>
      %dma_start3A_49 = tpu.memref_squeeze %dma_start3A_48 : memref<1x80x128xi32, #tpu.memory_space<hbm>> -> memref<80x128xi32, #tpu.memory_space<hbm>>
      %dma_start3A_50 = arith.constant 0 : i32
      %dma_start3A_51 = arith.constant 0 : i32
      %dma_start3A_52 = tpu.memref_slice %arg5[%add3A, %dma_start3A_50, %dma_start3A_51] : memref<32x80x128xi32, #tpu.memory_space<hbm>> -> memref<1x80x128xi32, #tpu.memory_space<hbm>>
      %dma_start3A_53 = tpu.memref_squeeze %dma_start3A_52 : memref<1x80x128xi32, #tpu.memory_space<hbm>> -> memref<80x128xi32, #tpu.memory_space<hbm>>
      tpu.enqueue_dma source(%dma_start3A_53 : memref<80x128xi32, #tpu.memory_space<hbm>>) target(%arg8 : memref<80x128xi32, #tpu.memory_space<vmem>>) target_semaphore(%run_scoped3A : memref<!tpu.dma_semaphore, #tpu.memory_space<semaphore_mem>>)
      %dma_wait3A = arith.constant 0 : i32
      %dma_wait3A_54 = arith.constant 0 : i32
      %dma_wait3A_55 = tpu.memref_slice %arg5[%add3A, %dma_wait3A, %dma_wait3A_54] : memref<32x80x128xi32, #tpu.memory_space<hbm>> -> memref<1x80x128xi32, #tpu.memory_space<hbm>>
      %dma_wait3A_56 = tpu.memref_squeeze %dma_wait3A_55 : memref<1x80x128xi32, #tpu.memory_space<hbm>> -> memref<80x128xi32, #tpu.memory_space<hbm>>
      %dma_wait3A_57 = arith.constant 0 : i32
      %dma_wait3A_58 = arith.constant 0 : i32
      %dma_wait3A_59 = tpu.memref_slice %arg5[%add3A, %dma_wait3A_57, %dma_wait3A_58] : memref<32x80x128xi32, #tpu.memory_space<hbm>> -> memref<1x80x128xi32, #tpu.memory_space<hbm>>
      %dma_wait3A_60 = tpu.memref_squeeze %dma_wait3A_59 : memref<1x80x128xi32, #tpu.memory_space<hbm>> -> memref<80x128xi32, #tpu.memory_space<hbm>>
      tpu.wait_dma2 semaphore(%run_scoped3A : memref<!tpu.dma_semaphore, #tpu.memory_space<semaphore_mem>>) src(%dma_wait3A_60 : memref<80x128xi32, #tpu.memory_space<hbm>>) dst(%arg8 : memref<80x128xi32, #tpu.memory_space<vmem>>)
      tpu.yield
    }) : () -> ()
    %dma_start3A = arith.constant 0 : i32
    %dma_start3A_24 = arith.constant 0 : i32
    %dma_start3A_25 = tpu.memref_slice %arg7[%dma_start3A, %dma_start3A_24] : memref<80x128xi32, #tpu.memory_space<vmem>> -> memref<1x128xi32, #tpu.memory_space<vmem>>
    %dma_start3A_26 = tpu.memref_squeeze %dma_start3A_25 : memref<1x128xi32, #tpu.memory_space<vmem>> -> memref<128xi32, #tpu.memory_space<vmem>>
    %dma_start3A_27 = arith.constant 0 : i32
    %dma_start3A_28 = arith.constant 0 : i32
    %dma_start3A_29 = tpu.memref_slice %arg2[%dma_start3A_27, %dma_start3A_28] : memref<10240x80xf32, #tpu.memory_space<hbm>> -> memref<10240x80xf32, #tpu.memory_space<hbm>>
    tpu.enqueue_indirect_dma source(%dma_start3A_29 : memref<10240x80xf32, #tpu.memory_space<hbm>>) target(%arg9 : memref<128x80xf32, #tpu.memory_space<vmem>>) offsets(%dma_start3A_26 : memref<128xi32, #tpu.memory_space<vmem>>) semaphore(%arg14 : memref<!tpu.dma_semaphore, #tpu.memory_space<semaphore_mem>>)
    %dma_start3A_30 = arith.constant 0 : i32
    %dma_start3A_31 = arith.constant 0 : i32
    %dma_start3A_32 = tpu.memref_slice %arg8[%dma_start3A_30, %dma_start3A_31] : memref<80x128xi32, #tpu.memory_space<vmem>> -> memref<1x128xi32, #tpu.memory_space<vmem>>
    %dma_start3A_33 = tpu.memref_squeeze %dma_start3A_32 : memref<1x128xi32, #tpu.memory_space<vmem>> -> memref<128xi32, #tpu.memory_space<vmem>>
    %dma_start3A_34 = arith.constant 0 : i32
    %dma_start3A_35 = arith.constant 0 : i32
    %dma_start3A_36 = tpu.memref_slice %arg3[%dma_start3A_34, %dma_start3A_35] : memref<10240x16xf32, #tpu.memory_space<hbm>> -> memref<10240x16xf32, #tpu.memory_space<hbm>>
    tpu.enqueue_indirect_dma source(%dma_start3A_36 : memref<10240x16xf32, #tpu.memory_space<hbm>>) target(%arg11 : memref<128x16xf32, #tpu.memory_space<vmem>>) offsets(%dma_start3A_33 : memref<128xi32, #tpu.memory_space<vmem>>) semaphore(%arg16 : memref<!tpu.dma_semaphore, #tpu.memory_space<semaphore_mem>>)
    %scan3A = arith.constant 0 : i32
    %scan3A_37 = arith.constant 0 : i32
    %scan3A_38 = arith.constant 40 : i32
    %scan3A_39 = arith.addi %scan3A_37, %scan3A_38 : i32
    %scan3A_40 = arith.constant 1 : i32
    %scan3A_41 = scf.for %scan3A_46 = %scan3A_37 to %scan3A_39 step %scan3A_40 iter_args(%scan3A_47 = %scan3A) -> (i32)  : i32 {
      %mul3A_48 = arith.constant 2 : i32
      %mul3A_49 = arith.muli %mul3A_48, %scan3A_46 : i32
      %add3A_50 = arith.constant 1 : i32
      %add3A_51 = arith.addi %mul3A_49, %add3A_50 : i32
      %dma_start3A_52 = arith.constant 0 : i32
      %dma_start3A_53 = tpu.memref_slice %arg7[%add3A_51, %dma_start3A_52] : memref<80x128xi32, #tpu.memory_space<vmem>> -> memref<1x128xi32, #tpu.memory_space<vmem>>
      %dma_start3A_54 = tpu.memref_squeeze %dma_start3A_53 : memref<1x128xi32, #tpu.memory_space<vmem>> -> memref<128xi32, #tpu.memory_space<vmem>>
      %dma_start3A_55 = arith.constant 0 : i32
      %dma_start3A_56 = arith.constant 0 : i32
      %dma_start3A_57 = tpu.memref_slice %arg2[%dma_start3A_55, %dma_start3A_56] : memref<10240x80xf32, #tpu.memory_space<hbm>> -> memref<10240x80xf32, #tpu.memory_space<hbm>>
      tpu.enqueue_indirect_dma source(%dma_start3A_57 : memref<10240x80xf32, #tpu.memory_space<hbm>>) target(%arg10 : memref<128x80xf32, #tpu.memory_space<vmem>>) offsets(%dma_start3A_54 : memref<128xi32, #tpu.memory_space<vmem>>) semaphore(%arg15 : memref<!tpu.dma_semaphore, #tpu.memory_space<semaphore_mem>>)
      %dma_start3A_58 = arith.constant 0 : i32
      %dma_start3A_59 = tpu.memref_slice %arg8[%add3A_51, %dma_start3A_58] : memref<80x128xi32, #tpu.memory_space<vmem>> -> memref<1x128xi32, #tpu.memory_space<vmem>>
      %dma_start3A_60 = tpu.memref_squeeze %dma_start3A_59 : memref<1x128xi32, #tpu.memory_space<vmem>> -> memref<128xi32, #tpu.memory_space<vmem>>
      %dma_start3A_61 = arith.constant 0 : i32
      %dma_start3A_62 = arith.constant 0 : i32
      %dma_start3A_63 = tpu.memref_slice %arg3[%dma_start3A_61, %dma_start3A_62] : memref<10240x16xf32, #tpu.memory_space<hbm>> -> memref<10240x16xf32, #tpu.memory_space<hbm>>
      tpu.enqueue_indirect_dma source(%dma_start3A_63 : memref<10240x16xf32, #tpu.memory_space<hbm>>) target(%arg12 : memref<128x16xf32, #tpu.memory_space<vmem>>) offsets(%dma_start3A_60 : memref<128xi32, #tpu.memory_space<vmem>>) semaphore(%arg17 : memref<!tpu.dma_semaphore, #tpu.memory_space<semaphore_mem>>)
      %dma_wait3A = arith.constant 0 : i32
      %dma_wait3A_64 = tpu.memref_slice %arg7[%mul3A_49, %dma_wait3A] : memref<80x128xi32, #tpu.memory_space<vmem>> -> memref<1x128xi32, #tpu.memory_space<vmem>>
      %dma_wait3A_65 = tpu.memref_squeeze %dma_wait3A_64 : memref<1x128xi32, #tpu.memory_space<vmem>> -> memref<128xi32, #tpu.memory_space<vmem>>
      %dma_wait3A_66 = arith.constant 0 : i32
      %dma_wait3A_67 = arith.constant 0 : i32
      %dma_wait3A_68 = tpu.memref_slice %arg2[%dma_wait3A_66, %dma_wait3A_67] : memref<10240x80xf32, #tpu.memory_space<hbm>> -> memref<10240x80xf32, #tpu.memory_space<hbm>>
      tpu.wait_indirect_dma semaphore(%arg14 : memref<!tpu.dma_semaphore, #tpu.memory_space<semaphore_mem>>) src(%dma_wait3A_68 : memref<10240x80xf32, #tpu.memory_space<hbm>>) dst(%arg9 : memref<128x80xf32, #tpu.memory_space<vmem>>)
      %dma_wait3A_69 = arith.constant 0 : i32
      %dma_wait3A_70 = tpu.memref_slice %arg8[%mul3A_49, %dma_wait3A_69] : memref<80x128xi32, #tpu.memory_space<vmem>> -> memref<1x128xi32, #tpu.memory_space<vmem>>
      %dma_wait3A_71 = tpu.memref_squeeze %dma_wait3A_70 : memref<1x128xi32, #tpu.memory_space<vmem>> -> memref<128xi32, #tpu.memory_space<vmem>>
      %dma_wait3A_72 = arith.constant 0 : i32
      %dma_wait3A_73 = arith.constant 0 : i32
      %dma_wait3A_74 = tpu.memref_slice %arg3[%dma_wait3A_72, %dma_wait3A_73] : memref<10240x16xf32, #tpu.memory_space<hbm>> -> memref<10240x16xf32, #tpu.memory_space<hbm>>
      tpu.wait_indirect_dma semaphore(%arg16 : memref<!tpu.dma_semaphore, #tpu.memory_space<semaphore_mem>>) src(%dma_wait3A_74 : memref<10240x16xf32, #tpu.memory_space<hbm>>) dst(%arg11 : memref<128x16xf32, #tpu.memory_space<vmem>>)
      %parallel_loop3A_75 = arith.constant 0 : i32
      %parallel_loop3A_76 = arith.constant 128 : i32
      %parallel_loop3A_77 = arith.constant 1 : i32
      scf.for %parallel_loop3A_100 = %parallel_loop3A_75 to %parallel_loop3A_76 step %parallel_loop3A_77  : i32 {
        %parallel_loop3A_101 = arith.index_cast %parallel_loop3A_100 : i32 to index
        %parallel_loop3A_102 = arith.constant 64 : index
        %parallel_loop3A_103 = tpu.vector_load %arg9[%parallel_loop3A_101, %parallel_loop3A_102] {strides = array<i32>} : memref<128x80xf32, #tpu.memory_space<vmem>>, vector<1x16xf32>,
        %parallel_loop3A_104 = vector.shape_cast %parallel_loop3A_103 : vector<1x16xf32> to vector<16xf32>
        %parallel_loop3A_105 = arith.index_cast %parallel_loop3A_100 : i32 to index
        %parallel_loop3A_106 = arith.constant 0 : index
        %parallel_loop3A_107 = tpu.vector_load %arg11[%parallel_loop3A_105, %parallel_loop3A_106] {strides = array<i32>} : memref<128x16xf32, #tpu.memory_space<vmem>>, vector<1x16xf32>,
        %parallel_loop3A_108 = vector.shape_cast %parallel_loop3A_107 : vector<1x16xf32> to vector<16xf32>
        %parallel_loop3A_109 = arith.addf %parallel_loop3A_104, %parallel_loop3A_108 : vector<16xf32>
        %parallel_loop3A_110 = arith.constant 0.000000e+00 : f32
        %parallel_loop3A_111 = vector.broadcast %parallel_loop3A_110 : f32 to vector<16xf32>
        %parallel_loop3A_112 = arith.cmpf oge, %parallel_loop3A_109, %parallel_loop3A_111 : vector<16xf32>
        %parallel_loop3A_113 = arith.constant 2.000000e-01 : f32
        %parallel_loop3A_114 = vector.broadcast %parallel_loop3A_113 : f32 to vector<16xf32>
        %parallel_loop3A_115 = arith.mulf %parallel_loop3A_114, %parallel_loop3A_109 : vector<16xf32>
        %parallel_loop3A_116 = arith.select %parallel_loop3A_112, %parallel_loop3A_109, %parallel_loop3A_115 : vector<16xi1>, vector<16xf32>
        %parallel_loop3A_117 = math.exp %parallel_loop3A_116 : vector<16xf32>
        %parallel_loop3A_118 = arith.index_cast %parallel_loop3A_100 : i32 to index
        %parallel_loop3A_119 = arith.constant 64 : index
        %parallel_loop3A_120 = tpu.vector_load %arg9[%parallel_loop3A_118, %parallel_loop3A_119] {strides = array<i32>} : memref<128x80xf32, #tpu.memory_space<vmem>>, vector<1x16xf32>,
        %parallel_loop3A_121 = vector.shape_cast %parallel_loop3A_120 : vector<1x16xf32> to vector<16xf32>
        %parallel_loop3A_122 = vector.shape_cast %parallel_loop3A_117 : vector<16xf32> to vector<1x16xf32>
        tpu.vector_store %arg9[%parallel_loop3A_118, %parallel_loop3A_119], %parallel_loop3A_122 {strides = array<i32>} : memref<128x80xf32, #tpu.memory_space<vmem>>, vector<1x16xf32>,
        %parallel_loop3A_123 = vector.extract_strided_slice %parallel_loop3A_117 {offsets = [0], sizes = [1], strides = [1]} : vector<16xf32> to vector<1xf32>
        %parallel_loop3A_124 = vector.extract %parallel_loop3A_123[0] : f32 from vector<1xf32>
        %parallel_loop3A_125 = arith.index_cast %parallel_loop3A_100 : i32 to index
        %parallel_loop3A_126 = arith.constant 0 : index
        %parallel_loop3A_127 = tpu.vector_load %arg9[%parallel_loop3A_125, %parallel_loop3A_126] {strides = array<i32>} : memref<128x80xf32, #tpu.memory_space<vmem>>, vector<1x16xf32>,
        %parallel_loop3A_128 = vector.shape_cast %parallel_loop3A_127 : vector<1x16xf32> to vector<16xf32>
        %parallel_loop3A_129 = vector.broadcast %parallel_loop3A_124 : f32 to vector<16xf32>
        %parallel_loop3A_130 = arith.mulf %parallel_loop3A_128, %parallel_loop3A_129 : vector<16xf32>
        %parallel_loop3A_131 = arith.index_cast %parallel_loop3A_100 : i32 to index
        %parallel_loop3A_132 = arith.constant 0 : index
        %parallel_loop3A_133 = tpu.vector_load %arg9[%parallel_loop3A_131, %parallel_loop3A_132] {strides = array<i32>} : memref<128x80xf32, #tpu.memory_space<vmem>>, vector<1x16xf32>,
        %parallel_loop3A_134 = vector.shape_cast %parallel_loop3A_133 : vector<1x16xf32> to vector<16xf32>
        %parallel_loop3A_135 = vector.shape_cast %parallel_loop3A_130 : vector<16xf32> to vector<1x16xf32>
        tpu.vector_store %arg9[%parallel_loop3A_131, %parallel_loop3A_132], %parallel_loop3A_135 {strides = array<i32>} : memref<128x80xf32, #tpu.memory_space<vmem>>, vector<1x16xf32>,
        %parallel_loop3A_136 = vector.extract_strided_slice %parallel_loop3A_117 {offsets = [1], sizes = [1], strides = [1]} : vector<16xf32> to vector<1xf32>
        %parallel_loop3A_137 = vector.extract %parallel_loop3A_136[0] : f32 from vector<1xf32>
        %parallel_loop3A_138 = arith.index_cast %parallel_loop3A_100 : i32 to index
        %parallel_loop3A_139 = arith.constant 16 : index
        %parallel_loop3A_140 = tpu.vector_load %arg9[%parallel_loop3A_138, %parallel_loop3A_139] {strides = array<i32>} : memref<128x80xf32, #tpu.memory_space<vmem>>, vector<1x16xf32>,
        %parallel_loop3A_141 = vector.shape_cast %parallel_loop3A_140 : vector<1x16xf32> to vector<16xf32>
        %parallel_loop3A_142 = vector.broadcast %parallel_loop3A_137 : f32 to vector<16xf32>
        %parallel_loop3A_143 = arith.mulf %parallel_loop3A_141, %parallel_loop3A_142 : vector<16xf32>
        %parallel_loop3A_144 = arith.index_cast %parallel_loop3A_100 : i32 to index
        %parallel_loop3A_145 = arith.constant 16 : index
        %parallel_loop3A_146 = tpu.vector_load %arg9[%parallel_loop3A_144, %parallel_loop3A_145] {strides = array<i32>} : memref<128x80xf32, #tpu.memory_space<vmem>>, vector<1x16xf32>,
        %parallel_loop3A_147 = vector.shape_cast %parallel_loop3A_146 : vector<1x16xf32> to vector<16xf32>
        %parallel_loop3A_148 = vector.shape_cast %parallel_loop3A_143 : vector<16xf32> to vector<1x16xf32>
        tpu.vector_store %arg9[%parallel_loop3A_144, %parallel_loop3A_145], %parallel_loop3A_148 {strides = array<i32>} : memref<128x80xf32, #tpu.memory_space<vmem>>, vector<1x16xf32>,
        %parallel_loop3A_149 = vector.extract_strided_slice %parallel_loop3A_117 {offsets = [2], sizes = [1], strides = [1]} : vector<16xf32> to vector<1xf32>
        %parallel_loop3A_150 = vector.extract %parallel_loop3A_149[0] : f32 from vector<1xf32>
        %parallel_loop3A_151 = arith.index_cast %parallel_loop3A_100 : i32 to index
        %parallel_loop3A_152 = arith.constant 32 : index
        %parallel_loop3A_153 = tpu.vector_load %arg9[%parallel_loop3A_151, %parallel_loop3A_152] {strides = array<i32>} : memref<128x80xf32, #tpu.memory_space<vmem>>, vector<1x16xf32>,
        %parallel_loop3A_154 = vector.shape_cast %parallel_loop3A_153 : vector<1x16xf32> to vector<16xf32>
        %parallel_loop3A_155 = vector.broadcast %parallel_loop3A_150 : f32 to vector<16xf32>
        %parallel_loop3A_156 = arith.mulf %parallel_loop3A_154, %parallel_loop3A_155 : vector<16xf32>
        %parallel_loop3A_157 = arith.index_cast %parallel_loop3A_100 : i32 to index
        %parallel_loop3A_158 = arith.constant 32 : index
        %parallel_loop3A_159 = tpu.vector_load %arg9[%parallel_loop3A_157, %parallel_loop3A_158] {strides = array<i32>} : memref<128x80xf32, #tpu.memory_space<vmem>>, vector<1x16xf32>,
        %parallel_loop3A_160 = vector.shape_cast %parallel_loop3A_159 : vector<1x16xf32> to vector<16xf32>
        %parallel_loop3A_161 = vector.shape_cast %parallel_loop3A_156 : vector<16xf32> to vector<1x16xf32>
        tpu.vector_store %arg9[%parallel_loop3A_157, %parallel_loop3A_158], %parallel_loop3A_161 {strides = array<i32>} : memref<128x80xf32, #tpu.memory_space<vmem>>, vector<1x16xf32>,
        %parallel_loop3A_162 = vector.extract_strided_slice %parallel_loop3A_117 {offsets = [3], sizes = [1], strides = [1]} : vector<16xf32> to vector<1xf32>
        %parallel_loop3A_163 = vector.extract %parallel_loop3A_162[0] : f32 from vector<1xf32>
        %parallel_loop3A_164 = arith.index_cast %parallel_loop3A_100 : i32 to index
        %parallel_loop3A_165 = arith.constant 48 : index
        %parallel_loop3A_166 = tpu.vector_load %arg9[%parallel_loop3A_164, %parallel_loop3A_165] {strides = array<i32>} : memref<128x80xf32, #tpu.memory_space<vmem>>, vector<1x16xf32>,
        %parallel_loop3A_167 = vector.shape_cast %parallel_loop3A_166 : vector<1x16xf32> to vector<16xf32>
        %parallel_loop3A_168 = vector.broadcast %parallel_loop3A_163 : f32 to vector<16xf32>
        %parallel_loop3A_169 = arith.mulf %parallel_loop3A_167, %parallel_loop3A_168 : vector<16xf32>
        %parallel_loop3A_170 = arith.index_cast %parallel_loop3A_100 : i32 to index
        %parallel_loop3A_171 = arith.constant 48 : index
        %parallel_loop3A_172 = tpu.vector_load %arg9[%parallel_loop3A_170, %parallel_loop3A_171] {strides = array<i32>} : memref<128x80xf32, #tpu.memory_space<vmem>>, vector<1x16xf32>,
        %parallel_loop3A_173 = vector.shape_cast %parallel_loop3A_172 : vector<1x16xf32> to vector<16xf32>
        %parallel_loop3A_174 = vector.shape_cast %parallel_loop3A_169 : vector<16xf32> to vector<1x16xf32>
        tpu.vector_store %arg9[%parallel_loop3A_170, %parallel_loop3A_171], %parallel_loop3A_174 {strides = array<i32>} : memref<128x80xf32, #tpu.memory_space<vmem>>, vector<1x16xf32>,
      } {sc.loop_unroll_factor = 8 : i64, sc.parallel_access}
      "tpu.region"() ({
        %run_scoped3A = tpu.sem_alloc : memref<!tpu.dma_semaphore, #tpu.memory_space<semaphore_mem>>
        %dma_start3A_100 = arith.constant 0 : i32
        %dma_start3A_101 = tpu.memref_slice %arg8[%mul3A_49, %dma_start3A_100] : memref<80x128xi32, #tpu.memory_space<vmem>> -> memref<1x128xi32, #tpu.memory_space<vmem>>
        %dma_start3A_102 = tpu.memref_squeeze %dma_start3A_101 : memref<1x128xi32, #tpu.memory_space<vmem>> -> memref<128xi32, #tpu.memory_space<vmem>>
        %dma_start3A_103 = arith.constant 0 : i32
        %dma_start3A_104 = arith.constant 0 : i32
        %dma_start3A_105 = tpu.memref_slice %arg13[%dma_start3A_103, %dma_start3A_104] : memref<10240x80xf32, #tpu.memory_space<vmem_shared>> -> memref<10240x80xf32, #tpu.memory_space<vmem_shared>>
        tpu.enqueue_indirect_dma source(%arg9 : memref<128x80xf32, #tpu.memory_space<vmem>>) target(%dma_start3A_105 : memref<10240x80xf32, #tpu.memory_space<vmem_shared>>) offsets(%dma_start3A_102 : memref<128xi32, #tpu.memory_space<vmem>>) semaphore(%run_scoped3A : memref<!tpu.dma_semaphore, #tpu.memory_space<semaphore_mem>>) {add = true}
        %dma_wait3A_106 = arith.constant 0 : i32
        %dma_wait3A_107 = tpu.memref_slice %arg8[%mul3A_49, %dma_wait3A_106] : memref<80x128xi32, #tpu.memory_space<vmem>> -> memref<1x128xi32, #tpu.memory_space<vmem>>
        %dma_wait3A_108 = tpu.memref_squeeze %dma_wait3A_107 : memref<1x128xi32, #tpu.memory_space<vmem>> -> memref<128xi32, #tpu.memory_space<vmem>>
        %dma_wait3A_109 = arith.constant 0 : i32
        %dma_wait3A_110 = arith.constant 0 : i32
        %dma_wait3A_111 = tpu.memref_slice %arg13[%dma_wait3A_109, %dma_wait3A_110] : memref<10240x80xf32, #tpu.memory_space<vmem_shared>> -> memref<10240x80xf32, #tpu.memory_space<vmem_shared>>
        tpu.wait_indirect_dma semaphore(%run_scoped3A : memref<!tpu.dma_semaphore, #tpu.memory_space<semaphore_mem>>) src(%arg9 : memref<128x80xf32, #tpu.memory_space<vmem>>) dst(%dma_wait3A_111 : memref<10240x80xf32, #tpu.memory_space<vmem_shared>>)
        tpu.yield
      }) : () -> ()
      %add3A_78 = arith.constant 1 : i32
      %add3A_79 = arith.addi %scan3A_46, %add3A_78 : i32
      %lt3A = arith.constant 40 : i32
      %lt3A_80 = arith.cmpi slt, %add3A_79, %lt3A : i32
      %convert_element_type3A = arith.extui %lt3A_80 : i1 to i32
      %cond3A = arith.constant 0 : i32
      %cond3A_81 = arith.cmpi ne, %convert_element_type3A, %cond3A : i32
      scf.if %cond3A_81 {
        %add3A_100 = arith.constant 2 : i32
        %add3A_101 = arith.addi %mul3A_49, %add3A_100 : i32
        %dma_start3A_102 = arith.constant 0 : i32
        %dma_start3A_103 = tpu.memref_slice %arg7[%add3A_101, %dma_start3A_102] : memref<80x128xi32, #tpu.memory_space<vmem>> -> memref<1x128xi32, #tpu.memory_space<vmem>>
        %dma_start3A_104 = tpu.memref_squeeze %dma_start3A_103 : memref<1x128xi32, #tpu.memory_space<vmem>> -> memref<128xi32, #tpu.memory_space<vmem>>
        %dma_start3A_105 = arith.constant 0 : i32
        %dma_start3A_106 = arith.constant 0 : i32
        %dma_start3A_107 = tpu.memref_slice %arg2[%dma_start3A_105, %dma_start3A_106] : memref<10240x80xf32, #tpu.memory_space<hbm>> -> memref<10240x80xf32, #tpu.memory_space<hbm>>
        tpu.enqueue_indirect_dma source(%dma_start3A_107 : memref<10240x80xf32, #tpu.memory_space<hbm>>) target(%arg9 : memref<128x80xf32, #tpu.memory_space<vmem>>) offsets(%dma_start3A_104 : memref<128xi32, #tpu.memory_space<vmem>>) semaphore(%arg14 : memref<!tpu.dma_semaphore, #tpu.memory_space<semaphore_mem>>)
        %dma_start3A_108 = arith.constant 0 : i32
        %dma_start3A_109 = tpu.memref_slice %arg8[%add3A_101, %dma_start3A_108] : memref<80x128xi32, #tpu.memory_space<vmem>> -> memref<1x128xi32, #tpu.memory_space<vmem>>
        %dma_start3A_110 = tpu.memref_squeeze %dma_start3A_109 : memref<1x128xi32, #tpu.memory_space<vmem>> -> memref<128xi32, #tpu.memory_space<vmem>>
        %dma_start3A_111 = arith.constant 0 : i32
        %dma_start3A_112 = arith.constant 0 : i32
        %dma_start3A_113 = tpu.memref_slice %arg3[%dma_start3A_111, %dma_start3A_112] : memref<10240x16xf32, #tpu.memory_space<hbm>> -> memref<10240x16xf32, #tpu.memory_space<hbm>>
        tpu.enqueue_indirect_dma source(%dma_start3A_113 : memref<10240x16xf32, #tpu.memory_space<hbm>>) target(%arg11 : memref<128x16xf32, #tpu.memory_space<vmem>>) offsets(%dma_start3A_110 : memref<128xi32, #tpu.memory_space<vmem>>) semaphore(%arg16 : memref<!tpu.dma_semaphore, #tpu.memory_space<semaphore_mem>>)
      } else {
      }
      %add3A_82 = arith.constant 1 : i32
      %add3A_83 = arith.addi %mul3A_49, %add3A_82 : i32
      %dma_wait3A_84 = arith.constant 0 : i32
      %dma_wait3A_85 = tpu.memref_slice %arg7[%add3A_83, %dma_wait3A_84] : memref<80x128xi32, #tpu.memory_space<vmem>> -> memref<1x128xi32, #tpu.memory_space<vmem>>
      %dma_wait3A_86 = tpu.memref_squeeze %dma_wait3A_85 : memref<1x128xi32, #tpu.memory_space<vmem>> -> memref<128xi32, #tpu.memory_space<vmem>>
      %dma_wait3A_87 = arith.constant 0 : i32
      %dma_wait3A_88 = arith.constant 0 : i32
      %dma_wait3A_89 = tpu.memref_slice %arg2[%dma_wait3A_87, %dma_wait3A_88] : memref<10240x80xf32, #tpu.memory_space<hbm>> -> memref<10240x80xf32, #tpu.memory_space<hbm>>
      tpu.wait_indirect_dma semaphore(%arg15 : memref<!tpu.dma_semaphore, #tpu.memory_space<semaphore_mem>>) src(%dma_wait3A_89 : memref<10240x80xf32, #tpu.memory_space<hbm>>) dst(%arg10 : memref<128x80xf32, #tpu.memory_space<vmem>>)
      %dma_wait3A_90 = arith.constant 0 : i32
      %dma_wait3A_91 = tpu.memref_slice %arg8[%add3A_83, %dma_wait3A_90] : memref<80x128xi32, #tpu.memory_space<vmem>> -> memref<1x128xi32, #tpu.memory_space<vmem>>
      %dma_wait3A_92 = tpu.memref_squeeze %dma_wait3A_91 : memref<1x128xi32, #tpu.memory_space<vmem>> -> memref<128xi32, #tpu.memory_space<vmem>>
      %dma_wait3A_93 = arith.constant 0 : i32
      %dma_wait3A_94 = arith.constant 0 : i32
      %dma_wait3A_95 = tpu.memref_slice %arg3[%dma_wait3A_93, %dma_wait3A_94] : memref<10240x16xf32, #tpu.memory_space<hbm>> -> memref<10240x16xf32, #tpu.memory_space<hbm>>
      tpu.wait_indirect_dma semaphore(%arg17 : memref<!tpu.dma_semaphore, #tpu.memory_space<semaphore_mem>>) src(%dma_wait3A_95 : memref<10240x16xf32, #tpu.memory_space<hbm>>) dst(%arg12 : memref<128x16xf32, #tpu.memory_space<vmem>>)
      %parallel_loop3A_96 = arith.constant 0 : i32
      %parallel_loop3A_97 = arith.constant 128 : i32
      %parallel_loop3A_98 = arith.constant 1 : i32
      scf.for %parallel_loop3A_100 = %parallel_loop3A_96 to %parallel_loop3A_97 step %parallel_loop3A_98  : i32 {
        %parallel_loop3A_101 = arith.index_cast %parallel_loop3A_100 : i32 to index
        %parallel_loop3A_102 = arith.constant 64 : index
        %parallel_loop3A_103 = tpu.vector_load %arg10[%parallel_loop3A_101, %parallel_loop3A_102] {strides = array<i32>} : memref<128x80xf32, #tpu.memory_space<vmem>>, vector<1x16xf32>,
        %parallel_loop3A_104 = vector.shape_cast %parallel_loop3A_103 : vector<1x16xf32> to vector<16xf32>
        %parallel_loop3A_105 = arith.index_cast %parallel_loop3A_100 : i32 to index
        %parallel_loop3A_106 = arith.constant 0 : index
        %parallel_loop3A_107 = tpu.vector_load %arg12[%parallel_loop3A_105, %parallel_loop3A_106] {strides = array<i32>} : memref<128x16xf32, #tpu.memory_space<vmem>>, vector<1x16xf32>,
        %parallel_loop3A_108 = vector.shape_cast %parallel_loop3A_107 : vector<1x16xf32> to vector<16xf32>
        %parallel_loop3A_109 = arith.addf %parallel_loop3A_104, %parallel_loop3A_108 : vector<16xf32>
        %parallel_loop3A_110 = arith.constant 0.000000e+00 : f32
        %parallel_loop3A_111 = vector.broadcast %parallel_loop3A_110 : f32 to vector<16xf32>
        %parallel_loop3A_112 = arith.cmpf oge, %parallel_loop3A_109, %parallel_loop3A_111 : vector<16xf32>
        %parallel_loop3A_113 = arith.constant 2.000000e-01 : f32
        %parallel_loop3A_114 = vector.broadcast %parallel_loop3A_113 : f32 to vector<16xf32>
        %parallel_loop3A_115 = arith.mulf %parallel_loop3A_114, %parallel_loop3A_109 : vector<16xf32>
        %parallel_loop3A_116 = arith.select %parallel_loop3A_112, %parallel_loop3A_109, %parallel_loop3A_115 : vector<16xi1>, vector<16xf32>
        %parallel_loop3A_117 = math.exp %parallel_loop3A_116 : vector<16xf32>
        %parallel_loop3A_118 = arith.index_cast %parallel_loop3A_100 : i32 to index
        %parallel_loop3A_119 = arith.constant 64 : index
        %parallel_loop3A_120 = tpu.vector_load %arg10[%parallel_loop3A_118, %parallel_loop3A_119] {strides = array<i32>} : memref<128x80xf32, #tpu.memory_space<vmem>>, vector<1x16xf32>,
        %parallel_loop3A_121 = vector.shape_cast %parallel_loop3A_120 : vector<1x16xf32> to vector<16xf32>
        %parallel_loop3A_122 = vector.shape_cast %parallel_loop3A_117 : vector<16xf32> to vector<1x16xf32>
        tpu.vector_store %arg10[%parallel_loop3A_118, %parallel_loop3A_119], %parallel_loop3A_122 {strides = array<i32>} : memref<128x80xf32, #tpu.memory_space<vmem>>, vector<1x16xf32>,
        %parallel_loop3A_123 = vector.extract_strided_slice %parallel_loop3A_117 {offsets = [0], sizes = [1], strides = [1]} : vector<16xf32> to vector<1xf32>
        %parallel_loop3A_124 = vector.extract %parallel_loop3A_123[0] : f32 from vector<1xf32>
        %parallel_loop3A_125 = arith.index_cast %parallel_loop3A_100 : i32 to index
        %parallel_loop3A_126 = arith.constant 0 : index
        %parallel_loop3A_127 = tpu.vector_load %arg10[%parallel_loop3A_125, %parallel_loop3A_126] {strides = array<i32>} : memref<128x80xf32, #tpu.memory_space<vmem>>, vector<1x16xf32>,
        %parallel_loop3A_128 = vector.shape_cast %parallel_loop3A_127 : vector<1x16xf32> to vector<16xf32>
        %parallel_loop3A_129 = vector.broadcast %parallel_loop3A_124 : f32 to vector<16xf32>
        %parallel_loop3A_130 = arith.mulf %parallel_loop3A_128, %parallel_loop3A_129 : vector<16xf32>
        %parallel_loop3A_131 = arith.index_cast %parallel_loop3A_100 : i32 to index
        %parallel_loop3A_132 = arith.constant 0 : index
        %parallel_loop3A_133 = tpu.vector_load %arg10[%parallel_loop3A_131, %parallel_loop3A_132] {strides = array<i32>} : memref<128x80xf32, #tpu.memory_space<vmem>>, vector<1x16xf32>,
        %parallel_loop3A_134 = vector.shape_cast %parallel_loop3A_133 : vector<1x16xf32> to vector<16xf32>
        %parallel_loop3A_135 = vector.shape_cast %parallel_loop3A_130 : vector<16xf32> to vector<1x16xf32>
        tpu.vector_store %arg10[%parallel_loop3A_131, %parallel_loop3A_132], %parallel_loop3A_135 {strides = array<i32>} : memref<128x80xf32, #tpu.memory_space<vmem>>, vector<1x16xf32>,
        %parallel_loop3A_136 = vector.extract_strided_slice %parallel_loop3A_117 {offsets = [1], sizes = [1], strides = [1]} : vector<16xf32> to vector<1xf32>
        %parallel_loop3A_137 = vector.extract %parallel_loop3A_136[0] : f32 from vector<1xf32>
        %parallel_loop3A_138 = arith.index_cast %parallel_loop3A_100 : i32 to index
        %parallel_loop3A_139 = arith.constant 16 : index
        %parallel_loop3A_140 = tpu.vector_load %arg10[%parallel_loop3A_138, %parallel_loop3A_139] {strides = array<i32>} : memref<128x80xf32, #tpu.memory_space<vmem>>, vector<1x16xf32>,
        %parallel_loop3A_141 = vector.shape_cast %parallel_loop3A_140 : vector<1x16xf32> to vector<16xf32>
        %parallel_loop3A_142 = vector.broadcast %parallel_loop3A_137 : f32 to vector<16xf32>
        %parallel_loop3A_143 = arith.mulf %parallel_loop3A_141, %parallel_loop3A_142 : vector<16xf32>
        %parallel_loop3A_144 = arith.index_cast %parallel_loop3A_100 : i32 to index
        %parallel_loop3A_145 = arith.constant 16 : index
        %parallel_loop3A_146 = tpu.vector_load %arg10[%parallel_loop3A_144, %parallel_loop3A_145] {strides = array<i32>} : memref<128x80xf32, #tpu.memory_space<vmem>>, vector<1x16xf32>,
        %parallel_loop3A_147 = vector.shape_cast %parallel_loop3A_146 : vector<1x16xf32> to vector<16xf32>
        %parallel_loop3A_148 = vector.shape_cast %parallel_loop3A_143 : vector<16xf32> to vector<1x16xf32>
        tpu.vector_store %arg10[%parallel_loop3A_144, %parallel_loop3A_145], %parallel_loop3A_148 {strides = array<i32>} : memref<128x80xf32, #tpu.memory_space<vmem>>, vector<1x16xf32>,
        %parallel_loop3A_149 = vector.extract_strided_slice %parallel_loop3A_117 {offsets = [2], sizes = [1], strides = [1]} : vector<16xf32> to vector<1xf32>
        %parallel_loop3A_150 = vector.extract %parallel_loop3A_149[0] : f32 from vector<1xf32>
        %parallel_loop3A_151 = arith.index_cast %parallel_loop3A_100 : i32 to index
        %parallel_loop3A_152 = arith.constant 32 : index
        %parallel_loop3A_153 = tpu.vector_load %arg10[%parallel_loop3A_151, %parallel_loop3A_152] {strides = array<i32>} : memref<128x80xf32, #tpu.memory_space<vmem>>, vector<1x16xf32>,
        %parallel_loop3A_154 = vector.shape_cast %parallel_loop3A_153 : vector<1x16xf32> to vector<16xf32>
        %parallel_loop3A_155 = vector.broadcast %parallel_loop3A_150 : f32 to vector<16xf32>
        %parallel_loop3A_156 = arith.mulf %parallel_loop3A_154, %parallel_loop3A_155 : vector<16xf32>
        %parallel_loop3A_157 = arith.index_cast %parallel_loop3A_100 : i32 to index
        %parallel_loop3A_158 = arith.constant 32 : index
        %parallel_loop3A_159 = tpu.vector_load %arg10[%parallel_loop3A_157, %parallel_loop3A_158] {strides = array<i32>} : memref<128x80xf32, #tpu.memory_space<vmem>>, vector<1x16xf32>,
        %parallel_loop3A_160 = vector.shape_cast %parallel_loop3A_159 : vector<1x16xf32> to vector<16xf32>
        %parallel_loop3A_161 = vector.shape_cast %parallel_loop3A_156 : vector<16xf32> to vector<1x16xf32>
        tpu.vector_store %arg10[%parallel_loop3A_157, %parallel_loop3A_158], %parallel_loop3A_161 {strides = array<i32>} : memref<128x80xf32, #tpu.memory_space<vmem>>, vector<1x16xf32>,
        %parallel_loop3A_162 = vector.extract_strided_slice %parallel_loop3A_117 {offsets = [3], sizes = [1], strides = [1]} : vector<16xf32> to vector<1xf32>
        %parallel_loop3A_163 = vector.extract %parallel_loop3A_162[0] : f32 from vector<1xf32>
        %parallel_loop3A_164 = arith.index_cast %parallel_loop3A_100 : i32 to index
        %parallel_loop3A_165 = arith.constant 48 : index
        %parallel_loop3A_166 = tpu.vector_load %arg10[%parallel_loop3A_164, %parallel_loop3A_165] {strides = array<i32>} : memref<128x80xf32, #tpu.memory_space<vmem>>, vector<1x16xf32>,
        %parallel_loop3A_167 = vector.shape_cast %parallel_loop3A_166 : vector<1x16xf32> to vector<16xf32>
        %parallel_loop3A_168 = vector.broadcast %parallel_loop3A_163 : f32 to vector<16xf32>
        %parallel_loop3A_169 = arith.mulf %parallel_loop3A_167, %parallel_loop3A_168 : vector<16xf32>
        %parallel_loop3A_170 = arith.index_cast %parallel_loop3A_100 : i32 to index
        %parallel_loop3A_171 = arith.constant 48 : index
        %parallel_loop3A_172 = tpu.vector_load %arg10[%parallel_loop3A_170, %parallel_loop3A_171] {strides = array<i32>} : memref<128x80xf32, #tpu.memory_space<vmem>>, vector<1x16xf32>,
        %parallel_loop3A_173 = vector.shape_cast %parallel_loop3A_172 : vector<1x16xf32> to vector<16xf32>
        %parallel_loop3A_174 = vector.shape_cast %parallel_loop3A_169 : vector<16xf32> to vector<1x16xf32>
        tpu.vector_store %arg10[%parallel_loop3A_170, %parallel_loop3A_171], %parallel_loop3A_174 {strides = array<i32>} : memref<128x80xf32, #tpu.memory_space<vmem>>, vector<1x16xf32>,
      } {sc.loop_unroll_factor = 8 : i64, sc.parallel_access}
      "tpu.region"() ({
        %run_scoped3A = tpu.sem_alloc : memref<!tpu.dma_semaphore, #tpu.memory_space<semaphore_mem>>
        %dma_start3A_100 = arith.constant 0 : i32
        %dma_start3A_101 = tpu.memref_slice %arg8[%add3A_83, %dma_start3A_100] : memref<80x128xi32, #tpu.memory_space<vmem>> -> memref<1x128xi32, #tpu.memory_space<vmem>>
        %dma_start3A_102 = tpu.memref_squeeze %dma_start3A_101 : memref<1x128xi32, #tpu.memory_space<vmem>> -> memref<128xi32, #tpu.memory_space<vmem>>
        %dma_start3A_103 = arith.constant 0 : i32
        %dma_start3A_104 = arith.constant 0 : i32
        %dma_start3A_105 = tpu.memref_slice %arg13[%dma_start3A_103, %dma_start3A_104] : memref<10240x80xf32, #tpu.memory_space<vmem_shared>> -> memref<10240x80xf32, #tpu.memory_space<vmem_shared>>
        tpu.enqueue_indirect_dma source(%arg10 : memref<128x80xf32, #tpu.memory_space<vmem>>) target(%dma_start3A_105 : memref<10240x80xf32, #tpu.memory_space<vmem_shared>>) offsets(%dma_start3A_102 : memref<128xi32, #tpu.memory_space<vmem>>) semaphore(%run_scoped3A : memref<!tpu.dma_semaphore, #tpu.memory_space<semaphore_mem>>) {add = true}
        %dma_wait3A_106 = arith.constant 0 : i32
        %dma_wait3A_107 = tpu.memref_slice %arg8[%add3A_83, %dma_wait3A_106] : memref<80x128xi32, #tpu.memory_space<vmem>> -> memref<1x128xi32, #tpu.memory_space<vmem>>
        %dma_wait3A_108 = tpu.memref_squeeze %dma_wait3A_107 : memref<1x128xi32, #tpu.memory_space<vmem>> -> memref<128xi32, #tpu.memory_space<vmem>>
        %dma_wait3A_109 = arith.constant 0 : i32
        %dma_wait3A_110 = arith.constant 0 : i32
        %dma_wait3A_111 = tpu.memref_slice %arg13[%dma_wait3A_109, %dma_wait3A_110] : memref<10240x80xf32, #tpu.memory_space<vmem_shared>> -> memref<10240x80xf32, #tpu.memory_space<vmem_shared>>
        tpu.wait_indirect_dma semaphore(%run_scoped3A : memref<!tpu.dma_semaphore, #tpu.memory_space<semaphore_mem>>) src(%arg10 : memref<128x80xf32, #tpu.memory_space<vmem>>) dst(%dma_wait3A_111 : memref<10240x80xf32, #tpu.memory_space<vmem_shared>>)
        tpu.yield
      }) : () -> ()
      %scan3A_99 = arith.constant 0 : i32
      scf.yield %scan3A_99 : i32
    }
    %scan3A_42 = arith.constant 40 : i32
    %barrier3A_43 = arith.constant 0 : index
    tpu.barrier barrier_id(%barrier3A_43)
    %mul3A_44 = arith.constant 640 : i32
    %mul3A_45 = arith.muli %arg1, %mul3A_44 : i32
    "tpu.region"() ({
      %run_scoped3A = tpu.sem_alloc : memref<!tpu.dma_semaphore, #tpu.memory_space<semaphore_mem>>
      %dma_start3A_46 = arith.constant 0 : i32
      %dma_start3A_47 = tpu.memref_slice %arg6[%arg0, %mul3A_45, %dma_start3A_46] : memref<2x10240x80xf32, #tpu.memory_space<hbm>> -> memref<1x640x80xf32, #tpu.memory_space<hbm>>
      %dma_start3A_48 = tpu.memref_squeeze %dma_start3A_47 : memref<1x640x80xf32, #tpu.memory_space<hbm>> -> memref<640x80xf32, #tpu.memory_space<hbm>>
      %dma_start3A_49 = arith.constant 0 : i32
      %dma_start3A_50 = tpu.memref_slice %arg13[%mul3A_45, %dma_start3A_49] : memref<10240x80xf32, #tpu.memory_space<vmem_shared>> -> memref<640x80xf32, #tpu.memory_space<vmem_shared>>
      tpu.enqueue_dma source(%dma_start3A_50 : memref<640x80xf32, #tpu.memory_space<vmem_shared>>) target(%dma_start3A_48 : memref<640x80xf32, #tpu.memory_space<hbm>>) target_semaphore(%run_scoped3A : memref<!tpu.dma_semaphore, #tpu.memory_space<semaphore_mem>>)
      %dma_wait3A = arith.constant 0 : i32
      %dma_wait3A_51 = tpu.memref_slice %arg6[%arg0, %mul3A_45, %dma_wait3A] : memref<2x10240x80xf32, #tpu.memory_space<hbm>> -> memref<1x640x80xf32, #tpu.memory_space<hbm>>
      %dma_wait3A_52 = tpu.memref_squeeze %dma_wait3A_51 : memref<1x640x80xf32, #tpu.memory_space<hbm>> -> memref<640x80xf32, #tpu.memory_space<hbm>>
      %dma_wait3A_53 = arith.constant 0 : i32
      %dma_wait3A_54 = tpu.memref_slice %arg13[%mul3A_45, %dma_wait3A_53] : memref<10240x80xf32, #tpu.memory_space<vmem_shared>> -> memref<640x80xf32, #tpu.memory_space<vmem_shared>>
      tpu.wait_dma2 semaphore(%run_scoped3A : memref<!tpu.dma_semaphore, #tpu.memory_space<semaphore_mem>>) src(%dma_wait3A_54 : memref<640x80xf32, #tpu.memory_space<vmem_shared>>) dst(%dma_wait3A_52 : memref<640x80xf32, #tpu.memory_space<hbm>>)
      tpu.yield
    }) : () -> ()
    return
  }
}

#map = affine_map<(d0, d1) -> (0, 0)>
#map1 = affine_map<(d0, d1) -> (0, 0, 0)>
module attributes {stable_mosaic.version = 14 : i64} {
  func.func @k(%arg0: i32, %arg1: i32, %arg2: memref<10240x80xf32, #tpu.memory_space<hbm>>, %arg3: memref<10240x16xf32, #tpu.memory_space<hbm>>, %arg4: memref<32x80x128xi32, #tpu.memory_space<hbm>>, %arg5: memref<32x80x128xi32, #tpu.memory_space<hbm>>, %arg6: memref<2x10240x80xf32, #tpu.memory_space<hbm>>, %arg7: memref<80x128xi32, #tpu.memory_space<vmem>>, %arg8: memref<80x128xi32, #tpu.memory_space<vmem>>, %arg9: memref<128x80xf32, #tpu.memory_space<vmem>>, %arg10: memref<128x80xf32, #tpu.memory_space<vmem>>, %arg11: memref<128x16xf32, #tpu.memory_space<vmem>>, %arg12: memref<128x16xf32, #tpu.memory_space<vmem>>, %arg13: memref<10240x80xf32, #tpu.memory_space<vmem_shared>>, %arg14: memref<!tpu.dma_semaphore, #tpu.memory_space<semaphore_mem>>, %arg15: memref<!tpu.dma_semaphore, #tpu.memory_space<semaphore_mem>>, %arg16: memref<!tpu.dma_semaphore, #tpu.memory_space<semaphore_mem>>, %arg17: memref<!tpu.dma_semaphore, #tpu.memory_space<semaphore_mem>>) attributes {dimension_semantics = [#tpu.dimension_semantics<core_parallel>, #tpu.dimension_semantics<subcore_parallel>], iteration_bounds = array<i64: 2, 16>, scalar_prefetch = 0 : i64, scratch_operands = 11 : i64, tpu.core_type = #tpu.core_type<sc_vector_subcore>, window_params = [{transform_indices = #map}, {transform_indices = #map}, {transform_indices = #map1}, {transform_indices = #map1}, {transform_indices = #map1}]} {
    %mul3A = arith.constant 2 : i32
    %mul3A_0 = arith.muli %arg1, %mul3A : i32
    %add3A = arith.addi %mul3A_0, %arg0 : i32
    %broadcast_in_dim3A = arith.constant 0.000000e+00 : f32
    %broadcast_in_dim3A_1 = vector.broadcast %broadcast_in_dim3A : f32 to vector<16xf32>
    %parallel_loop3A = arith.constant 0 : i32
    %parallel_loop3A_2 = arith.constant 128 : i32
    %parallel_loop3A_3 = arith.constant 1 : i32
    scf.for %parallel_loop3A_46 = %parallel_loop3A to %parallel_loop3A_2 step %parallel_loop3A_3  : i32 {
      %parallel_loop3A_47 = arith.index_cast %parallel_loop3A_46 : i32 to index
      %parallel_loop3A_48 = arith.constant 0 : index
      %parallel_loop3A_49 = tpu.vector_load %arg9[%parallel_loop3A_47, %parallel_loop3A_48] {strides = array<i32>} : memref<128x80xf32, #tpu.memory_space<vmem>>, vector<1x16xf32>,
      %parallel_loop3A_50 = vector.shape_cast %parallel_loop3A_49 : vector<1x16xf32> to vector<16xf32>
      %parallel_loop3A_51 = vector.shape_cast %broadcast_in_dim3A_1 : vector<16xf32> to vector<1x16xf32>
      tpu.vector_store %arg9[%parallel_loop3A_47, %parallel_loop3A_48], %parallel_loop3A_51 {strides = array<i32>} : memref<128x80xf32, #tpu.memory_space<vmem>>, vector<1x16xf32>,
      %parallel_loop3A_52 = arith.index_cast %parallel_loop3A_46 : i32 to index
      %parallel_loop3A_53 = arith.constant 16 : index
      %parallel_loop3A_54 = tpu.vector_load %arg9[%parallel_loop3A_52, %parallel_loop3A_53] {strides = array<i32>} : memref<128x80xf32, #tpu.memory_space<vmem>>, vector<1x16xf32>,
      %parallel_loop3A_55 = vector.shape_cast %parallel_loop3A_54 : vector<1x16xf32> to vector<16xf32>
      %parallel_loop3A_56 = vector.shape_cast %broadcast_in_dim3A_1 : vector<16xf32> to vector<1x16xf32>
      tpu.vector_store %arg9[%parallel_loop3A_52, %parallel_loop3A_53], %parallel_loop3A_56 {strides = array<i32>} : memref<128x80xf32, #tpu.memory_space<vmem>>, vector<1x16xf32>,
      %parallel_loop3A_57 = arith.index_cast %parallel_loop3A_46 : i32 to index
      %parallel_loop3A_58 = arith.constant 32 : index
      %parallel_loop3A_59 = tpu.vector_load %arg9[%parallel_loop3A_57, %parallel_loop3A_58] {strides = array<i32>} : memref<128x80xf32, #tpu.memory_space<vmem>>, vector<1x16xf32>,
      %parallel_loop3A_60 = vector.shape_cast %parallel_loop3A_59 : vector<1x16xf32> to vector<16xf32>
      %parallel_loop3A_61 = vector.shape_cast %broadcast_in_dim3A_1 : vector<16xf32> to vector<1x16xf32>
      tpu.vector_store %arg9[%parallel_loop3A_57, %parallel_loop3A_58], %parallel_loop3A_61 {strides = array<i32>} : memref<128x80xf32, #tpu.memory_space<vmem>>, vector<1x16xf32>,
      %parallel_loop3A_62 = arith.index_cast %parallel_loop3A_46 : i32 to index
      %parallel_loop3A_63 = arith.constant 48 : index
      %parallel_loop3A_64 = tpu.vector_load %arg9[%parallel_loop3A_62, %parallel_loop3A_63] {strides = array<i32>} : memref<128x80xf32, #tpu.memory_space<vmem>>, vector<1x16xf32>,
      %parallel_loop3A_65 = vector.shape_cast %parallel_loop3A_64 : vector<1x16xf32> to vector<16xf32>
      %parallel_loop3A_66 = vector.shape_cast %broadcast_in_dim3A_1 : vector<16xf32> to vector<1x16xf32>
      tpu.vector_store %arg9[%parallel_loop3A_62, %parallel_loop3A_63], %parallel_loop3A_66 {strides = array<i32>} : memref<128x80xf32, #tpu.memory_space<vmem>>, vector<1x16xf32>,
      %parallel_loop3A_67 = arith.index_cast %parallel_loop3A_46 : i32 to index
      %parallel_loop3A_68 = arith.constant 64 : index
      %parallel_loop3A_69 = tpu.vector_load %arg9[%parallel_loop3A_67, %parallel_loop3A_68] {strides = array<i32>} : memref<128x80xf32, #tpu.memory_space<vmem>>, vector<1x16xf32>,
      %parallel_loop3A_70 = vector.shape_cast %parallel_loop3A_69 : vector<1x16xf32> to vector<16xf32>
      %parallel_loop3A_71 = vector.shape_cast %broadcast_in_dim3A_1 : vector<16xf32> to vector<1x16xf32>
      tpu.vector_store %arg9[%parallel_loop3A_67, %parallel_loop3A_68], %parallel_loop3A_71 {strides = array<i32>} : memref<128x80xf32, #tpu.memory_space<vmem>>, vector<1x16xf32>,
    } {sc.loop_unroll_factor = 1 : i64, sc.parallel_access}
    %mul3A_4 = arith.constant 640 : i32
    %mul3A_5 = arith.muli %arg1, %mul3A_4 : i32
    %add3A_6 = arith.constant 0 : i32
    %add3A_7 = arith.addi %mul3A_5, %add3A_6 : i32
    "tpu.region"() ({
      %run_scoped3A = tpu.sem_alloc : memref<!tpu.dma_semaphore, #tpu.memory_space<semaphore_mem>>
      %dma_start3A_46 = arith.constant 0 : i32
      %dma_start3A_47 = tpu.memref_slice %arg13[%add3A_7, %dma_start3A_46] : memref<10240x80xf32, #tpu.memory_space<vmem_shared>> -> memref<128x80xf32, #tpu.memory_space<vmem_shared>>
      %dma_start3A_48 = arith.constant 0 : i32
      %dma_start3A_49 = tpu.memref_slice %arg13[%add3A_7, %dma_start3A_48] : memref<10240x80xf32, #tpu.memory_space<vmem_shared>> -> memref<128x80xf32, #tpu.memory_space<vmem_shared>>
      tpu.enqueue_dma source(%arg9 : memref<128x80xf32, #tpu.memory_space<vmem>>) target(%dma_start3A_49 : memref<128x80xf32, #tpu.memory_space<vmem_shared>>) target_semaphore(%run_scoped3A : memref<!tpu.dma_semaphore, #tpu.memory_space<semaphore_mem>>)
      %dma_wait3A = arith.constant 0 : i32
      %dma_wait3A_50 = tpu.memref_slice %arg13[%add3A_7, %dma_wait3A] : memref<10240x80xf32, #tpu.memory_space<vmem_shared>> -> memref<128x80xf32, #tpu.memory_space<vmem_shared>>
      %dma_wait3A_51 = arith.constant 0 : i32
      %dma_wait3A_52 = tpu.memref_slice %arg13[%add3A_7, %dma_wait3A_51] : memref<10240x80xf32, #tpu.memory_space<vmem_shared>> -> memref<128x80xf32, #tpu.memory_space<vmem_shared>>
      tpu.wait_dma2 semaphore(%run_scoped3A : memref<!tpu.dma_semaphore, #tpu.memory_space<semaphore_mem>>) src(%arg9 : memref<128x80xf32, #tpu.memory_space<vmem>>) dst(%dma_wait3A_52 : memref<128x80xf32, #tpu.memory_space<vmem_shared>>)
      tpu.yield
    }) : () -> ()
    %mul3A_8 = arith.constant 640 : i32
    %mul3A_9 = arith.muli %arg1, %mul3A_8 : i32
    %add3A_10 = arith.constant 128 : i32
    %add3A_11 = arith.addi %mul3A_9, %add3A_10 : i32
    "tpu.region"() ({
      %run_scoped3A = tpu.sem_alloc : memref<!tpu.dma_semaphore, #tpu.memory_space<semaphore_mem>>
      %dma_start3A_46 = arith.constant 0 : i32
      %dma_start3A_47 = tpu.memref_slice %arg13[%add3A_11, %dma_start3A_46] : memref<10240x80xf32, #tpu.memory_space<vmem_shared>> -> memref<128x80xf32, #tpu.memory_space<vmem_shared>>
      %dma_start3A_48 = arith.constant 0 : i32
      %dma_start3A_49 = tpu.memref_slice %arg13[%add3A_11, %dma_start3A_48] : memref<10240x80xf32, #tpu.memory_space<vmem_shared>> -> memref<128x80xf32, #tpu.memory_space<vmem_shared>>
      tpu.enqueue_dma source(%arg9 : memref<128x80xf32, #tpu.memory_space<vmem>>) target(%dma_start3A_49 : memref<128x80xf32, #tpu.memory_space<vmem_shared>>) target_semaphore(%run_scoped3A : memref<!tpu.dma_semaphore, #tpu.memory_space<semaphore_mem>>)
      %dma_wait3A = arith.constant 0 : i32
      %dma_wait3A_50 = tpu.memref_slice %arg13[%add3A_11, %dma_wait3A] : memref<10240x80xf32, #tpu.memory_space<vmem_shared>> -> memref<128x80xf32, #tpu.memory_space<vmem_shared>>
      %dma_wait3A_51 = arith.constant 0 : i32
      %dma_wait3A_52 = tpu.memref_slice %arg13[%add3A_11, %dma_wait3A_51] : memref<10240x80xf32, #tpu.memory_space<vmem_shared>> -> memref<128x80xf32, #tpu.memory_space<vmem_shared>>
      tpu.wait_dma2 semaphore(%run_scoped3A : memref<!tpu.dma_semaphore, #tpu.memory_space<semaphore_mem>>) src(%arg9 : memref<128x80xf32, #tpu.memory_space<vmem>>) dst(%dma_wait3A_52 : memref<128x80xf32, #tpu.memory_space<vmem_shared>>)
      tpu.yield
    }) : () -> ()
    %mul3A_12 = arith.constant 640 : i32
    %mul3A_13 = arith.muli %arg1, %mul3A_12 : i32
    %add3A_14 = arith.constant 256 : i32
    %add3A_15 = arith.addi %mul3A_13, %add3A_14 : i32
    "tpu.region"() ({
      %run_scoped3A = tpu.sem_alloc : memref<!tpu.dma_semaphore, #tpu.memory_space<semaphore_mem>>
      %dma_start3A_46 = arith.constant 0 : i32
      %dma_start3A_47 = tpu.memref_slice %arg13[%add3A_15, %dma_start3A_46] : memref<10240x80xf32, #tpu.memory_space<vmem_shared>> -> memref<128x80xf32, #tpu.memory_space<vmem_shared>>
      %dma_start3A_48 = arith.constant 0 : i32
      %dma_start3A_49 = tpu.memref_slice %arg13[%add3A_15, %dma_start3A_48] : memref<10240x80xf32, #tpu.memory_space<vmem_shared>> -> memref<128x80xf32, #tpu.memory_space<vmem_shared>>
      tpu.enqueue_dma source(%arg9 : memref<128x80xf32, #tpu.memory_space<vmem>>) target(%dma_start3A_49 : memref<128x80xf32, #tpu.memory_space<vmem_shared>>) target_semaphore(%run_scoped3A : memref<!tpu.dma_semaphore, #tpu.memory_space<semaphore_mem>>)
      %dma_wait3A = arith.constant 0 : i32
      %dma_wait3A_50 = tpu.memref_slice %arg13[%add3A_15, %dma_wait3A] : memref<10240x80xf32, #tpu.memory_space<vmem_shared>> -> memref<128x80xf32, #tpu.memory_space<vmem_shared>>
      %dma_wait3A_51 = arith.constant 0 : i32
      %dma_wait3A_52 = tpu.memref_slice %arg13[%add3A_15, %dma_wait3A_51] : memref<10240x80xf32, #tpu.memory_space<vmem_shared>> -> memref<128x80xf32, #tpu.memory_space<vmem_shared>>
      tpu.wait_dma2 semaphore(%run_scoped3A : memref<!tpu.dma_semaphore, #tpu.memory_space<semaphore_mem>>) src(%arg9 : memref<128x80xf32, #tpu.memory_space<vmem>>) dst(%dma_wait3A_52 : memref<128x80xf32, #tpu.memory_space<vmem_shared>>)
      tpu.yield
    }) : () -> ()
    %mul3A_16 = arith.constant 640 : i32
    %mul3A_17 = arith.muli %arg1, %mul3A_16 : i32
    %add3A_18 = arith.constant 384 : i32
    %add3A_19 = arith.addi %mul3A_17, %add3A_18 : i32
    "tpu.region"() ({
      %run_scoped3A = tpu.sem_alloc : memref<!tpu.dma_semaphore, #tpu.memory_space<semaphore_mem>>
      %dma_start3A_46 = arith.constant 0 : i32
      %dma_start3A_47 = tpu.memref_slice %arg13[%add3A_19, %dma_start3A_46] : memref<10240x80xf32, #tpu.memory_space<vmem_shared>> -> memref<128x80xf32, #tpu.memory_space<vmem_shared>>
      %dma_start3A_48 = arith.constant 0 : i32
      %dma_start3A_49 = tpu.memref_slice %arg13[%add3A_19, %dma_start3A_48] : memref<10240x80xf32, #tpu.memory_space<vmem_shared>> -> memref<128x80xf32, #tpu.memory_space<vmem_shared>>
      tpu.enqueue_dma source(%arg9 : memref<128x80xf32, #tpu.memory_space<vmem>>) target(%dma_start3A_49 : memref<128x80xf32, #tpu.memory_space<vmem_shared>>) target_semaphore(%run_scoped3A : memref<!tpu.dma_semaphore, #tpu.memory_space<semaphore_mem>>)
      %dma_wait3A = arith.constant 0 : i32
      %dma_wait3A_50 = tpu.memref_slice %arg13[%add3A_19, %dma_wait3A] : memref<10240x80xf32, #tpu.memory_space<vmem_shared>> -> memref<128x80xf32, #tpu.memory_space<vmem_shared>>
      %dma_wait3A_51 = arith.constant 0 : i32
      %dma_wait3A_52 = tpu.memref_slice %arg13[%add3A_19, %dma_wait3A_51] : memref<10240x80xf32, #tpu.memory_space<vmem_shared>> -> memref<128x80xf32, #tpu.memory_space<vmem_shared>>
      tpu.wait_dma2 semaphore(%run_scoped3A : memref<!tpu.dma_semaphore, #tpu.memory_space<semaphore_mem>>) src(%arg9 : memref<128x80xf32, #tpu.memory_space<vmem>>) dst(%dma_wait3A_52 : memref<128x80xf32, #tpu.memory_space<vmem_shared>>)
      tpu.yield
    }) : () -> ()
    %mul3A_20 = arith.constant 640 : i32
    %mul3A_21 = arith.muli %arg1, %mul3A_20 : i32
    %add3A_22 = arith.constant 512 : i32
    %add3A_23 = arith.addi %mul3A_21, %add3A_22 : i32
    "tpu.region"() ({
      %run_scoped3A = tpu.sem_alloc : memref<!tpu.dma_semaphore, #tpu.memory_space<semaphore_mem>>
      %dma_start3A_46 = arith.constant 0 : i32
      %dma_start3A_47 = tpu.memref_slice %arg13[%add3A_23, %dma_start3A_46] : memref<10240x80xf32, #tpu.memory_space<vmem_shared>> -> memref<128x80xf32, #tpu.memory_space<vmem_shared>>
      %dma_start3A_48 = arith.constant 0 : i32
      %dma_start3A_49 = tpu.memref_slice %arg13[%add3A_23, %dma_start3A_48] : memref<10240x80xf32, #tpu.memory_space<vmem_shared>> -> memref<128x80xf32, #tpu.memory_space<vmem_shared>>
      tpu.enqueue_dma source(%arg9 : memref<128x80xf32, #tpu.memory_space<vmem>>) target(%dma_start3A_49 : memref<128x80xf32, #tpu.memory_space<vmem_shared>>) target_semaphore(%run_scoped3A : memref<!tpu.dma_semaphore, #tpu.memory_space<semaphore_mem>>)
      %dma_wait3A = arith.constant 0 : i32
      %dma_wait3A_50 = tpu.memref_slice %arg13[%add3A_23, %dma_wait3A] : memref<10240x80xf32, #tpu.memory_space<vmem_shared>> -> memref<128x80xf32, #tpu.memory_space<vmem_shared>>
      %dma_wait3A_51 = arith.constant 0 : i32
      %dma_wait3A_52 = tpu.memref_slice %arg13[%add3A_23, %dma_wait3A_51] : memref<10240x80xf32, #tpu.memory_space<vmem_shared>> -> memref<128x80xf32, #tpu.memory_space<vmem_shared>>
      tpu.wait_dma2 semaphore(%run_scoped3A : memref<!tpu.dma_semaphore, #tpu.memory_space<semaphore_mem>>) src(%arg9 : memref<128x80xf32, #tpu.memory_space<vmem>>) dst(%dma_wait3A_52 : memref<128x80xf32, #tpu.memory_space<vmem_shared>>)
      tpu.yield
    }) : () -> ()
    %barrier3A = arith.constant 0 : index
    tpu.barrier barrier_id(%barrier3A)
    "tpu.region"() ({
      %run_scoped3A = tpu.sem_alloc : memref<!tpu.dma_semaphore, #tpu.memory_space<semaphore_mem>>
      %dma_start3A_46 = arith.constant 0 : i32
      %dma_start3A_47 = arith.constant 0 : i32
      %dma_start3A_48 = tpu.memref_slice %arg4[%add3A, %dma_start3A_46, %dma_start3A_47] : memref<32x80x128xi32, #tpu.memory_space<hbm>> -> memref<1x80x128xi32, #tpu.memory_space<hbm>>
      %dma_start3A_49 = tpu.memref_squeeze %dma_start3A_48 : memref<1x80x128xi32, #tpu.memory_space<hbm>> -> memref<80x128xi32, #tpu.memory_space<hbm>>
      %dma_start3A_50 = arith.constant 0 : i32
      %dma_start3A_51 = arith.constant 0 : i32
      %dma_start3A_52 = tpu.memref_slice %arg4[%add3A, %dma_start3A_50, %dma_start3A_51] : memref<32x80x128xi32, #tpu.memory_space<hbm>> -> memref<1x80x128xi32, #tpu.memory_space<hbm>>
      %dma_start3A_53 = tpu.memref_squeeze %dma_start3A_52 : memref<1x80x128xi32, #tpu.memory_space<hbm>> -> memref<80x128xi32, #tpu.memory_space<hbm>>
      tpu.enqueue_dma source(%dma_start3A_53 : memref<80x128xi32, #tpu.memory_space<hbm>>) target(%arg7 : memref<80x128xi32, #tpu.memory_space<vmem>>) target_semaphore(%run_scoped3A : memref<!tpu.dma_semaphore, #tpu.memory_space<semaphore_mem>>)
      %dma_wait3A = arith.constant 0 : i32
      %dma_wait3A_54 = arith.constant 0 : i32
      %dma_wait3A_55 = tpu.memref_slice %arg4[%add3A, %dma_wait3A, %dma_wait3A_54] : memref<32x80x128xi32, #tpu.memory_space<hbm>> -> memref<1x80x128xi32, #tpu.memory_space<hbm>>
      %dma_wait3A_56 = tpu.memref_squeeze %dma_wait3A_55 : memref<1x80x128xi32, #tpu.memory_space<hbm>> -> memref<80x128xi32, #tpu.memory_space<hbm>>
      %dma_wait3A_57 = arith.constant 0 : i32
      %dma_wait3A_58 = arith.constant 0 : i32
      %dma_wait3A_59 = tpu.memref_slice %arg4[%add3A, %dma_wait3A_57, %dma_wait3A_58] : memref<32x80x128xi32, #tpu.memory_space<hbm>> -> memref<1x80x128xi32, #tpu.memory_space<hbm>>
      %dma_wait3A_60 = tpu.memref_squeeze %dma_wait3A_59 : memref<1x80x128xi32, #tpu.memory_space<hbm>> -> memref<80x128xi32, #tpu.memory_space<hbm>>
      tpu.wait_dma2 semaphore(%run_scoped3A : memref<!tpu.dma_semaphore, #tpu.memory_space<semaphore_mem>>) src(%dma_wait3A_60 : memref<80x128xi32, #tpu.memory_space<hbm>>) dst(%arg7 : memref<80x128xi32, #tpu.memory_space<vmem>>)
      tpu.yield
    }) : () -> ()
    "tpu.region"() ({
      %run_scoped3A = tpu.sem_alloc : memref<!tpu.dma_semaphore, #tpu.memory_space<semaphore_mem>>
      %dma_start3A_46 = arith.constant 0 : i32
      %dma_start3A_47 = arith.constant 0 : i32
      %dma_start3A_48 = tpu.memref_slice %arg5[%add3A, %dma_start3A_46, %dma_start3A_47] : memref<32x80x128xi32, #tpu.memory_space<hbm>> -> memref<1x80x128xi32, #tpu.memory_space<hbm>>
      %dma_start3A_49 = tpu.memref_squeeze %dma_start3A_48 : memref<1x80x128xi32, #tpu.memory_space<hbm>> -> memref<80x128xi32, #tpu.memory_space<hbm>>
      %dma_start3A_50 = arith.constant 0 : i32
      %dma_start3A_51 = arith.constant 0 : i32
      %dma_start3A_52 = tpu.memref_slice %arg5[%add3A, %dma_start3A_50, %dma_start3A_51] : memref<32x80x128xi32, #tpu.memory_space<hbm>> -> memref<1x80x128xi32, #tpu.memory_space<hbm>>
      %dma_start3A_53 = tpu.memref_squeeze %dma_start3A_52 : memref<1x80x128xi32, #tpu.memory_space<hbm>> -> memref<80x128xi32, #tpu.memory_space<hbm>>
      tpu.enqueue_dma source(%dma_start3A_53 : memref<80x128xi32, #tpu.memory_space<hbm>>) target(%arg8 : memref<80x128xi32, #tpu.memory_space<vmem>>) target_semaphore(%run_scoped3A : memref<!tpu.dma_semaphore, #tpu.memory_space<semaphore_mem>>)
      %dma_wait3A = arith.constant 0 : i32
      %dma_wait3A_54 = arith.constant 0 : i32
      %dma_wait3A_55 = tpu.memref_slice %arg5[%add3A, %dma_wait3A, %dma_wait3A_54] : memref<32x80x128xi32, #tpu.memory_space<hbm>> -> memref<1x80x128xi32, #tpu.memory_space<hbm>>
      %dma_wait3A_56 = tpu.memref_squeeze %dma_wait3A_55 : memref<1x80x128xi32, #tpu.memory_space<hbm>> -> memref<80x128xi32, #tpu.memory_space<hbm>>
      %dma_wait3A_57 = arith.constant 0 : i32
      %dma_wait3A_58 = arith.constant 0 : i32
      %dma_wait3A_59 = tpu.memref_slice %arg5[%add3A, %dma_wait3A_57, %dma_wait3A_58] : memref<32x80x128xi32, #tpu.memory_space<hbm>> -> memref<1x80x128xi32, #tpu.memory_space<hbm>>
      %dma_wait3A_60 = tpu.memref_squeeze %dma_wait3A_59 : memref<1x80x128xi32, #tpu.memory_space<hbm>> -> memref<80x128xi32, #tpu.memory_space<hbm>>
      tpu.wait_dma2 semaphore(%run_scoped3A : memref<!tpu.dma_semaphore, #tpu.memory_space<semaphore_mem>>) src(%dma_wait3A_60 : memref<80x128xi32, #tpu.memory_space<hbm>>) dst(%arg8 : memref<80x128xi32, #tpu.memory_space<vmem>>)
      tpu.yield
    }) : () -> ()
    %dma_start3A = arith.constant 0 : i32
    %dma_start3A_24 = arith.constant 0 : i32
    %dma_start3A_25 = tpu.memref_slice %arg7[%dma_start3A, %dma_start3A_24] : memref<80x128xi32, #tpu.memory_space<vmem>> -> memref<1x128xi32, #tpu.memory_space<vmem>>
    %dma_start3A_26 = tpu.memref_squeeze %dma_start3A_25 : memref<1x128xi32, #tpu.memory_space<vmem>> -> memref<128xi32, #tpu.memory_space<vmem>>
    %dma_start3A_27 = arith.constant 0 : i32
    %dma_start3A_28 = arith.constant 0 : i32
    %dma_start3A_29 = tpu.memref_slice %arg2[%dma_start3A_27, %dma_start3A_28] : memref<10240x80xf32, #tpu.memory_space<hbm>> -> memref<10240x80xf32, #tpu.memory_space<hbm>>
    tpu.enqueue_indirect_dma source(%dma_start3A_29 : memref<10240x80xf32, #tpu.memory_space<hbm>>) target(%arg9 : memref<128x80xf32, #tpu.memory_space<vmem>>) offsets(%dma_start3A_26 : memref<128xi32, #tpu.memory_space<vmem>>) semaphore(%arg14 : memref<!tpu.dma_semaphore, #tpu.memory_space<semaphore_mem>>)
    %dma_start3A_30 = arith.constant 0 : i32
    %dma_start3A_31 = arith.constant 0 : i32
    %dma_start3A_32 = tpu.memref_slice %arg8[%dma_start3A_30, %dma_start3A_31] : memref<80x128xi32, #tpu.memory_space<vmem>> -> memref<1x128xi32, #tpu.memory_space<vmem>>
    %dma_start3A_33 = tpu.memref_squeeze %dma_start3A_32 : memref<1x128xi32, #tpu.memory_space<vmem>> -> memref<128xi32, #tpu.memory_space<vmem>>
    %dma_start3A_34 = arith.constant 0 : i32
    %dma_start3A_35 = arith.constant 0 : i32
    %dma_start3A_36 = tpu.memref_slice %arg3[%dma_start3A_34, %dma_start3A_35] : memref<10240x16xf32, #tpu.memory_space<hbm>> -> memref<10240x16xf32, #tpu.memory_space<hbm>>
    tpu.enqueue_indirect_dma source(%dma_start3A_36 : memref<10240x16xf32, #tpu.memory_space<hbm>>) target(%arg11 : memref<128x16xf32, #tpu.memory_space<vmem>>) offsets(%dma_start3A_33 : memref<128xi32, #tpu.memory_space<vmem>>) semaphore(%arg16 : memref<!tpu.dma_semaphore, #tpu.memory_space<semaphore_mem>>)
    %scan3A = arith.constant 0 : i32
    %scan3A_37 = arith.constant 0 : i32
    %scan3A_38 = arith.constant 40 : i32
    %scan3A_39 = arith.addi %scan3A_37, %scan3A_38 : i32
    %scan3A_40 = arith.constant 1 : i32
    %scan3A_41 = scf.for %scan3A_46 = %scan3A_37 to %scan3A_39 step %scan3A_40 iter_args(%scan3A_47 = %scan3A) -> (i32)  : i32 {
      %mul3A_48 = arith.constant 2 : i32
      %mul3A_49 = arith.muli %mul3A_48, %scan3A_46 : i32
      %add3A_50 = arith.constant 1 : i32
      %add3A_51 = arith.addi %mul3A_49, %add3A_50 : i32
      %dma_start3A_52 = arith.constant 0 : i32
      %dma_start3A_53 = tpu.memref_slice %arg7[%add3A_51, %dma_start3A_52] : memref<80x128xi32, #tpu.memory_space<vmem>> -> memref<1x128xi32, #tpu.memory_space<vmem>>
      %dma_start3A_54 = tpu.memref_squeeze %dma_start3A_53 : memref<1x128xi32, #tpu.memory_space<vmem>> -> memref<128xi32, #tpu.memory_space<vmem>>
      %dma_start3A_55 = arith.constant 0 : i32
      %dma_start3A_56 = arith.constant 0 : i32
      %dma_start3A_57 = tpu.memref_slice %arg2[%dma_start3A_55, %dma_start3A_56] : memref<10240x80xf32, #tpu.memory_space<hbm>> -> memref<10240x80xf32, #tpu.memory_space<hbm>>
      tpu.enqueue_indirect_dma source(%dma_start3A_57 : memref<10240x80xf32, #tpu.memory_space<hbm>>) target(%arg10 : memref<128x80xf32, #tpu.memory_space<vmem>>) offsets(%dma_start3A_54 : memref<128xi32, #tpu.memory_space<vmem>>) semaphore(%arg15 : memref<!tpu.dma_semaphore, #tpu.memory_space<semaphore_mem>>)
      %dma_start3A_58 = arith.constant 0 : i32
      %dma_start3A_59 = tpu.memref_slice %arg8[%add3A_51, %dma_start3A_58] : memref<80x128xi32, #tpu.memory_space<vmem>> -> memref<1x128xi32, #tpu.memory_space<vmem>>
      %dma_start3A_60 = tpu.memref_squeeze %dma_start3A_59 : memref<1x128xi32, #tpu.memory_space<vmem>> -> memref<128xi32, #tpu.memory_space<vmem>>
      %dma_start3A_61 = arith.constant 0 : i32
      %dma_start3A_62 = arith.constant 0 : i32
      %dma_start3A_63 = tpu.memref_slice %arg3[%dma_start3A_61, %dma_start3A_62] : memref<10240x16xf32, #tpu.memory_space<hbm>> -> memref<10240x16xf32, #tpu.memory_space<hbm>>
      tpu.enqueue_indirect_dma source(%dma_start3A_63 : memref<10240x16xf32, #tpu.memory_space<hbm>>) target(%arg12 : memref<128x16xf32, #tpu.memory_space<vmem>>) offsets(%dma_start3A_60 : memref<128xi32, #tpu.memory_space<vmem>>) semaphore(%arg17 : memref<!tpu.dma_semaphore, #tpu.memory_space<semaphore_mem>>)
      %dma_wait3A = arith.constant 0 : i32
      %dma_wait3A_64 = tpu.memref_slice %arg7[%mul3A_49, %dma_wait3A] : memref<80x128xi32, #tpu.memory_space<vmem>> -> memref<1x128xi32, #tpu.memory_space<vmem>>
      %dma_wait3A_65 = tpu.memref_squeeze %dma_wait3A_64 : memref<1x128xi32, #tpu.memory_space<vmem>> -> memref<128xi32, #tpu.memory_space<vmem>>
      %dma_wait3A_66 = arith.constant 0 : i32
      %dma_wait3A_67 = arith.constant 0 : i32
      %dma_wait3A_68 = tpu.memref_slice %arg2[%dma_wait3A_66, %dma_wait3A_67] : memref<10240x80xf32, #tpu.memory_space<hbm>> -> memref<10240x80xf32, #tpu.memory_space<hbm>>
      tpu.wait_indirect_dma semaphore(%arg14 : memref<!tpu.dma_semaphore, #tpu.memory_space<semaphore_mem>>) src(%dma_wait3A_68 : memref<10240x80xf32, #tpu.memory_space<hbm>>) dst(%arg9 : memref<128x80xf32, #tpu.memory_space<vmem>>)
      %dma_wait3A_69 = arith.constant 0 : i32
      %dma_wait3A_70 = tpu.memref_slice %arg8[%mul3A_49, %dma_wait3A_69] : memref<80x128xi32, #tpu.memory_space<vmem>> -> memref<1x128xi32, #tpu.memory_space<vmem>>
      %dma_wait3A_71 = tpu.memref_squeeze %dma_wait3A_70 : memref<1x128xi32, #tpu.memory_space<vmem>> -> memref<128xi32, #tpu.memory_space<vmem>>
      %dma_wait3A_72 = arith.constant 0 : i32
      %dma_wait3A_73 = arith.constant 0 : i32
      %dma_wait3A_74 = tpu.memref_slice %arg3[%dma_wait3A_72, %dma_wait3A_73] : memref<10240x16xf32, #tpu.memory_space<hbm>> -> memref<10240x16xf32, #tpu.memory_space<hbm>>
      tpu.wait_indirect_dma semaphore(%arg16 : memref<!tpu.dma_semaphore, #tpu.memory_space<semaphore_mem>>) src(%dma_wait3A_74 : memref<10240x16xf32, #tpu.memory_space<hbm>>) dst(%arg11 : memref<128x16xf32, #tpu.memory_space<vmem>>)
      %parallel_loop3A_75 = arith.constant 0 : i32
      %parallel_loop3A_76 = arith.constant 128 : i32
      %parallel_loop3A_77 = arith.constant 1 : i32
      scf.for %parallel_loop3A_100 = %parallel_loop3A_75 to %parallel_loop3A_76 step %parallel_loop3A_77  : i32 {
        %parallel_loop3A_101 = arith.index_cast %parallel_loop3A_100 : i32 to index
        %parallel_loop3A_102 = arith.constant 64 : index
        %parallel_loop3A_103 = tpu.vector_load %arg9[%parallel_loop3A_101, %parallel_loop3A_102] {strides = array<i32>} : memref<128x80xf32, #tpu.memory_space<vmem>>, vector<1x16xf32>,
        %parallel_loop3A_104 = vector.shape_cast %parallel_loop3A_103 : vector<1x16xf32> to vector<16xf32>
        %parallel_loop3A_105 = arith.index_cast %parallel_loop3A_100 : i32 to index
        %parallel_loop3A_106 = arith.constant 0 : index
        %parallel_loop3A_107 = tpu.vector_load %arg11[%parallel_loop3A_105, %parallel_loop3A_106] {strides = array<i32>} : memref<128x16xf32, #tpu.memory_space<vmem>>, vector<1x16xf32>,
        %parallel_loop3A_108 = vector.shape_cast %parallel_loop3A_107 : vector<1x16xf32> to vector<16xf32>
        %parallel_loop3A_109 = arith.addf %parallel_loop3A_104, %parallel_loop3A_108 : vector<16xf32>
        %parallel_loop3A_110 = arith.constant 0.000000e+00 : f32
        %parallel_loop3A_111 = vector.broadcast %parallel_loop3A_110 : f32 to vector<16xf32>
        %parallel_loop3A_112 = arith.cmpf oge, %parallel_loop3A_109, %parallel_loop3A_111 : vector<16xf32>
        %parallel_loop3A_113 = arith.constant 2.000000e-01 : f32
        %parallel_loop3A_114 = vector.broadcast %parallel_loop3A_113 : f32 to vector<16xf32>
        %parallel_loop3A_115 = arith.mulf %parallel_loop3A_114, %parallel_loop3A_109 : vector<16xf32>
        %parallel_loop3A_116 = arith.select %parallel_loop3A_112, %parallel_loop3A_109, %parallel_loop3A_115 : vector<16xi1>, vector<16xf32>
        %parallel_loop3A_117 = math.exp %parallel_loop3A_116 : vector<16xf32>
        %parallel_loop3A_118 = arith.index_cast %parallel_loop3A_100 : i32 to index
        %parallel_loop3A_119 = arith.constant 64 : index
        %parallel_loop3A_120 = tpu.vector_load %arg9[%parallel_loop3A_118, %parallel_loop3A_119] {strides = array<i32>} : memref<128x80xf32, #tpu.memory_space<vmem>>, vector<1x16xf32>,
        %parallel_loop3A_121 = vector.shape_cast %parallel_loop3A_120 : vector<1x16xf32> to vector<16xf32>
        %parallel_loop3A_122 = vector.shape_cast %parallel_loop3A_117 : vector<16xf32> to vector<1x16xf32>
        tpu.vector_store %arg9[%parallel_loop3A_118, %parallel_loop3A_119], %parallel_loop3A_122 {strides = array<i32>} : memref<128x80xf32, #tpu.memory_space<vmem>>, vector<1x16xf32>,
        %parallel_loop3A_123 = vector.extract_strided_slice %parallel_loop3A_117 {offsets = [0], sizes = [1], strides = [1]} : vector<16xf32> to vector<1xf32>
        %parallel_loop3A_124 = vector.extract %parallel_loop3A_123[0] : f32 from vector<1xf32>
        %parallel_loop3A_125 = arith.index_cast %parallel_loop3A_100 : i32 to index
        %parallel_loop3A_126 = arith.constant 0 : index
        %parallel_loop3A_127 = tpu.vector_load %arg9[%parallel_loop3A_125, %parallel_loop3A_126] {strides = array<i32>} : memref<128x80xf32, #tpu.memory_space<vmem>>, vector<1x16xf32>,
        %parallel_loop3A_128 = vector.shape_cast %parallel_loop3A_127 : vector<1x16xf32> to vector<16xf32>
        %parallel_loop3A_129 = vector.broadcast %parallel_loop3A_124 : f32 to vector<16xf32>
        %parallel_loop3A_130 = arith.mulf %parallel_loop3A_128, %parallel_loop3A_129 : vector<16xf32>
        %parallel_loop3A_131 = arith.index_cast %parallel_loop3A_100 : i32 to index
        %parallel_loop3A_132 = arith.constant 0 : index
        %parallel_loop3A_133 = tpu.vector_load %arg9[%parallel_loop3A_131, %parallel_loop3A_132] {strides = array<i32>} : memref<128x80xf32, #tpu.memory_space<vmem>>, vector<1x16xf32>,
        %parallel_loop3A_134 = vector.shape_cast %parallel_loop3A_133 : vector<1x16xf32> to vector<16xf32>
        %parallel_loop3A_135 = vector.shape_cast %parallel_loop3A_130 : vector<16xf32> to vector<1x16xf32>
        tpu.vector_store %arg9[%parallel_loop3A_131, %parallel_loop3A_132], %parallel_loop3A_135 {strides = array<i32>} : memref<128x80xf32, #tpu.memory_space<vmem>>, vector<1x16xf32>,
        %parallel_loop3A_136 = vector.extract_strided_slice %parallel_loop3A_117 {offsets = [0], sizes = [1], strides = [1]} : vector<16xf32> to vector<1xf32>
        %parallel_loop3A_137 = vector.extract %parallel_loop3A_136[0] : f32 from vector<1xf32>
        %parallel_loop3A_138 = arith.index_cast %parallel_loop3A_100 : i32 to index
        %parallel_loop3A_139 = arith.constant 16 : index
        %parallel_loop3A_140 = tpu.vector_load %arg9[%parallel_loop3A_138, %parallel_loop3A_139] {strides = array<i32>} : memref<128x80xf32, #tpu.memory_space<vmem>>, vector<1x16xf32>,
        %parallel_loop3A_141 = vector.shape_cast %parallel_loop3A_140 : vector<1x16xf32> to vector<16xf32>
        %parallel_loop3A_142 = vector.broadcast %parallel_loop3A_137 : f32 to vector<16xf32>
        %parallel_loop3A_143 = arith.mulf %parallel_loop3A_141, %parallel_loop3A_142 : vector<16xf32>
        %parallel_loop3A_144 = arith.index_cast %parallel_loop3A_100 : i32 to index
        %parallel_loop3A_145 = arith.constant 16 : index
        %parallel_loop3A_146 = tpu.vector_load %arg9[%parallel_loop3A_144, %parallel_loop3A_145] {strides = array<i32>} : memref<128x80xf32, #tpu.memory_space<vmem>>, vector<1x16xf32>,
        %parallel_loop3A_147 = vector.shape_cast %parallel_loop3A_146 : vector<1x16xf32> to vector<16xf32>
        %parallel_loop3A_148 = vector.shape_cast %parallel_loop3A_143 : vector<16xf32> to vector<1x16xf32>
        tpu.vector_store %arg9[%parallel_loop3A_144, %parallel_loop3A_145], %parallel_loop3A_148 {strides = array<i32>} : memref<128x80xf32, #tpu.memory_space<vmem>>, vector<1x16xf32>,
        %parallel_loop3A_149 = vector.extract_strided_slice %parallel_loop3A_117 {offsets = [0], sizes = [1], strides = [1]} : vector<16xf32> to vector<1xf32>
        %parallel_loop3A_150 = vector.extract %parallel_loop3A_149[0] : f32 from vector<1xf32>
        %parallel_loop3A_151 = arith.index_cast %parallel_loop3A_100 : i32 to index
        %parallel_loop3A_152 = arith.constant 32 : index
        %parallel_loop3A_153 = tpu.vector_load %arg9[%parallel_loop3A_151, %parallel_loop3A_152] {strides = array<i32>} : memref<128x80xf32, #tpu.memory_space<vmem>>, vector<1x16xf32>,
        %parallel_loop3A_154 = vector.shape_cast %parallel_loop3A_153 : vector<1x16xf32> to vector<16xf32>
        %parallel_loop3A_155 = vector.broadcast %parallel_loop3A_150 : f32 to vector<16xf32>
        %parallel_loop3A_156 = arith.mulf %parallel_loop3A_154, %parallel_loop3A_155 : vector<16xf32>
        %parallel_loop3A_157 = arith.index_cast %parallel_loop3A_100 : i32 to index
        %parallel_loop3A_158 = arith.constant 32 : index
        %parallel_loop3A_159 = tpu.vector_load %arg9[%parallel_loop3A_157, %parallel_loop3A_158] {strides = array<i32>} : memref<128x80xf32, #tpu.memory_space<vmem>>, vector<1x16xf32>,
        %parallel_loop3A_160 = vector.shape_cast %parallel_loop3A_159 : vector<1x16xf32> to vector<16xf32>
        %parallel_loop3A_161 = vector.shape_cast %parallel_loop3A_156 : vector<16xf32> to vector<1x16xf32>
        tpu.vector_store %arg9[%parallel_loop3A_157, %parallel_loop3A_158], %parallel_loop3A_161 {strides = array<i32>} : memref<128x80xf32, #tpu.memory_space<vmem>>, vector<1x16xf32>,
        %parallel_loop3A_162 = vector.extract_strided_slice %parallel_loop3A_117 {offsets = [0], sizes = [1], strides = [1]} : vector<16xf32> to vector<1xf32>
        %parallel_loop3A_163 = vector.extract %parallel_loop3A_162[0] : f32 from vector<1xf32>
        %parallel_loop3A_164 = arith.index_cast %parallel_loop3A_100 : i32 to index
        %parallel_loop3A_165 = arith.constant 48 : index
        %parallel_loop3A_166 = tpu.vector_load %arg9[%parallel_loop3A_164, %parallel_loop3A_165] {strides = array<i32>} : memref<128x80xf32, #tpu.memory_space<vmem>>, vector<1x16xf32>,
        %parallel_loop3A_167 = vector.shape_cast %parallel_loop3A_166 : vector<1x16xf32> to vector<16xf32>
        %parallel_loop3A_168 = vector.broadcast %parallel_loop3A_163 : f32 to vector<16xf32>
        %parallel_loop3A_169 = arith.mulf %parallel_loop3A_167, %parallel_loop3A_168 : vector<16xf32>
        %parallel_loop3A_170 = arith.index_cast %parallel_loop3A_100 : i32 to index
        %parallel_loop3A_171 = arith.constant 48 : index
        %parallel_loop3A_172 = tpu.vector_load %arg9[%parallel_loop3A_170, %parallel_loop3A_171] {strides = array<i32>} : memref<128x80xf32, #tpu.memory_space<vmem>>, vector<1x16xf32>,
        %parallel_loop3A_173 = vector.shape_cast %parallel_loop3A_172 : vector<1x16xf32> to vector<16xf32>
        %parallel_loop3A_174 = vector.shape_cast %parallel_loop3A_169 : vector<16xf32> to vector<1x16xf32>
        tpu.vector_store %arg9[%parallel_loop3A_170, %parallel_loop3A_171], %parallel_loop3A_174 {strides = array<i32>} : memref<128x80xf32, #tpu.memory_space<vmem>>, vector<1x16xf32>,
      } {sc.loop_unroll_factor = 8 : i64, sc.parallel_access}
      "tpu.region"() ({
        %run_scoped3A = tpu.sem_alloc : memref<!tpu.dma_semaphore, #tpu.memory_space<semaphore_mem>>
        %dma_start3A_100 = arith.constant 0 : i32
        %dma_start3A_101 = tpu.memref_slice %arg8[%mul3A_49, %dma_start3A_100] : memref<80x128xi32, #tpu.memory_space<vmem>> -> memref<1x128xi32, #tpu.memory_space<vmem>>
        %dma_start3A_102 = tpu.memref_squeeze %dma_start3A_101 : memref<1x128xi32, #tpu.memory_space<vmem>> -> memref<128xi32, #tpu.memory_space<vmem>>
        %dma_start3A_103 = arith.constant 0 : i32
        %dma_start3A_104 = arith.constant 0 : i32
        %dma_start3A_105 = tpu.memref_slice %arg13[%dma_start3A_103, %dma_start3A_104] : memref<10240x80xf32, #tpu.memory_space<vmem_shared>> -> memref<10240x80xf32, #tpu.memory_space<vmem_shared>>
        tpu.enqueue_indirect_dma source(%arg9 : memref<128x80xf32, #tpu.memory_space<vmem>>) target(%dma_start3A_105 : memref<10240x80xf32, #tpu.memory_space<vmem_shared>>) offsets(%dma_start3A_102 : memref<128xi32, #tpu.memory_space<vmem>>) semaphore(%run_scoped3A : memref<!tpu.dma_semaphore, #tpu.memory_space<semaphore_mem>>) {add = true}
        %dma_wait3A_106 = arith.constant 0 : i32
        %dma_wait3A_107 = tpu.memref_slice %arg8[%mul3A_49, %dma_wait3A_106] : memref<80x128xi32, #tpu.memory_space<vmem>> -> memref<1x128xi32, #tpu.memory_space<vmem>>
        %dma_wait3A_108 = tpu.memref_squeeze %dma_wait3A_107 : memref<1x128xi32, #tpu.memory_space<vmem>> -> memref<128xi32, #tpu.memory_space<vmem>>
        %dma_wait3A_109 = arith.constant 0 : i32
        %dma_wait3A_110 = arith.constant 0 : i32
        %dma_wait3A_111 = tpu.memref_slice %arg13[%dma_wait3A_109, %dma_wait3A_110] : memref<10240x80xf32, #tpu.memory_space<vmem_shared>> -> memref<10240x80xf32, #tpu.memory_space<vmem_shared>>
        tpu.wait_indirect_dma semaphore(%run_scoped3A : memref<!tpu.dma_semaphore, #tpu.memory_space<semaphore_mem>>) src(%arg9 : memref<128x80xf32, #tpu.memory_space<vmem>>) dst(%dma_wait3A_111 : memref<10240x80xf32, #tpu.memory_space<vmem_shared>>)
        tpu.yield
      }) : () -> ()
      %add3A_78 = arith.constant 1 : i32
      %add3A_79 = arith.addi %scan3A_46, %add3A_78 : i32
      %lt3A = arith.constant 40 : i32
      %lt3A_80 = arith.cmpi slt, %add3A_79, %lt3A : i32
      %convert_element_type3A = arith.extui %lt3A_80 : i1 to i32
      %cond3A = arith.constant 0 : i32
      %cond3A_81 = arith.cmpi ne, %convert_element_type3A, %cond3A : i32
      scf.if %cond3A_81 {
        %add3A_100 = arith.constant 2 : i32
        %add3A_101 = arith.addi %mul3A_49, %add3A_100 : i32
        %dma_start3A_102 = arith.constant 0 : i32
        %dma_start3A_103 = tpu.memref_slice %arg7[%add3A_101, %dma_start3A_102] : memref<80x128xi32, #tpu.memory_space<vmem>> -> memref<1x128xi32, #tpu.memory_space<vmem>>
        %dma_start3A_104 = tpu.memref_squeeze %dma_start3A_103 : memref<1x128xi32, #tpu.memory_space<vmem>> -> memref<128xi32, #tpu.memory_space<vmem>>
        %dma_start3A_105 = arith.constant 0 : i32
        %dma_start3A_106 = arith.constant 0 : i32
        %dma_start3A_107 = tpu.memref_slice %arg2[%dma_start3A_105, %dma_start3A_106] : memref<10240x80xf32, #tpu.memory_space<hbm>> -> memref<10240x80xf32, #tpu.memory_space<hbm>>
        tpu.enqueue_indirect_dma source(%dma_start3A_107 : memref<10240x80xf32, #tpu.memory_space<hbm>>) target(%arg9 : memref<128x80xf32, #tpu.memory_space<vmem>>) offsets(%dma_start3A_104 : memref<128xi32, #tpu.memory_space<vmem>>) semaphore(%arg14 : memref<!tpu.dma_semaphore, #tpu.memory_space<semaphore_mem>>)
        %dma_start3A_108 = arith.constant 0 : i32
        %dma_start3A_109 = tpu.memref_slice %arg8[%add3A_101, %dma_start3A_108] : memref<80x128xi32, #tpu.memory_space<vmem>> -> memref<1x128xi32, #tpu.memory_space<vmem>>
        %dma_start3A_110 = tpu.memref_squeeze %dma_start3A_109 : memref<1x128xi32, #tpu.memory_space<vmem>> -> memref<128xi32, #tpu.memory_space<vmem>>
        %dma_start3A_111 = arith.constant 0 : i32
        %dma_start3A_112 = arith.constant 0 : i32
        %dma_start3A_113 = tpu.memref_slice %arg3[%dma_start3A_111, %dma_start3A_112] : memref<10240x16xf32, #tpu.memory_space<hbm>> -> memref<10240x16xf32, #tpu.memory_space<hbm>>
        tpu.enqueue_indirect_dma source(%dma_start3A_113 : memref<10240x16xf32, #tpu.memory_space<hbm>>) target(%arg11 : memref<128x16xf32, #tpu.memory_space<vmem>>) offsets(%dma_start3A_110 : memref<128xi32, #tpu.memory_space<vmem>>) semaphore(%arg16 : memref<!tpu.dma_semaphore, #tpu.memory_space<semaphore_mem>>)
      } else {
      }
      %add3A_82 = arith.constant 1 : i32
      %add3A_83 = arith.addi %mul3A_49, %add3A_82 : i32
      %dma_wait3A_84 = arith.constant 0 : i32
      %dma_wait3A_85 = tpu.memref_slice %arg7[%add3A_83, %dma_wait3A_84] : memref<80x128xi32, #tpu.memory_space<vmem>> -> memref<1x128xi32, #tpu.memory_space<vmem>>
      %dma_wait3A_86 = tpu.memref_squeeze %dma_wait3A_85 : memref<1x128xi32, #tpu.memory_space<vmem>> -> memref<128xi32, #tpu.memory_space<vmem>>
      %dma_wait3A_87 = arith.constant 0 : i32
      %dma_wait3A_88 = arith.constant 0 : i32
      %dma_wait3A_89 = tpu.memref_slice %arg2[%dma_wait3A_87, %dma_wait3A_88] : memref<10240x80xf32, #tpu.memory_space<hbm>> -> memref<10240x80xf32, #tpu.memory_space<hbm>>
      tpu.wait_indirect_dma semaphore(%arg15 : memref<!tpu.dma_semaphore, #tpu.memory_space<semaphore_mem>>) src(%dma_wait3A_89 : memref<10240x80xf32, #tpu.memory_space<hbm>>) dst(%arg10 : memref<128x80xf32, #tpu.memory_space<vmem>>)
      %dma_wait3A_90 = arith.constant 0 : i32
      %dma_wait3A_91 = tpu.memref_slice %arg8[%add3A_83, %dma_wait3A_90] : memref<80x128xi32, #tpu.memory_space<vmem>> -> memref<1x128xi32, #tpu.memory_space<vmem>>
      %dma_wait3A_92 = tpu.memref_squeeze %dma_wait3A_91 : memref<1x128xi32, #tpu.memory_space<vmem>> -> memref<128xi32, #tpu.memory_space<vmem>>
      %dma_wait3A_93 = arith.constant 0 : i32
      %dma_wait3A_94 = arith.constant 0 : i32
      %dma_wait3A_95 = tpu.memref_slice %arg3[%dma_wait3A_93, %dma_wait3A_94] : memref<10240x16xf32, #tpu.memory_space<hbm>> -> memref<10240x16xf32, #tpu.memory_space<hbm>>
      tpu.wait_indirect_dma semaphore(%arg17 : memref<!tpu.dma_semaphore, #tpu.memory_space<semaphore_mem>>) src(%dma_wait3A_95 : memref<10240x16xf32, #tpu.memory_space<hbm>>) dst(%arg12 : memref<128x16xf32, #tpu.memory_space<vmem>>)
      %parallel_loop3A_96 = arith.constant 0 : i32
      %parallel_loop3A_97 = arith.constant 128 : i32
      %parallel_loop3A_98 = arith.constant 1 : i32
      scf.for %parallel_loop3A_100 = %parallel_loop3A_96 to %parallel_loop3A_97 step %parallel_loop3A_98  : i32 {
        %parallel_loop3A_101 = arith.index_cast %parallel_loop3A_100 : i32 to index
        %parallel_loop3A_102 = arith.constant 64 : index
        %parallel_loop3A_103 = tpu.vector_load %arg10[%parallel_loop3A_101, %parallel_loop3A_102] {strides = array<i32>} : memref<128x80xf32, #tpu.memory_space<vmem>>, vector<1x16xf32>,
        %parallel_loop3A_104 = vector.shape_cast %parallel_loop3A_103 : vector<1x16xf32> to vector<16xf32>
        %parallel_loop3A_105 = arith.index_cast %parallel_loop3A_100 : i32 to index
        %parallel_loop3A_106 = arith.constant 0 : index
        %parallel_loop3A_107 = tpu.vector_load %arg12[%parallel_loop3A_105, %parallel_loop3A_106] {strides = array<i32>} : memref<128x16xf32, #tpu.memory_space<vmem>>, vector<1x16xf32>,
        %parallel_loop3A_108 = vector.shape_cast %parallel_loop3A_107 : vector<1x16xf32> to vector<16xf32>
        %parallel_loop3A_109 = arith.addf %parallel_loop3A_104, %parallel_loop3A_108 : vector<16xf32>
        %parallel_loop3A_110 = arith.constant 0.000000e+00 : f32
        %parallel_loop3A_111 = vector.broadcast %parallel_loop3A_110 : f32 to vector<16xf32>
        %parallel_loop3A_112 = arith.cmpf oge, %parallel_loop3A_109, %parallel_loop3A_111 : vector<16xf32>
        %parallel_loop3A_113 = arith.constant 2.000000e-01 : f32
        %parallel_loop3A_114 = vector.broadcast %parallel_loop3A_113 : f32 to vector<16xf32>
        %parallel_loop3A_115 = arith.mulf %parallel_loop3A_114, %parallel_loop3A_109 : vector<16xf32>
        %parallel_loop3A_116 = arith.select %parallel_loop3A_112, %parallel_loop3A_109, %parallel_loop3A_115 : vector<16xi1>, vector<16xf32>
        %parallel_loop3A_117 = math.exp %parallel_loop3A_116 : vector<16xf32>
        %parallel_loop3A_118 = arith.index_cast %parallel_loop3A_100 : i32 to index
        %parallel_loop3A_119 = arith.constant 64 : index
        %parallel_loop3A_120 = tpu.vector_load %arg10[%parallel_loop3A_118, %parallel_loop3A_119] {strides = array<i32>} : memref<128x80xf32, #tpu.memory_space<vmem>>, vector<1x16xf32>,
        %parallel_loop3A_121 = vector.shape_cast %parallel_loop3A_120 : vector<1x16xf32> to vector<16xf32>
        %parallel_loop3A_122 = vector.shape_cast %parallel_loop3A_117 : vector<16xf32> to vector<1x16xf32>
        tpu.vector_store %arg10[%parallel_loop3A_118, %parallel_loop3A_119], %parallel_loop3A_122 {strides = array<i32>} : memref<128x80xf32, #tpu.memory_space<vmem>>, vector<1x16xf32>,
        %parallel_loop3A_123 = vector.extract_strided_slice %parallel_loop3A_117 {offsets = [0], sizes = [1], strides = [1]} : vector<16xf32> to vector<1xf32>
        %parallel_loop3A_124 = vector.extract %parallel_loop3A_123[0] : f32 from vector<1xf32>
        %parallel_loop3A_125 = arith.index_cast %parallel_loop3A_100 : i32 to index
        %parallel_loop3A_126 = arith.constant 0 : index
        %parallel_loop3A_127 = tpu.vector_load %arg10[%parallel_loop3A_125, %parallel_loop3A_126] {strides = array<i32>} : memref<128x80xf32, #tpu.memory_space<vmem>>, vector<1x16xf32>,
        %parallel_loop3A_128 = vector.shape_cast %parallel_loop3A_127 : vector<1x16xf32> to vector<16xf32>
        %parallel_loop3A_129 = vector.broadcast %parallel_loop3A_124 : f32 to vector<16xf32>
        %parallel_loop3A_130 = arith.mulf %parallel_loop3A_128, %parallel_loop3A_129 : vector<16xf32>
        %parallel_loop3A_131 = arith.index_cast %parallel_loop3A_100 : i32 to index
        %parallel_loop3A_132 = arith.constant 0 : index
        %parallel_loop3A_133 = tpu.vector_load %arg10[%parallel_loop3A_131, %parallel_loop3A_132] {strides = array<i32>} : memref<128x80xf32, #tpu.memory_space<vmem>>, vector<1x16xf32>,
        %parallel_loop3A_134 = vector.shape_cast %parallel_loop3A_133 : vector<1x16xf32> to vector<16xf32>
        %parallel_loop3A_135 = vector.shape_cast %parallel_loop3A_130 : vector<16xf32> to vector<1x16xf32>
        tpu.vector_store %arg10[%parallel_loop3A_131, %parallel_loop3A_132], %parallel_loop3A_135 {strides = array<i32>} : memref<128x80xf32, #tpu.memory_space<vmem>>, vector<1x16xf32>,
        %parallel_loop3A_136 = vector.extract_strided_slice %parallel_loop3A_117 {offsets = [0], sizes = [1], strides = [1]} : vector<16xf32> to vector<1xf32>
        %parallel_loop3A_137 = vector.extract %parallel_loop3A_136[0] : f32 from vector<1xf32>
        %parallel_loop3A_138 = arith.index_cast %parallel_loop3A_100 : i32 to index
        %parallel_loop3A_139 = arith.constant 16 : index
        %parallel_loop3A_140 = tpu.vector_load %arg10[%parallel_loop3A_138, %parallel_loop3A_139] {strides = array<i32>} : memref<128x80xf32, #tpu.memory_space<vmem>>, vector<1x16xf32>,
        %parallel_loop3A_141 = vector.shape_cast %parallel_loop3A_140 : vector<1x16xf32> to vector<16xf32>
        %parallel_loop3A_142 = vector.broadcast %parallel_loop3A_137 : f32 to vector<16xf32>
        %parallel_loop3A_143 = arith.mulf %parallel_loop3A_141, %parallel_loop3A_142 : vector<16xf32>
        %parallel_loop3A_144 = arith.index_cast %parallel_loop3A_100 : i32 to index
        %parallel_loop3A_145 = arith.constant 16 : index
        %parallel_loop3A_146 = tpu.vector_load %arg10[%parallel_loop3A_144, %parallel_loop3A_145] {strides = array<i32>} : memref<128x80xf32, #tpu.memory_space<vmem>>, vector<1x16xf32>,
        %parallel_loop3A_147 = vector.shape_cast %parallel_loop3A_146 : vector<1x16xf32> to vector<16xf32>
        %parallel_loop3A_148 = vector.shape_cast %parallel_loop3A_143 : vector<16xf32> to vector<1x16xf32>
        tpu.vector_store %arg10[%parallel_loop3A_144, %parallel_loop3A_145], %parallel_loop3A_148 {strides = array<i32>} : memref<128x80xf32, #tpu.memory_space<vmem>>, vector<1x16xf32>,
        %parallel_loop3A_149 = vector.extract_strided_slice %parallel_loop3A_117 {offsets = [0], sizes = [1], strides = [1]} : vector<16xf32> to vector<1xf32>
        %parallel_loop3A_150 = vector.extract %parallel_loop3A_149[0] : f32 from vector<1xf32>
        %parallel_loop3A_151 = arith.index_cast %parallel_loop3A_100 : i32 to index
        %parallel_loop3A_152 = arith.constant 32 : index
        %parallel_loop3A_153 = tpu.vector_load %arg10[%parallel_loop3A_151, %parallel_loop3A_152] {strides = array<i32>} : memref<128x80xf32, #tpu.memory_space<vmem>>, vector<1x16xf32>,
        %parallel_loop3A_154 = vector.shape_cast %parallel_loop3A_153 : vector<1x16xf32> to vector<16xf32>
        %parallel_loop3A_155 = vector.broadcast %parallel_loop3A_150 : f32 to vector<16xf32>
        %parallel_loop3A_156 = arith.mulf %parallel_loop3A_154, %parallel_loop3A_155 : vector<16xf32>
        %parallel_loop3A_157 = arith.index_cast %parallel_loop3A_100 : i32 to index
        %parallel_loop3A_158 = arith.constant 32 : index
        %parallel_loop3A_159 = tpu.vector_load %arg10[%parallel_loop3A_157, %parallel_loop3A_158] {strides = array<i32>} : memref<128x80xf32, #tpu.memory_space<vmem>>, vector<1x16xf32>,
        %parallel_loop3A_160 = vector.shape_cast %parallel_loop3A_159 : vector<1x16xf32> to vector<16xf32>
        %parallel_loop3A_161 = vector.shape_cast %parallel_loop3A_156 : vector<16xf32> to vector<1x16xf32>
        tpu.vector_store %arg10[%parallel_loop3A_157, %parallel_loop3A_158], %parallel_loop3A_161 {strides = array<i32>} : memref<128x80xf32, #tpu.memory_space<vmem>>, vector<1x16xf32>,
        %parallel_loop3A_162 = vector.extract_strided_slice %parallel_loop3A_117 {offsets = [0], sizes = [1], strides = [1]} : vector<16xf32> to vector<1xf32>
        %parallel_loop3A_163 = vector.extract %parallel_loop3A_162[0] : f32 from vector<1xf32>
        %parallel_loop3A_164 = arith.index_cast %parallel_loop3A_100 : i32 to index
        %parallel_loop3A_165 = arith.constant 48 : index
        %parallel_loop3A_166 = tpu.vector_load %arg10[%parallel_loop3A_164, %parallel_loop3A_165] {strides = array<i32>} : memref<128x80xf32, #tpu.memory_space<vmem>>, vector<1x16xf32>,
        %parallel_loop3A_167 = vector.shape_cast %parallel_loop3A_166 : vector<1x16xf32> to vector<16xf32>
        %parallel_loop3A_168 = vector.broadcast %parallel_loop3A_163 : f32 to vector<16xf32>
        %parallel_loop3A_169 = arith.mulf %parallel_loop3A_167, %parallel_loop3A_168 : vector<16xf32>
        %parallel_loop3A_170 = arith.index_cast %parallel_loop3A_100 : i32 to index
        %parallel_loop3A_171 = arith.constant 48 : index
        %parallel_loop3A_172 = tpu.vector_load %arg10[%parallel_loop3A_170, %parallel_loop3A_171] {strides = array<i32>} : memref<128x80xf32, #tpu.memory_space<vmem>>, vector<1x16xf32>,
        %parallel_loop3A_173 = vector.shape_cast %parallel_loop3A_172 : vector<1x16xf32> to vector<16xf32>
        %parallel_loop3A_174 = vector.shape_cast %parallel_loop3A_169 : vector<16xf32> to vector<1x16xf32>
        tpu.vector_store %arg10[%parallel_loop3A_170, %parallel_loop3A_171], %parallel_loop3A_174 {strides = array<i32>} : memref<128x80xf32, #tpu.memory_space<vmem>>, vector<1x16xf32>,
      } {sc.loop_unroll_factor = 8 : i64, sc.parallel_access}
      "tpu.region"() ({
        %run_scoped3A = tpu.sem_alloc : memref<!tpu.dma_semaphore, #tpu.memory_space<semaphore_mem>>
        %dma_start3A_100 = arith.constant 0 : i32
        %dma_start3A_101 = tpu.memref_slice %arg8[%add3A_83, %dma_start3A_100] : memref<80x128xi32, #tpu.memory_space<vmem>> -> memref<1x128xi32, #tpu.memory_space<vmem>>
        %dma_start3A_102 = tpu.memref_squeeze %dma_start3A_101 : memref<1x128xi32, #tpu.memory_space<vmem>> -> memref<128xi32, #tpu.memory_space<vmem>>
        %dma_start3A_103 = arith.constant 0 : i32
        %dma_start3A_104 = arith.constant 0 : i32
        %dma_start3A_105 = tpu.memref_slice %arg13[%dma_start3A_103, %dma_start3A_104] : memref<10240x80xf32, #tpu.memory_space<vmem_shared>> -> memref<10240x80xf32, #tpu.memory_space<vmem_shared>>
        tpu.enqueue_indirect_dma source(%arg10 : memref<128x80xf32, #tpu.memory_space<vmem>>) target(%dma_start3A_105 : memref<10240x80xf32, #tpu.memory_space<vmem_shared>>) offsets(%dma_start3A_102 : memref<128xi32, #tpu.memory_space<vmem>>) semaphore(%run_scoped3A : memref<!tpu.dma_semaphore, #tpu.memory_space<semaphore_mem>>) {add = true}
        %dma_wait3A_106 = arith.constant 0 : i32
        %dma_wait3A_107 = tpu.memref_slice %arg8[%add3A_83, %dma_wait3A_106] : memref<80x128xi32, #tpu.memory_space<vmem>> -> memref<1x128xi32, #tpu.memory_space<vmem>>
        %dma_wait3A_108 = tpu.memref_squeeze %dma_wait3A_107 : memref<1x128xi32, #tpu.memory_space<vmem>> -> memref<128xi32, #tpu.memory_space<vmem>>
        %dma_wait3A_109 = arith.constant 0 : i32
        %dma_wait3A_110 = arith.constant 0 : i32
        %dma_wait3A_111 = tpu.memref_slice %arg13[%dma_wait3A_109, %dma_wait3A_110] : memref<10240x80xf32, #tpu.memory_space<vmem_shared>> -> memref<10240x80xf32, #tpu.memory_space<vmem_shared>>
        tpu.wait_indirect_dma semaphore(%run_scoped3A : memref<!tpu.dma_semaphore, #tpu.memory_space<semaphore_mem>>) src(%arg10 : memref<128x80xf32, #tpu.memory_space<vmem>>) dst(%dma_wait3A_111 : memref<10240x80xf32, #tpu.memory_space<vmem_shared>>)
        tpu.yield
      }) : () -> ()
      %scan3A_99 = arith.constant 0 : i32
      scf.yield %scan3A_99 : i32
    }
    %scan3A_42 = arith.constant 40 : i32
    %barrier3A_43 = arith.constant 0 : index
    tpu.barrier barrier_id(%barrier3A_43)
    %mul3A_44 = arith.constant 640 : i32
    %mul3A_45 = arith.muli %arg1, %mul3A_44 : i32
    "tpu.region"() ({
      %run_scoped3A = tpu.sem_alloc : memref<!tpu.dma_semaphore, #tpu.memory_space<semaphore_mem>>
      %dma_start3A_46 = arith.constant 0 : i32
      %dma_start3A_47 = tpu.memref_slice %arg6[%arg0, %mul3A_45, %dma_start3A_46] : memref<2x10240x80xf32, #tpu.memory_space<hbm>> -> memref<1x640x80xf32, #tpu.memory_space<hbm>>
      %dma_start3A_48 = tpu.memref_squeeze %dma_start3A_47 : memref<1x640x80xf32, #tpu.memory_space<hbm>> -> memref<640x80xf32, #tpu.memory_space<hbm>>
      %dma_start3A_49 = arith.constant 0 : i32
      %dma_start3A_50 = tpu.memref_slice %arg13[%mul3A_45, %dma_start3A_49] : memref<10240x80xf32, #tpu.memory_space<vmem_shared>> -> memref<640x80xf32, #tpu.memory_space<vmem_shared>>
      tpu.enqueue_dma source(%dma_start3A_50 : memref<640x80xf32, #tpu.memory_space<vmem_shared>>) target(%dma_start3A_48 : memref<640x80xf32, #tpu.memory_space<hbm>>) target_semaphore(%run_scoped3A : memref<!tpu.dma_semaphore, #tpu.memory_space<semaphore_mem>>)
      %dma_wait3A = arith.constant 0 : i32
      %dma_wait3A_51 = tpu.memref_slice %arg6[%arg0, %mul3A_45, %dma_wait3A] : memref<2x10240x80xf32, #tpu.memory_space<hbm>> -> memref<1x640x80xf32, #tpu.memory_space<hbm>>
      %dma_wait3A_52 = tpu.memref_squeeze %dma_wait3A_51 : memref<1x640x80xf32, #tpu.memory_space<hbm>> -> memref<640x80xf32, #tpu.memory_space<hbm>>
      %dma_wait3A_53 = arith.constant 0 : i32
      %dma_wait3A_54 = tpu.memref_slice %arg13[%mul3A_45, %dma_wait3A_53] : memref<10240x80xf32, #tpu.memory_space<vmem_shared>> -> memref<640x80xf32, #tpu.memory_space<vmem_shared>>
      tpu.wait_dma2 semaphore(%run_scoped3A : memref<!tpu.dma_semaphore, #tpu.memory_space<semaphore_mem>>) src(%dma_wait3A_54 : memref<640x80xf32, #tpu.memory_space<vmem_shared>>) dst(%dma_wait3A_52 : memref<640x80xf32, #tpu.memory_space<hbm>>)
      tpu.yield
    }) : () -> ()
    return
  }
}

module attributes {stable_mosaic.version = 14 : i64} {
  func.func @_dense_in_body(%arg0: i32, %arg1: memref<640x128xf32, #tpu.memory_space<vmem>>, %arg2: memref<128x64xf32, #tpu.memory_space<vmem>>, %arg3: memref<1x64xf32, #tpu.memory_space<vmem>>, %arg4: memref<64x64xf32, #tpu.memory_space<vmem>>, %arg5: memref<64x80xf32, #tpu.memory_space<vmem>>, %arg6: memref<64x16xf32, #tpu.memory_space<vmem>>, %arg7: memref<640x80xf32, #tpu.memory_space<vmem>>, %arg8: memref<640x16xf32, #tpu.memory_space<vmem>>) attributes {dimension_semantics = [#tpu.dimension_semantics<arbitrary>], iteration_bounds = array<i64: 16>, scalar_prefetch = 0 : i64, scratch_operands = 0 : i64, tpu.core_type = #tpu.core_type<tc>, window_params = [{transform_indices = @transform_0, window_bounds = array<i64: 640, 128>}, {pipeline_mode = #tpu.pipeline_mode<synchronous>, transform_indices = @transform_1, window_bounds = array<i64: 128, 64>}, {pipeline_mode = #tpu.pipeline_mode<synchronous>, transform_indices = @transform_2, window_bounds = array<i64: 1, 64>}, {pipeline_mode = #tpu.pipeline_mode<synchronous>, transform_indices = @transform_3, window_bounds = array<i64: 64, 64>}, {pipeline_mode = #tpu.pipeline_mode<synchronous>, transform_indices = @transform_4, window_bounds = array<i64: 64, 80>}, {pipeline_mode = #tpu.pipeline_mode<synchronous>, transform_indices = @transform_5, window_bounds = array<i64: 64, 16>}, {transform_indices = @transform_6, window_bounds = array<i64: 640, 80>}, {transform_indices = @transform_7, window_bounds = array<i64: 640, 16>}]} {
    %get3A = arith.constant 0 : index
    %get3A_0 = arith.constant 0 : index
    %get3A_1 = vector.load %arg1[%get3A, %get3A_0] : memref<640x128xf32, #tpu.memory_space<vmem>>, vector<640x128xf32>
    %get3A_2 = arith.constant 0 : index
    %get3A_3 = arith.constant 0 : index
    %get3A_4 = vector.load %arg2[%get3A_2, %get3A_3] : memref<128x64xf32, #tpu.memory_space<vmem>>, vector<128x64xf32>
    %dot_general3A = arith.constant dense<0.000000e+00> : vector<640x64xf32>
    %dot_general3A_5 = tpu.matmul %get3A_1, %get3A_4, %dot_general3A {dimension_numbers = #tpu.dot_dimension_numbers<[1], [0], [0], [1], [0, 0, 1, 1], [], []>, transpose_lhs_hint = false} : vector<640x128xf32>, vector<128x64xf32>, vector<640x64xf32> -> vector<640x64xf32>
    %get3A_6 = arith.constant 0 : index
    %get3A_7 = arith.constant 0 : index
    %get3A_8 = vector.load %arg3[%get3A_6, %get3A_7] : memref<1x64xf32, #tpu.memory_space<vmem>>, vector<1x64xf32>
    %add3A = vector.broadcast %get3A_8 : vector<1x64xf32> to vector<640x64xf32>
    %add3A_9 = arith.addf %dot_general3A_5, %add3A : vector<640x64xf32>
    %max3A = arith.constant 0.000000e+00 : f32
    %max3A_10 = vector.broadcast %max3A : f32 to vector<640x64xf32>
    %max3A_11 = arith.maximumf %add3A_9, %max3A_10 : vector<640x64xf32>
    %get3A_12 = arith.constant 0 : index
    %get3A_13 = arith.constant 0 : index
    %get3A_14 = vector.load %arg4[%get3A_12, %get3A_13] : memref<64x64xf32, #tpu.memory_space<vmem>>, vector<64x64xf32>
    %dot_general3A_15 = arith.constant dense<0.000000e+00> : vector<640x64xf32>
    %dot_general3A_16 = tpu.matmul %max3A_11, %get3A_14, %dot_general3A_15 {dimension_numbers = #tpu.dot_dimension_numbers<[1], [0], [0], [1], [0, 0, 1, 1], [], []>, transpose_lhs_hint = false} : vector<640x64xf32>, vector<64x64xf32>, vector<640x64xf32> -> vector<640x64xf32>
    %get3A_17 = arith.constant 0 : index
    %get3A_18 = arith.constant 0 : index
    %get3A_19 = vector.load %arg5[%get3A_17, %get3A_18] : memref<64x80xf32, #tpu.memory_space<vmem>>, vector<64x80xf32>
    %dot_general3A_20 = arith.constant dense<0.000000e+00> : vector<640x80xf32>
    %dot_general3A_21 = tpu.matmul %dot_general3A_16, %get3A_19, %dot_general3A_20 {dimension_numbers = #tpu.dot_dimension_numbers<[1], [0], [0], [1], [0, 0, 1, 1], [], []>, transpose_lhs_hint = false} : vector<640x64xf32>, vector<64x80xf32>, vector<640x80xf32> -> vector<640x80xf32>
    %swap3A = arith.constant 0 : index
    %swap3A_22 = arith.constant 0 : index
    %swap3A_23 = vector.load %arg7[%swap3A, %swap3A_22] : memref<640x80xf32, #tpu.memory_space<vmem>>, vector<640x80xf32>
    tpu.vector_store %arg7[%swap3A, %swap3A_22], %dot_general3A_21 {strides = array<i32>} : memref<640x80xf32, #tpu.memory_space<vmem>>, vector<640x80xf32>,
    %get3A_24 = arith.constant 0 : index
    %get3A_25 = arith.constant 0 : index
    %get3A_26 = vector.load %arg6[%get3A_24, %get3A_25] : memref<64x16xf32, #tpu.memory_space<vmem>>, vector<64x16xf32>
    %dot_general3A_27 = arith.constant dense<0.000000e+00> : vector<640x16xf32>
    %dot_general3A_28 = tpu.matmul %dot_general3A_16, %get3A_26, %dot_general3A_27 {dimension_numbers = #tpu.dot_dimension_numbers<[1], [0], [0], [1], [0, 0, 1, 1], [], []>, transpose_lhs_hint = false} : vector<640x64xf32>, vector<64x16xf32>, vector<640x16xf32> -> vector<640x16xf32>
    %swap3A_29 = arith.constant 0 : index
    %swap3A_30 = arith.constant 0 : index
    %swap3A_31 = vector.load %arg8[%swap3A_29, %swap3A_30] : memref<640x16xf32, #tpu.memory_space<vmem>>, vector<640x16xf32>
    tpu.vector_store %arg8[%swap3A_29, %swap3A_30], %dot_general3A_28 {strides = array<i32>} : memref<640x16xf32, #tpu.memory_space<vmem>>, vector<640x16xf32>,
    return
  }
  func.func @transform_0(%arg0: i32) -> (i32, i32) {
    %c0_i32 = arith.constant 0 : i32
    %c0_i32_0 = arith.constant 0 : i32
    return %arg0, %c0_i32 : i32, i32
  }
  func.func @transform_1(%arg0: i32) -> (i32, i32) {
    %c0_i32 = arith.constant 0 : i32
    %c0_i32_0 = arith.constant 0 : i32
    %c0_i32_1 = arith.constant 0 : i32
    return %c0_i32, %c0_i32_0 : i32, i32
  }
  func.func @transform_2(%arg0: i32) -> (i32, i32) {
    %c0_i32 = arith.constant 0 : i32
    %c0_i32_0 = arith.constant 0 : i32
    %c0_i32_1 = arith.constant 0 : i32
    return %c0_i32, %c0_i32_0 : i32, i32
  }
  func.func @transform_3(%arg0: i32) -> (i32, i32) {
    %c0_i32 = arith.constant 0 : i32
    %c0_i32_0 = arith.constant 0 : i32
    %c0_i32_1 = arith.constant 0 : i32
    return %c0_i32, %c0_i32_0 : i32, i32
  }
  func.func @transform_4(%arg0: i32) -> (i32, i32) {
    %c0_i32 = arith.constant 0 : i32
    %c0_i32_0 = arith.constant 0 : i32
    %c0_i32_1 = arith.constant 0 : i32
    return %c0_i32, %c0_i32_0 : i32, i32
  }
  func.func @transform_5(%arg0: i32) -> (i32, i32) {
    %c0_i32 = arith.constant 0 : i32
    %c0_i32_0 = arith.constant 0 : i32
    %c0_i32_1 = arith.constant 0 : i32
    return %c0_i32, %c0_i32_0 : i32, i32
  }
  func.func @transform_6(%arg0: i32) -> (i32, i32) {
    %c0_i32 = arith.constant 0 : i32
    %c0_i32_0 = arith.constant 0 : i32
    return %arg0, %c0_i32 : i32, i32
  }
  func.func @transform_7(%arg0: i32) -> (i32, i32) {
    %c0_i32 = arith.constant 0 : i32
    %c0_i32_0 = arith.constant 0 : i32
    return %arg0, %c0_i32 : i32, i32
  }
}

module attributes {stable_mosaic.version = 14 : i64} {
  func.func @_dense_mid_body(%arg0: i32, %arg1: memref<2x640x80xf32, #tpu.memory_space<vmem>>, %arg2: memref<80x64xf32, #tpu.memory_space<vmem>>, %arg3: memref<80x64xf32, #tpu.memory_space<vmem>>, %arg4: memref<1x64xf32, #tpu.memory_space<vmem>>, %arg5: memref<64x64xf32, #tpu.memory_space<vmem>>, %arg6: memref<64x80xf32, #tpu.memory_space<vmem>>, %arg7: memref<64x16xf32, #tpu.memory_space<vmem>>, %arg8: memref<640x80xf32, #tpu.memory_space<vmem>>, %arg9: memref<640x16xf32, #tpu.memory_space<vmem>>) attributes {dimension_semantics = [#tpu.dimension_semantics<arbitrary>], iteration_bounds = array<i64: 16>, scalar_prefetch = 0 : i64, scratch_operands = 0 : i64, tpu.core_type = #tpu.core_type<tc>, window_params = [{transform_indices = @transform_0, window_bounds = array<i64: 2, 640, 80>}, {pipeline_mode = #tpu.pipeline_mode<synchronous>, transform_indices = @transform_1, window_bounds = array<i64: 80, 64>}, {pipeline_mode = #tpu.pipeline_mode<synchronous>, transform_indices = @transform_2, window_bounds = array<i64: 80, 64>}, {pipeline_mode = #tpu.pipeline_mode<synchronous>, transform_indices = @transform_3, window_bounds = array<i64: 1, 64>}, {pipeline_mode = #tpu.pipeline_mode<synchronous>, transform_indices = @transform_4, window_bounds = array<i64: 64, 64>}, {pipeline_mode = #tpu.pipeline_mode<synchronous>, transform_indices = @transform_5, window_bounds = array<i64: 64, 80>}, {pipeline_mode = #tpu.pipeline_mode<synchronous>, transform_indices = @transform_6, window_bounds = array<i64: 64, 16>}, {transform_indices = @transform_7, window_bounds = array<i64: 640, 80>}, {transform_indices = @transform_8, window_bounds = array<i64: 640, 16>}]} {
    %get3A = arith.constant 0 : index
    %get3A_0 = arith.constant 0 : index
    %get3A_1 = arith.constant 0 : index
    %get3A_2 = vector.load %arg1[%get3A, %get3A_0, %get3A_1] : memref<2x640x80xf32, #tpu.memory_space<vmem>>, vector<1x640x80xf32>
    %get3A_3 = vector.shape_cast %get3A_2 : vector<1x640x80xf32> to vector<640x80xf32>
    %get3A_4 = arith.constant 1 : index
    %get3A_5 = arith.constant 0 : index
    %get3A_6 = arith.constant 0 : index
    %get3A_7 = vector.load %arg1[%get3A_4, %get3A_5, %get3A_6] : memref<2x640x80xf32, #tpu.memory_space<vmem>>, vector<1x640x80xf32>
    %get3A_8 = vector.shape_cast %get3A_7 : vector<1x640x80xf32> to vector<640x80xf32>
    %add3A = arith.addf %get3A_3, %get3A_8 : vector<640x80xf32>
    %get3A_9 = arith.constant 0 : index
    %get3A_10 = arith.constant 0 : index
    %get3A_11 = vector.load %arg2[%get3A_9, %get3A_10] : memref<80x64xf32, #tpu.memory_space<vmem>>, vector<80x64xf32>
    %dot_general3A = arith.constant dense<0.000000e+00> : vector<640x64xf32>
    %dot_general3A_12 = tpu.matmul %add3A, %get3A_11, %dot_general3A {dimension_numbers = #tpu.dot_dimension_numbers<[1], [0], [0], [1], [0, 0, 1, 1], [], []>, transpose_lhs_hint = false} : vector<640x80xf32>, vector<80x64xf32>, vector<640x64xf32> -> vector<640x64xf32>
    %get3A_13 = arith.constant 0 : index
    %get3A_14 = arith.constant 0 : index
    %get3A_15 = vector.load %arg3[%get3A_13, %get3A_14] : memref<80x64xf32, #tpu.memory_space<vmem>>, vector<80x64xf32>
    %dot_general3A_16 = arith.constant dense<0.000000e+00> : vector<640x64xf32>
    %dot_general3A_17 = tpu.matmul %add3A, %get3A_15, %dot_general3A_16 {dimension_numbers = #tpu.dot_dimension_numbers<[1], [0], [0], [1], [0, 0, 1, 1], [], []>, transpose_lhs_hint = false} : vector<640x80xf32>, vector<80x64xf32>, vector<640x64xf32> -> vector<640x64xf32>
    %max3A = arith.constant 9.99999971E-10 : f32
    %max3A_18 = vector.broadcast %max3A : f32 to vector<640x64xf32>
    %max3A_19 = arith.maximumf %dot_general3A_17, %max3A_18 : vector<640x64xf32>
    %div3A = arith.divf %dot_general3A_12, %max3A_19 : vector<640x64xf32>
    %get3A_20 = arith.constant 0 : index
    %get3A_21 = arith.constant 0 : index
    %get3A_22 = vector.load %arg4[%get3A_20, %get3A_21] : memref<1x64xf32, #tpu.memory_space<vmem>>, vector<1x64xf32>
    %add3A_23 = vector.broadcast %get3A_22 : vector<1x64xf32> to vector<640x64xf32>
    %add3A_24 = arith.addf %div3A, %add3A_23 : vector<640x64xf32>
    %get3A_25 = arith.constant 0 : index
    %get3A_26 = arith.constant 0 : index
    %get3A_27 = vector.load %arg5[%get3A_25, %get3A_26] : memref<64x64xf32, #tpu.memory_space<vmem>>, vector<64x64xf32>
    %dot_general3A_28 = arith.constant dense<0.000000e+00> : vector<640x64xf32>
    %dot_general3A_29 = tpu.matmul %add3A_24, %get3A_27, %dot_general3A_28 {dimension_numbers = #tpu.dot_dimension_numbers<[1], [0], [0], [1], [0, 0, 1, 1], [], []>, transpose_lhs_hint = false} : vector<640x64xf32>, vector<64x64xf32>, vector<640x64xf32> -> vector<640x64xf32>
    %get3A_30 = arith.constant 0 : index
    %get3A_31 = arith.constant 0 : index
    %get3A_32 = vector.load %arg6[%get3A_30, %get3A_31] : memref<64x80xf32, #tpu.memory_space<vmem>>, vector<64x80xf32>
    %dot_general3A_33 = arith.constant dense<0.000000e+00> : vector<640x80xf32>
    %dot_general3A_34 = tpu.matmul %dot_general3A_29, %get3A_32, %dot_general3A_33 {dimension_numbers = #tpu.dot_dimension_numbers<[1], [0], [0], [1], [0, 0, 1, 1], [], []>, transpose_lhs_hint = false} : vector<640x64xf32>, vector<64x80xf32>, vector<640x80xf32> -> vector<640x80xf32>
    %swap3A = arith.constant 0 : index
    %swap3A_35 = arith.constant 0 : index
    %swap3A_36 = vector.load %arg8[%swap3A, %swap3A_35] : memref<640x80xf32, #tpu.memory_space<vmem>>, vector<640x80xf32>
    tpu.vector_store %arg8[%swap3A, %swap3A_35], %dot_general3A_34 {strides = array<i32>} : memref<640x80xf32, #tpu.memory_space<vmem>>, vector<640x80xf32>,
    %get3A_37 = arith.constant 0 : index
    %get3A_38 = arith.constant 0 : index
    %get3A_39 = vector.load %arg7[%get3A_37, %get3A_38] : memref<64x16xf32, #tpu.memory_space<vmem>>, vector<64x16xf32>
    %dot_general3A_40 = arith.constant dense<0.000000e+00> : vector<640x16xf32>
    %dot_general3A_41 = tpu.matmul %dot_general3A_29, %get3A_39, %dot_general3A_40 {dimension_numbers = #tpu.dot_dimension_numbers<[1], [0], [0], [1], [0, 0, 1, 1], [], []>, transpose_lhs_hint = false} : vector<640x64xf32>, vector<64x16xf32>, vector<640x16xf32> -> vector<640x16xf32>
    %swap3A_42 = arith.constant 0 : index
    %swap3A_43 = arith.constant 0 : index
    %swap3A_44 = vector.load %arg9[%swap3A_42, %swap3A_43] : memref<640x16xf32, #tpu.memory_space<vmem>>, vector<640x16xf32>
    tpu.vector_store %arg9[%swap3A_42, %swap3A_43], %dot_general3A_41 {strides = array<i32>} : memref<640x16xf32, #tpu.memory_space<vmem>>, vector<640x16xf32>,
    return
  }
  func.func @transform_0(%arg0: i32) -> (i32, i32, i32) {
    %c0_i32 = arith.constant 0 : i32
    %c0_i32_0 = arith.constant 0 : i32
    %c0_i32_1 = arith.constant 0 : i32
    return %c0_i32, %arg0, %c0_i32_0 : i32, i32, i32
  }
  func.func @transform_1(%arg0: i32) -> (i32, i32) {
    %c0_i32 = arith.constant 0 : i32
    %c0_i32_0 = arith.constant 0 : i32
    %c0_i32_1 = arith.constant 0 : i32
    return %c0_i32, %c0_i32_0 : i32, i32
  }
  func.func @transform_2(%arg0: i32) -> (i32, i32) {
    %c0_i32 = arith.constant 0 : i32
    %c0_i32_0 = arith.constant 0 : i32
    %c0_i32_1 = arith.constant 0 : i32
    return %c0_i32, %c0_i32_0 : i32, i32
  }
  func.func @transform_3(%arg0: i32) -> (i32, i32) {
    %c0_i32 = arith.constant 0 : i32
    %c0_i32_0 = arith.constant 0 : i32
    %c0_i32_1 = arith.constant 0 : i32
    return %c0_i32, %c0_i32_0 : i32, i32
  }
  func.func @transform_4(%arg0: i32) -> (i32, i32) {
    %c0_i32 = arith.constant 0 : i32
    %c0_i32_0 = arith.constant 0 : i32
    %c0_i32_1 = arith.constant 0 : i32
    return %c0_i32, %c0_i32_0 : i32, i32
  }
  func.func @transform_5(%arg0: i32) -> (i32, i32) {
    %c0_i32 = arith.constant 0 : i32
    %c0_i32_0 = arith.constant 0 : i32
    %c0_i32_1 = arith.constant 0 : i32
    return %c0_i32, %c0_i32_0 : i32, i32
  }
  func.func @transform_6(%arg0: i32) -> (i32, i32) {
    %c0_i32 = arith.constant 0 : i32
    %c0_i32_0 = arith.constant 0 : i32
    %c0_i32_1 = arith.constant 0 : i32
    return %c0_i32, %c0_i32_0 : i32, i32
  }
  func.func @transform_7(%arg0: i32) -> (i32, i32) {
    %c0_i32 = arith.constant 0 : i32
    %c0_i32_0 = arith.constant 0 : i32
    return %arg0, %c0_i32 : i32, i32
  }
  func.func @transform_8(%arg0: i32) -> (i32, i32) {
    %c0_i32 = arith.constant 0 : i32
    %c0_i32_0 = arith.constant 0 : i32
    return %arg0, %c0_i32 : i32, i32
  }
}

module attributes {stable_mosaic.version = 14 : i64} {
  func.func @_dense_out_body(%arg0: i32, %arg1: memref<2x640x80xf32, #tpu.memory_space<vmem>>, %arg2: memref<80x64xf32, #tpu.memory_space<vmem>>, %arg3: memref<80x64xf32, #tpu.memory_space<vmem>>, %arg4: memref<1x64xf32, #tpu.memory_space<vmem>>, %arg5: memref<640x64xf32, #tpu.memory_space<vmem>>) attributes {dimension_semantics = [#tpu.dimension_semantics<arbitrary>], iteration_bounds = array<i64: 16>, scalar_prefetch = 0 : i64, scratch_operands = 0 : i64, tpu.core_type = #tpu.core_type<tc>, window_params = [{transform_indices = @transform_0, window_bounds = array<i64: 2, 640, 80>}, {pipeline_mode = #tpu.pipeline_mode<synchronous>, transform_indices = @transform_1, window_bounds = array<i64: 80, 64>}, {pipeline_mode = #tpu.pipeline_mode<synchronous>, transform_indices = @transform_2, window_bounds = array<i64: 80, 64>}, {pipeline_mode = #tpu.pipeline_mode<synchronous>, transform_indices = @transform_3, window_bounds = array<i64: 1, 64>}, {transform_indices = @transform_4, window_bounds = array<i64: 640, 64>}]} {
    %get3A = arith.constant 0 : index
    %get3A_0 = arith.constant 0 : index
    %get3A_1 = arith.constant 0 : index
    %get3A_2 = vector.load %arg1[%get3A, %get3A_0, %get3A_1] : memref<2x640x80xf32, #tpu.memory_space<vmem>>, vector<1x640x80xf32>
    %get3A_3 = vector.shape_cast %get3A_2 : vector<1x640x80xf32> to vector<640x80xf32>
    %get3A_4 = arith.constant 1 : index
    %get3A_5 = arith.constant 0 : index
    %get3A_6 = arith.constant 0 : index
    %get3A_7 = vector.load %arg1[%get3A_4, %get3A_5, %get3A_6] : memref<2x640x80xf32, #tpu.memory_space<vmem>>, vector<1x640x80xf32>
    %get3A_8 = vector.shape_cast %get3A_7 : vector<1x640x80xf32> to vector<640x80xf32>
    %add3A = arith.addf %get3A_3, %get3A_8 : vector<640x80xf32>
    %get3A_9 = arith.constant 0 : index
    %get3A_10 = arith.constant 0 : index
    %get3A_11 = vector.load %arg2[%get3A_9, %get3A_10] : memref<80x64xf32, #tpu.memory_space<vmem>>, vector<80x64xf32>
    %dot_general3A = arith.constant dense<0.000000e+00> : vector<640x64xf32>
    %dot_general3A_12 = tpu.matmul %add3A, %get3A_11, %dot_general3A {dimension_numbers = #tpu.dot_dimension_numbers<[1], [0], [0], [1], [0, 0, 1, 1], [], []>, transpose_lhs_hint = false} : vector<640x80xf32>, vector<80x64xf32>, vector<640x64xf32> -> vector<640x64xf32>
    %get3A_13 = arith.constant 0 : index
    %get3A_14 = arith.constant 0 : index
    %get3A_15 = vector.load %arg3[%get3A_13, %get3A_14] : memref<80x64xf32, #tpu.memory_space<vmem>>, vector<80x64xf32>
    %dot_general3A_16 = arith.constant dense<0.000000e+00> : vector<640x64xf32>
    %dot_general3A_17 = tpu.matmul %add3A, %get3A_15, %dot_general3A_16 {dimension_numbers = #tpu.dot_dimension_numbers<[1], [0], [0], [1], [0, 0, 1, 1], [], []>, transpose_lhs_hint = false} : vector<640x80xf32>, vector<80x64xf32>, vector<640x64xf32> -> vector<640x64xf32>
    %max3A = arith.constant 9.99999971E-10 : f32
    %max3A_18 = vector.broadcast %max3A : f32 to vector<640x64xf32>
    %max3A_19 = arith.maximumf %dot_general3A_17, %max3A_18 : vector<640x64xf32>
    %div3A = arith.divf %dot_general3A_12, %max3A_19 : vector<640x64xf32>
    %get3A_20 = arith.constant 0 : index
    %get3A_21 = arith.constant 0 : index
    %get3A_22 = vector.load %arg4[%get3A_20, %get3A_21] : memref<1x64xf32, #tpu.memory_space<vmem>>, vector<1x64xf32>
    %add3A_23 = vector.broadcast %get3A_22 : vector<1x64xf32> to vector<640x64xf32>
    %add3A_24 = arith.addf %div3A, %add3A_23 : vector<640x64xf32>
    %mul3A = arith.mulf %add3A_24, %add3A_24 : vector<640x64xf32>
    %reduce_sum3A = arith.constant dense<0.000000e+00> : vector<640xf32>
    %reduce_sum3A_25 = vector.multi_reduction <add>, %mul3A, %reduce_sum3A [1] : vector<640x64xf32> to vector<640xf32>
    %broadcast_in_dim3A = vector.shape_cast %reduce_sum3A_25 : vector<640xf32> to vector<640x1xf32>
    %sqrt3A = math.sqrt %broadcast_in_dim3A : vector<640x1xf32>
    %max3A_26 = arith.constant 9.99999996E-13 : f32
    %max3A_27 = vector.broadcast %max3A_26 : f32 to vector<640x1xf32>
    %max3A_28 = arith.maximumf %sqrt3A, %max3A_27 : vector<640x1xf32>
    %div3A_29 = vector.broadcast %max3A_28 : vector<640x1xf32> to vector<640x64xf32>
    %div3A_30 = arith.divf %add3A_24, %div3A_29 : vector<640x64xf32>
    %swap3A = arith.constant 0 : index
    %swap3A_31 = arith.constant 0 : index
    %swap3A_32 = vector.load %arg5[%swap3A, %swap3A_31] : memref<640x64xf32, #tpu.memory_space<vmem>>, vector<640x64xf32>
    tpu.vector_store %arg5[%swap3A, %swap3A_31], %div3A_30 {strides = array<i32>} : memref<640x64xf32, #tpu.memory_space<vmem>>, vector<640x64xf32>,
    return
  }
  func.func @transform_0(%arg0: i32) -> (i32, i32, i32) {
    %c0_i32 = arith.constant 0 : i32
    %c0_i32_0 = arith.constant 0 : i32
    %c0_i32_1 = arith.constant 0 : i32
    return %c0_i32, %arg0, %c0_i32_0 : i32, i32, i32
  }
  func.func @transform_1(%arg0: i32) -> (i32, i32) {
    %c0_i32 = arith.constant 0 : i32
    %c0_i32_0 = arith.constant 0 : i32
    %c0_i32_1 = arith.constant 0 : i32
    return %c0_i32, %c0_i32_0 : i32, i32
  }
  func.func @transform_2(%arg0: i32) -> (i32, i32) {
    %c0_i32 = arith.constant 0 : i32
    %c0_i32_0 = arith.constant 0 : i32
    %c0_i32_1 = arith.constant 0 : i32
    return %c0_i32, %c0_i32_0 : i32, i32
  }
  func.func @transform_3(%arg0: i32) -> (i32, i32) {
    %c0_i32 = arith.constant 0 : i32
    %c0_i32_0 = arith.constant 0 : i32
    %c0_i32_1 = arith.constant 0 : i32
    return %c0_i32, %c0_i32_0 : i32, i32
  }
  func.func @transform_4(%arg0: i32) -> (i32, i32) {
    %c0_i32 = arith.constant 0 : i32
    %c0_i32_0 = arith.constant 0 : i32
    return %arg0, %c0_i32 : i32, i32
  }
}

</mosaic_0001>

<sc_bundles>
// kernel: kernel.10.cloned.1.call-start
scs
__scs_entry_jumppad:
0x0: {  	(pc) =	sbr.rel $0x88, $3  }
0x1: {  	(tag) =	ssettag $0x0;
	lr =	simm.s32 $0x1  }
0x2: {  	[smem:$0x3F95] =	sst lr;
	_ =	strace $0xD0000000  }
0x3: {  	_ = 	snop  }
0x4: {  	_ = 	snop  }
0x5: {  	_ = 	snop  }
0x6: {  	_ = 	snop  }
0x7: {  	_ = 	snop  }
__scs_overlays_trampoline_lowered:
0x8: {  	[smem:$0x3FA4] =	sst s0  }
0x9: {  	[smem:$0x3FA5] =	sst s1  }
0xa: {  	[smem:$0x3FA6] =	sst s2  }
0xb: {  	[smem:$0x3FA7] =	sst s3  }
0xc: {  	[smem:$0x3FA8] =	sst s4  }
0xd: {  	[smem:$0x3FA9] =	sst s5  }
0xe: {  	[smem:$0x3FAA] =	sst s6  }
0xf: {  	[smem:$0x3FAB] =	sst s7  }
0x10: {  	[smem:$0x3FAC] =	sst s8  }
0x11: {  	[smem:$0x3FAD] =	sst s9;
	s0 =	simm.s32 @!p0 $0x0  }
0x12: {  	s1 =	sld [smem:$0x3F93];
	s0 =	simm.s32 @p0 $0x1  }
0x13: {  	[smem:$0x3FAE] =	sst s0;
	s0 =	simm.s32 @!p1 $0x0  }
0x14: {  	s2 =	sld [smem:$0x3F92];
	s0 =	simm.s32 @p1 $0x1  }
0x15: {  	[smem:$0x3FAF] =	sst s0;
	s0 =	simm.s32 @!p2 $0x0  }
0x16: {  	s3 =	sld [smem:$0x3FDB];
	s0 =	simm.s32 @p2 $0x1  }
0x17: {  	s4 =	simm.s32 $0x1BF5;
	[smem:$0x3FB1] =	sst s0  }
0x18: {  	s0 =	sld [smem:$0x3F94];
	_ =	swait.ge [sflag:s4], $0x0  }
0x19: {  	s7 =	sld [smem:$0x3F95]  }
0x1a: {  	s8 =	sadd.s32 $0xFFFFE003, lr  }
0x1b: {  	s9 =	sadd.s32 $0xFFFFFEF7, lr;
	s5 =	simm.s32 $0xFFFFFFFF;
	p2 =	slt.u32 s8, $0xFFFFF086  }
0x1c: {  	p1 =	slt.u32 s9, $0xF7A;
	s5 =	simm.s32 @!p2 $0x0  }
0x1d: {  	s5 =	simm.s32 @p1 $0x1;
	p0 =	seq.s32 s7, s2  }
0x1e: {  	s7 =	smul.u32 @!p0 $0xF7A, s2;
	p2 =	seq.s32 @!p0 s5, $0x0  }
0x1f: {  	s9 =	smul.u32 $0xF7A, s1;
	s8 =	simm.s32 @!p0 $0x1BF5;
	p2 =	por !p2, p0  }
0x20: {  	[sflag:s8] =	ssyncset.s32 @!p0 $0xFFFFF086;
	s6 =	sadd.s32 @!p0 s3, s7;
	s7 =	simm.s32 @!p0 $0x108  }
0x21: {  	s3 =	sadd.s32 s3, s9;
	s6 =	sadd.s32 @!p0 $0x88, s6;
	s7 =	simm.s32 @p2 $0x1082  }
0x22: {  	[simem:s7], [sflag:s8] =	dma.local @!p0 [hbm:s6], $0xF7A  }
0x23: {  	s9 =	sor.u32 $0xD0000000, s2;
	s6 =	simm.s32 $0x108;
	_ =	swait.ge @!p0 [sflag:s8], $0x0  }
0x24: {  	s3 =	sadd.s32 $0x88, s3;
	s6 =	simm.s32 @!p1 $0x1082;
	[sflag:s4] =	ssyncset.s32 $0xFFFFF086  }
0x25: {  	[simem:s6], [sflag:s4] =	dma.local [hbm:s3], $0xF7A  }
0x26: {  	[smem:$0x3F95] =	sst s1;
	(tag) =	ssettag s2;
	_ =	strace s9  }
0x27: {  	s1 =	sld [smem:$0x3FA5]  }
0x28: {  	s2 =	sld [smem:$0x3FA6]  }
0x29: {  	s4 =	sld [smem:$0x3FA8]  }
0x2a: {  	p0 =	seq.s32 s5, $0x0;
	s5 =	sld [smem:$0x3FA9]  }
0x2b: {  	s6 =	sld [smem:$0x3FAA]  }
0x2c: {  	s7 =	sld [smem:$0x3FAB]  }
0x2d: {  	s3 =	simm.s32 $0x108;
	s8 =	sld [smem:$0x3FAC]  }
0x2e: {  	s3 =	simm.s32 @!p0 $0x1082;
	s9 =	sld [smem:$0x3FAD]  }
0x2f: {  	lr =	sadd.s32 s0, s3;
	s0 =	sld [smem:$0x3FA4]  }
0x30: {  	s3 =	sld [smem:$0x3FA7]  }
0x31: {  	[smem:$0x3FB0] =	sst s10  }
0x32: {  	s10 =	sld [smem:$0x3FAE];
	_ =	sdelay $0x3  }
0x33: {  	p0 =	seq.s32 s10, $0x1;
	s10 =	sld [smem:$0x3FB0];
	_ =	sdelay $0x3  }
0x34: {  	[smem:$0x3FB0] =	sst s10  }
0x35: {  	s10 =	sld [smem:$0x3FAF];
	_ =	sdelay $0x3  }
0x36: {  	p1 =	seq.s32 s10, $0x1;
	s10 =	sld [smem:$0x3FB0];
	_ =	sdelay $0x3  }
0x37: {  	[smem:$0x3FB0] =	sst s10  }
0x38: {  	s10 =	sld [smem:$0x3FB1]  }
0x39: {  	_ = 	snop;
	(pc) =	sbr.ind lr, $3  }
0x3a: {  	_ = 	snop  }
0x3b: {  	_ = 	snop  }
0x3c: {  	p2 =	seq.s32 s10, $0x1;
	s10 =	sld [smem:$0x3FB0]  }
0x3d: {  	_ =	shalt  }
0x3e: {  	_ =	shalt  }
0x3f: {  	_ =	shalt  }
0x40: {  	_ =	shalt  }
0x41: {  	_ =	shalt  }
0x42: {  	_ =	shalt  }
0x43: {  	_ =	shalt  }
0x44: {  	_ =	shalt  }
0x45: {  	_ =	shalt  }
0x46: {  	_ =	shalt  }
0x47: {  	_ =	shalt  }
0x48: {  	_ =	shalt  }
0x49: {  	_ =	shalt  }
0x4a: {  	_ =	shalt  }
0x4b: {  	_ =	shalt  }
0x4c: {  	_ =	shalt  }
0x4d: {  	_ =	shalt  }
0x4e: {  	_ =	shalt  }
0x4f: {  	_ =	shalt  }
0x50: {  	_ =	shalt  }
0x51: {  	_ =	shalt  }
0x52: {  	_ =	shalt  }
0x53: {  	_ =	shalt  }
0x54: {  	_ =	shalt  }
0x55: {  	_ =	shalt  }
0x56: {  	_ =	shalt  }
0x57: {  	_ =	shalt  }
0x58: {  	_ =	shalt  }
0x59: {  	_ =	shalt  }
0x5a: {  	_ =	shalt  }
0x5b: {  	_ =	shalt  }
0x5c: {  	_ =	shalt  }
0x5d: {  	_ =	shalt  }
0x5e: {  	_ =	shalt  }
0x5f: {  	_ =	shalt  }
0x60: {  	_ =	shalt  }
0x61: {  	_ =	shalt  }
0x62: {  	_ =	shalt  }
0x63: {  	_ =	shalt  }
0x64: {  	_ =	shalt  }
0x65: {  	_ =	shalt  }
0x66: {  	_ =	shalt  }
0x67: {  	_ =	shalt  }
0x68: {  	_ =	shalt  }
0x69: {  	_ =	shalt  }
0x6a: {  	_ =	shalt  }
0x6b: {  	_ =	shalt  }
0x6c: {  	_ =	shalt  }
0x6d: {  	_ =	shalt  }
0x6e: {  	_ =	shalt  }
0x6f: {  	_ =	shalt  }
0x70: {  	_ =	shalt  }
0x71: {  	_ =	shalt  }
0x72: {  	_ =	shalt  }
0x73: {  	_ =	shalt  }
0x74: {  	_ =	shalt  }
0x75: {  	_ =	shalt  }
0x76: {  	_ =	shalt  }
0x77: {  	_ =	shalt  }
0x78: {  	_ =	shalt  }
0x79: {  	_ =	shalt  }
0x7a: {  	_ =	shalt  }
0x7b: {  	_ =	shalt  }
0x7c: {  	_ =	shalt  }
0x7d: {  	_ =	shalt  }
0x7e: {  	_ =	shalt  }
0x7f: {  	_ =	shalt  }
0x80: {  	_ =	shalt  }
0x81: {  	_ =	shalt  }
0x82: {  	_ =	shalt  }
0x83: {  	_ =	shalt  }
0x84: {  	_ =	shalt  }
0x85: {  	_ =	shalt  }
0x86: {  	_ =	shalt  }
0x87: {  	_ =	shalt  }
.Lfunc_end0:
.L_simem_size_0:
called_computation.1_lowered:
.L_overlay_start_0:
0x88: {  	s2 =	sld [smem:$0x3FD9]  }
0x89: {  	s3 =	sld [smem:$0x3FFE];
	_ =	sdelay $0x1  }
0x8a: {  	s1 =	srdreg.scid  }
0x8b: {  	s0 =	sand.u32 $0x1, s1  }
0x8c: {  	s17 =	sshll.u32 s0, $0xA;
	s2 =	sadd.s32 s3, s2  }
0x8d: {  	s2 =	sadd.s32 s2, s17  }
0x8e: {  	[smem:$0x3FBC] =	sst s2  }
0x8f: {  	_ = 	snop  }
0x90: {  	s2 =	sld [smem:$0x3FD0];
	(tm) =	ssettm $0x1  }
0x91: {  	s18 =	sld [smem:$0x3FFB];
	_ =	sdelay $0x3  }
0x92: {  	_ =	strace s18  }
0x93: {  	s3 =	sld [smem:$0x3FFC];
	_ =	sdelay $0x3  }
0x94: {  	_ =	strace s3  }
0x95: {  	s3 =	sld [smem:$0x3FFD];
	_ =	sdelay $0x3  }
0x96: {  	_ =	strace s3  }
0x97: {  	_ =	strace $0x8FFFFFFF  }
0x98: {  	s19 =	sld [smem:$0x3FDB];
	_ =	sdelay $0x1  }
0x99: {  	s4 =	simm.s32 $_scs_section_size  }
0x9a: {  	s5 =	simm.s32 $_size__tile_overlayer_lowered;
	s6 =	simm.s32 $_tile_overlayer_lowered  }
0x9b: {  	s22 =	simm.s32 $0x1BFF;
	s21 =	sshll.u32 s6, $0x1;
	s3 =	sadd.s32 s4, s19  }
0x9c: {  	s7 =	simm.s32 $0x0;
	s20 =	sshll.u32 s5, $0x1;
	s5 =	sadd.s32 s21, s3  }
0x9d: {  	[timem:s7], [sflag:s22] =	dma.local [hbm:s5], s20  }
0x9e: {  	_ =	swait.ge [sflag:s22], s20  }
0x9f: {  	s4 =	ssub.s32 $0x0, s20;
	[sflag:s22] =	ssyncset.done $0x0  }
0xa0: {  	[sflag:s22] =	ssyncadd.s32 s4;
	_ =	sdelay $0x1  }
0xa1: {  	s23 =	simm.s32 $0x1B8B  }
0xa2: {  	_ =	swait.ge [sflag:s23], $0x1  }
0xa3: {  	[sflag:s23] =	ssyncset.done $0x0  }
0xa4: {  	s25 =	simm.s32 $0x1B8E;
	s24 =	sld [smem:$0x3FFE];
	[sflag:s23] =	ssyncadd.s32 $0xFFFFFFFF  }
0xa5: {  	s26 =	simm.s32 $execute0_lowered;
	[smem:$0x3FD2] =	sst s25  }
0xa6: {  	s5 =	sshll.u32 s26, $0x1;
	_ =	strace $0x80000049;
	[dreg:$0x1] =	wrdreg $0xFFFFFFFF  }
0xa7: {  	s28 =	simm.s32 $_size_execute0_lowered;
	s3 =	sadd.s32 s3, s5;
	[dreg:$0x0] =	wrdreg $0x0  }
0xa8: {  	s5 =	sshll.u32 s28, $0x1;
	[dreg:$0x2] =	wrdreg s3  }
0xa9: {  	[dreg:$0x3] =	wrdreg s5  }
0xaa: {  	[dreg:$0x4] =	wrdreg $0xC0  }
0xab: {  	_ =	task [dreg:s7], $0x5FFFF  }
0xac: {  	[dreg:$0x1] =	wrdreg $0xFFFFFFFF  }
0xad: {  	[dreg:$0x0] =	wrdreg $0x60  }
0xae: {  	[dreg:$0x2] =	wrdreg s24  }
0xaf: {  	[dreg:$0x3] =	wrdreg s2  }
0xb0: {  	[dreg:$0x4] =	wrdreg $0xB0000  }
0xb1: {  	[dreg:$0x5] =	wrdreg $0x9  }
0xb2: {  	_ =	task.clear_ibuf [dreg:s7], $0x6FFFF;
	_ =	strace $0x90000049  }
0xb3: {  	s29 =	simm.s32 $0x9;
	_ =	strace $0x8000004B  }
0xb4: {  	_ =	swait.ge [sflag:s29], $0x1  }
0xb5: {  	[sflag:s29] =	ssyncadd.s32 $0xFFFFFFFF  }
0xb6: {  	_ =	strace $0x9000004B  }
0xb7: {  	_ =	sfence  }
0xb8: {  	s30 =	sld [smem:$0x0];
	_ =	sdelay $0x2  }
0xb9: {  	s31 =	sshll.u32 s1, $0xD;
	s1 =	sshrl.u32 s1, $0x2  }
0xba: {  	s3 =	sand.u32 $0x4000, s31;
	s1 =	sadd.s32 s1, s30  }
0xbb: {  	s0 =	sor.u32 s3, s0;
	s1 =	sshll.u32 s1, $0x11  }
0xbc: {  	s0 =	sor.u32 s1, s0  }
0xbd: {  	s0 =	sadd.s32 $0x8F2B, s0  }
0xbe: {  	[sflag:s0] =	ssyncadd.remote.s32 $0x1  }
0xbf: {  	_ =	sfence.sel $0xFFFF  }
0xc0: {  	[dreg:$0x0] =	wrdreg $0xFFFFFFFF;
	(pc) =	sbr.abs _section_cstart, $3  }
0xc1: {  	[dreg:$0x1] =	wrdreg $0xFFFFFFFF  }
0xc2: {  	_ =	task.clear_ibuf [dreg:s7], $0x2FFFF;
	_ =	strace $0x9FFFFFFF  }
0xc3: {  	(tm) =	ssettm $0x7FFFFFFF  }
tec
execute0_lowered:
.L_overlay_start_1:
0x0: {  	(tag) =	ssettag $0x1  }
0x1: {  	s1 =	srdreg.scid  }
0x2: {  	s0 =	stileid.u32;
	s6 =	rddreg [dreg:$0x0]  }
0x3: {  	s11 =	rddreg [dreg:$0x1];
	s15 =	simm.s32 $0x5000;
	s16 =	simm.s32 $0x5  }
0x4: {  	s17 =	simm.s32 $0x2800;
	s18 =	simm.s32 $0x80;
	s20 =	simm.s32 $0x7800  }
0x5: {  	s21 =	simm.s32 $0xA800;
	s22 =	simm.s32 $0x1;
	s23 =	simm.s32 $0x3  }
0x6: {  	s24 =	simm.s32 $0x2;
	s25 =	simm.s32 $0x4;
	s1 =	sand.u32 $0x1, s1  }
0x7: {  	s2 =	sshll.u32 s0, $0x1;
	s7 =	smul.u32 $0xC800, s0;
	s4 =	sadd.s32 $0x400, s6  }
0x8: {  	s9 =	smul.u32 $0x32000, s0;
	s5 =	sadd.s32 $0x19400, s6;
	s3 =	sor.u32 s1, s2  }
0x9: {  	s2 =	rddreg [dreg:$0x2];
	s8 =	smul.u32 $0xC8000, s1;
	s1 =	ssub.s32 $0x2, s1  }
0xa: {  	s12 =	smul.u32 $0x500, s3;
	s3 =	simm.s32 $0x0;
	s9 =	sshrl.u32 s9, $0x2  }
0xb: {  	s31 =	sshrl.u32 s1, $0x1;
	[smem:$0x7FF] =	sst s3;
	s8 =	sadd.s32 s7, s8  }
0xc: {  	s10 =	sadd.s32 s9, s2;
	s1 =	ssub.s32 s1, s31;
	_ =	strace $0x8000004A  }
0xd: {  	s13 =	sadd.s32 s12, s6;
	s8 =	sshrl.u32 s8, $0x3;
	s9 =	sadd.s32 $0x7800, s10  }
0xe: {  	s11 =	sadd.s32 s11, s12;
	s14 =	sadd.s32 s8, s6;
	s6 =	sadd.s32 s7, s2  }
0xf: {  	s7 =	sadd.s32 $0x2800, s10;
	s8 =	sadd.s32 $0x5000, s10;
	s10 =	sadd.s32 $0xA000, s10  }
0x10: {  	v0 =	vimm.f32 $0.0e+00;
	s12 =	sadd.s32 $0x1E400, s13;
	s13 =	sadd.s32 $0x28400, s14;
	s14 =	smax.u32 s1, $0x1  }
.LBB2_1:
0x11: {  	s19 =	simm.s32 $0x140;
	s1 =	simm.s32 $0x0  }
.LBB2_2:
0x12: {  	p0 =	sne.s32 s19, $0x9EC0;
	[tilespmem:s1+$0x5040] =	vst v0;
	s26 =	smov.u32 s19;
	s19 =	sadd.s32 $0x140, s19  }
.Ltmp0:
0x13: {  	[tilespmem:s1+$0x5030] =	vst v0;
	(pc) =	sbr.rel @p0 .LBB2_2-.Ltmp0, $4  }
0x14: {  	[tilespmem:s1+$0x5020] =	vst v0  }
0x15: {  	[tilespmem:s1+$0x5000] =	vst v0  }
0x16: {  	[tilespmem:s1+$0x5010] =	vst v0  }
0x17: {  	s1 =	sshra.s32 s26, $0x2  }
0x18: {  	[tilespmem:s1+$0x5040] =	vst v0  }
0x19: {  	[tilespmem:s1+$0x5030] =	vst v0  }
0x1a: {  	[tilespmem:s1+$0x5020] =	vst v0  }
0x1b: {  	[tilespmem:s1+$0x5000] =	vst v0  }
0x1c: {  	[tilespmem:s1+$0x5010] =	vst v0  }
0x1d: {  	[spmem:s6] =	stream.linear.scatter [tilespmem:s15], [sflag:$0x5], $0x2800, $0x38;
	[tilespmem:$0x17800] =	vst v63  }
0x1e: {  	_ =	swait.ge [sflag:s16], $0x2800  }
0x1f: {  	[sflag:s16] =	ssyncset.done $0x0  }
0x20: {  	[sflag:s16] =	ssyncadd.s32 $0xFFFFD800  }
0x21: {  	[spmem:s7] =	stream.linear.scatter [tilespmem:s15], [sflag:$0x5], $0x2800, $0x38;
	[tilespmem:$0x17800] =	vst v63  }
0x22: {  	_ =	swait.ge [sflag:s16], $0x2800  }
0x23: {  	[sflag:s16] =	ssyncset.done $0x0  }
0x24: {  	[sflag:s16] =	ssyncadd.s32 $0xFFFFD800  }
0x25: {  	[spmem:s8] =	stream.linear.scatter [tilespmem:s15], [sflag:$0x5], $0x2800, $0x38;
	[tilespmem:$0x17800] =	vst v63  }
0x26: {  	_ =	swait.ge [sflag:s16], $0x2800  }
0x27: {  	[sflag:s16] =	ssyncset.done $0x0  }
0x28: {  	[sflag:s16] =	ssyncadd.s32 $0xFFFFD800  }
0x29: {  	[spmem:s9] =	stream.linear.scatter [tilespmem:s15], [sflag:$0x5], $0x2800, $0x38;
	[tilespmem:$0x17800] =	vst v63  }
0x2a: {  	_ =	swait.ge [sflag:s16], $0x2800  }
0x2b: {  	[sflag:s16] =	ssyncset.done $0x0  }
0x2c: {  	[sflag:s16] =	ssyncadd.s32 $0xFFFFD800  }
0x2d: {  	[spmem:s10] =	stream.linear.scatter [tilespmem:s15], [sflag:$0x5], $0x2800, $0x38;
	[tilespmem:$0x17800] =	vst v63  }
0x2e: {  	_ =	swait.ge [sflag:s16], $0x2800  }
0x2f: {  	[sflag:s16] =	ssyncset.done $0x0  }
0x30: {  	[sflag:s16] =	ssyncadd.s32 $0xFFFFD800  }
0x31: {  	s28 =	simm.s32 $0x0;
	[bflag:$0x0] =	sbarrier.arrive $0xFFFF  }
0x32: {  	[tilespmem:s28], [sflag:$0x5] =	stream.linear.gather [hbm4b:s11+s28], $0x2800, $0x38;
	[tilespmem:$0x17800] =	vst v63  }
0x33: {  	_ =	swait.ge [sflag:s16], $0x2800  }
0x34: {  	[sflag:s16] =	ssyncset.done $0x0  }
0x35: {  	[sflag:s16] =	ssyncadd.s32 $0xFFFFD800  }
0x36: {  	[tilespmem:s17], [sflag:$0x5] =	stream.linear.gather [hbm4b:s12+s28], $0x2800, $0x38;
	[tilespmem:$0x17800] =	vst v63  }
0x37: {  	_ =	swait.ge [sflag:s16], $0x2800  }
0x38: {  	[sflag:s16] =	ssyncset.done $0x0  }
0x39: {  	[sflag:s16] =	ssyncadd.s32 $0xFFFFD800  }
0x3a: {  	[tilespmem:s15], [sflag:$0x1] =	stream.indirect.gather [hbm4b:s4+s18], $0x50, s28, s18, $0xb8;
	[tilespmem:$0x17800] =	vst v63  }
0x3b: {  	s31 =	simm.s32 $0xA000  }
0x3c: {  	[tilespmem:s31], [sflag:$0x3] =	stream.indirect.gather [hbm4b:s5+s18], $0x10, s17, s18, $0xb8;
	[tilespmem:$0x17800] =	vst v63  }
.LBB2_4:
0x3d: {  	s29 =	sshll.u32 s28, $0x8  }
0x3e: {  	s1 =	sor.u32 $0x80, s29  }
0x3f: {  	[tilespmem:s20], [sflag:$0x2] =	stream.indirect.gather [hbm4b:s4+s18], $0x50, s1, s18, $0xb8;
	[tilespmem:$0x17800] =	vst v63  }
0x40: {  	s26 =	sadd.s32 $0x2880, s29  }
0x41: {  	[tilespmem:s21], [sflag:$0x4] =	stream.indirect.gather [hbm4b:s5+s18], $0x10, s26, s18, $0xb8;
	[tilespmem:$0x17800] =	vst v63  }
0x42: {  	_ =	swait.ge [sflag:s22], $0x2800  }
0x43: {  	[sflag:s22] =	ssyncset.done $0x0  }
0x44: {  	[sflag:s22] =	ssyncadd.s32 $0xFFFFD800  }
0x45: {  	_ =	swait.ge [sflag:s23], $0x800  }
0x46: {  	[sflag:s23] =	ssyncset.done $0x0  }
0x47: {  	s30 =	simm.s32 $0x5140;
	[sflag:s23] =	ssyncadd.s32 $0xFFFFF800  }
0x48: {  	s31 =	simm.s32 $0xA040;
	v1 =	vld [tilespmem:s30+$0x130]  }
0x49: {  	v2 =	vld [tilespmem:s31+$0x30];
	_ =	sdelay $0x1  }
0x4a: {  	v4 =	vld [tilespmem:s30+$0xFFFFFF50]  }
0x4b: {  	v5 =	vld [tilespmem:s31+$0xFFFFFFD0]  }
0x4c: {  	v6 =	vld [tilespmem:s30+$0xFFFFFFA0]  }
0x4d: {  	v7 =	vld [tilespmem:s31+$0xFFFFFFE0];
	v1 =	vadd.f32 v2, v1  }
0x4e: {  	v3 =	vld [tilespmem:s31+$0xFFFFFFC0]  }
0x4f: {  	v8 =	vld [tilespmem:s30+$0xFFFFFFF0];
	v10 =	vmul.f32 $2.000000030e-01, v1  }
0x50: {  	v9 =	vld [tilespmem:s30+$0x40];
	v4 =	vadd.f32 v5, v4;
	vm0 =	vge.f32 v1, $0.0e+00  }
0x51: {  	v5 =	vld [tilespmem:s30+$0x90];
	v1 =	vsel vm0, v1, v10  }
0x52: {  	v6 =	vadd.f32 v7, v6;
	v7 =	vld [tilespmem:s31+$0x10];
	v10 =	vmul.f32 $2.000000030e-01, v4;
	v1 =	vmul.f32 $1.442695020e+00, v1  }
0x53: {  	v11 =	vld [tilespmem:s31+$0x0];
	vm10 =	vge.f32 v4, $0.0e+00  }
0x54: {  	(erf) = vpow2.f32 v1;
	v1 =	vsel vm10, v4, v10;
	v4 =	vld [tilespmem:s30+$0xFFFFFF00]  }
0x55: {  	v2 =	vld [tilespmem:s31+$0xFFFFFFF0]  }
0x56: {  	v12 =	vld [tilespmem:s30+$0xE0];
	v13 =	vmul.f32 $2.000000030e-01, v6  }
0x57: {  	v14 =	vld [tilespmem:s31+$0x20];
	vm11 =	vge.f32 v6, $0.0e+00;
	v5 =	vadd.f32 v7, v5;
	v1 =	vmul.f32 $1.442695020e+00, v1  }
0x58: {  	v17 =	vld [tilespmem:s30+$0xFFFFFF30];
	v6 =	vsel vm11, v6, v13  }
0x59: {  	v20 =	vld [tilespmem:s30+$0xFFFFFF90];
	v7 =	vmul.f32 $2.000000030e-01, v5;
	(erf) = vpow2.f32 v1;
	v3 =	vadd.f32 v3, v4  }
0x5a: {  	v22 =	vld [tilespmem:s30+$0x10];
	v2 =	vadd.f32 v2, v8;
	v8 =	vadd.f32 v11, v9;
	vm13 =	vge.f32 v5, $0.0e+00  }
0x5b: {  	v25 =	vld [tilespmem:s30+$0x20];
	v6 =	vmul.f32 $1.442695020e+00, v6;
	v5 =	vsel vm13, v5, v7;
	v7 =	vmul.f32 $2.000000030e-01, v3  }
0x5c: {  	v26 =	vld [tilespmem:s30+$0x30];
	v10 =	vmul.f32 $2.000000030e-01, v2;
	v1 =	vmul.f32 $2.000000030e-01, v8;
	vm15 =	vge.f32 v3, $0.0e+00  }
0x5d: {  	vm1 =	vge.f32 v2, $0.0e+00;
	vm12 =	vge.f32 v8, $0.0e+00;
	v4 =	vld [tilespmem:s30+$0x120];
	v3 =	vsel vm15, v3, v7  }
0x5e: {  	v28 =	vld [tilespmem:s30+$0x60];
	v2 =	vsel vm1, v2, v10;
	v1 =	vsel vm12, v8, v1;
	v3 =	vmul.f32 $1.442695020e+00, v3  }
0x5f: {  	v12 =	vadd.f32 v14, v12;
	v14 =	vld [tilespmem:s30+$0xFFFFFF20];
	v2 =	vmul.f32 $1.442695020e+00, v2;
	v16 =	vmul.f32 $1.442695020e+00, v1;
	v18 =	vpop (erf)  }
0x60: {  	v8 =	vld [tilespmem:s30+$0xFFFFFF10];
	(erf) = vpow2.f32 v6;
	v1 =	vbroadcast v18, $0x0  }
0x61: {  	v29 =	vld [tilespmem:s30+$0x70];
	(erf) = vpow2.f32 v2  }
0x62: {  	v7 =	vld [tilespmem:s30+$0xFFFFFF40];
	v2 =	vmul.f32 v4, v1;
	(erf) = vpow2.f32 v3;
	v3 =	vpop (erf)  }
0x63: {  	v13 =	vld [tilespmem:s30+$0xFFFFFEE0];
	v19 =	vbroadcast v3, $0x0  }
0x64: {  	v15 =	vmul.f32 $2.000000030e-01, v12;
	v9 =	vld [tilespmem:s30+$0xFFFFFEC0];
	(erf) = vpow2.f32 v16;
	[tilespmem:s30+$0x120] =	vst v2  }
0x65: {  	vm14 =	vge.f32 v12, $0.0e+00;
	v11 =	vld [tilespmem:s30+$0xFFFFFED0];
	[tilespmem:s30+$0xFFFFFF50] =	vst v3;
	v2 =	vmul.f32 v19, v8;
	v3 =	vmul.f32 v19, v14  }
0x66: {  	v5 =	vmul.f32 $1.442695020e+00, v5;
	v6 =	vsel vm14, v12, v15;
	v12 =	vld [tilespmem:s30+$0xFFFFFF60]  }
0x67: {  	v15 =	vld [tilespmem:s30+$0xFFFFFF70];
	[tilespmem:s30+$0xFFFFFF10] =	vst v2;
	v2 =	vmul.f32 v7, v19  }
0x68: {  	[tilespmem:s30+$0x130] =	vst v18;
	v4 =	vld [tilespmem:s30+$0xFFFFFF80];
	(erf) = vpow2.f32 v5;
	v5 =	vmul.f32 v19, v17  }
0x69: {  	v10 =	vld [tilespmem:s30+$0xFFFFFEF0];
	v6 =	vmul.f32 $1.442695020e+00, v6;
	[tilespmem:s30+$0xFFFFFF20] =	vst v3;
	v3 =	vpop (erf)  }
0x6a: {  	v16 =	vld [tilespmem:s30+$0xFFFFFFB0];
	[tilespmem:s30+$0xFFFFFF30] =	vst v5;
	v21 =	vbroadcast v3, $0x0  }
0x6b: {  	v18 =	vld [tilespmem:s30+$0xFFFFFFC0];
	(erf) = vpow2.f32 v6;
	[tilespmem:s30+$0xFFFFFF40] =	vst v2;
	v2 =	vpop (erf)  }
0x6c: {  	v14 =	vld [tilespmem:s30+$0xFFFFFFD0];
	[tilespmem:s30+$0xFFFFFFA0] =	vst v3;
	v5 =	vmul.f32 v21, v12;
	v12 =	vbroadcast v2, $0x0;
	v3 =	vpop (erf)  }
0x6d: {  	v17 =	vld [tilespmem:s30+$0xFFFFFFE0];
	v6 =	vmul.f32 v21, v15;
	v8 =	vmul.f32 v21, v4;
	[tilespmem:s30+$0xFFFFFF00] =	vst v3  }
0x6e: {  	v19 =	vld [tilespmem:s30+$0x0];
	v20 =	vmul.f32 v20, v21;
	v23 =	vbroadcast v3, $0x0;
	v3 =	vpop (erf);
	[tilespmem:s30+$0xFFFFFF60] =	vst v5  }
0x6f: {  	v15 =	vld [tilespmem:s30+$0x50];
	v27 =	vbroadcast v3, $0x0;
	[tilespmem:s30+$0xFFFFFF70] =	vst v6;
	v16 =	vmul.f32 v12, v16  }
0x70: {  	[tilespmem:s30+$0xFFFFFF80] =	vst v8;
	v8 =	vld [tilespmem:s30+$0x80];
	v9 =	vmul.f32 v23, v9;
	v11 =	vmul.f32 v23, v11  }
0x71: {  	[tilespmem:s30+$0xFFFFFF90] =	vst v20;
	v13 =	vmul.f32 v23, v13;
	v23 =	vmul.f32 v10, v23;
	v10 =	vld [tilespmem:s30+$0xB0]  }
0x72: {  	v4 =	vpop (erf);
	v30 =	vmul.f32 v12, v18;
	v24 =	vmul.f32 v12, v14;
	[tilespmem:s30+$0xFFFFFEC0] =	vst v9;
	v9 =	vld [tilespmem:s30+$0xA0]  }
0x73: {  	v7 =	vbroadcast v4, $0x0;
	v18 =	vmul.f32 v27, v19;
	[tilespmem:s30+$0xFFFFFED0] =	vst v11;
	v11 =	vld [tilespmem:s30+$0xC0]  }
0x74: {  	v5 =	vpop (erf);
	v21 =	vmul.f32 v27, v22;
	[tilespmem:s30+$0xFFFFFEF0] =	vst v23;
	v23 =	vmul.f32 v17, v12;
	v12 =	vld [tilespmem:s30+$0xD0]  }
0x75: {  	v19 =	vmul.f32 v26, v27;
	v6 =	vbroadcast v5, $0x0;
	[tilespmem:s30+$0xFFFFFEE0] =	vst v13;
	v13 =	vld [tilespmem:s30+$0xF0]  }
0x76: {  	[tilespmem:s30+$0xFFFFFFB0] =	vst v16;
	v17 =	vmul.f32 v27, v25;
	v16 =	vmul.f32 v7, v15;
	v15 =	vld [tilespmem:s30+$0x100]  }
0x77: {  	s19 =	simm.s32 $0x53C0;
	s1 =	simm.s32 $0x0;
	[tilespmem:s30+$0xFFFFFFC0] =	vst v30;
	v22 =	vld [tilespmem:s30+$0x110];
	v20 =	vmul.f32 v7, v28;
	v14 =	vmul.f32 v7, v29  }
.LBB2_5:
0x78: {  	v25 =	vld [tilespmem:s19+$0x130];
	[tilespmem:s30+$0xFFFFFFD0] =	vst v24;
	v7 =	vmul.f32 v8, v7;
	v8 =	vmul.f32 v6, v9;
	s31 =	sadd.s32 $0x80, s31  }
0x79: {  	s1 =	sadd.s32 $0x8, s1;
	v10 =	vmul.f32 v6, v10;
	v11 =	vmul.f32 v6, v11;
	v9 =	vld [tilespmem:s31+$0x30];
	[tilespmem:s30+$0xFFFFFFE0] =	vst v23  }
0x7a: {  	p0 =	slt.u32 s1, $0x78;
	v6 =	vmul.f32 v12, v6;
	v23 =	vld [tilespmem:s31+$0xFFFFFFC0];
	[tilespmem:s30+$0x0] =	vst v18;
	v12 =	vmul.f32 v1, v13  }
0x7b: {  	v13 =	vld [tilespmem:s19+$0xFFFFFF50];
	[tilespmem:s30+$0x10] =	vst v21;
	v15 =	vmul.f32 v1, v15  }
0x7c: {  	v18 =	vld [tilespmem:s31+$0xFFFFFFD0];
	[tilespmem:s30+$0x20] =	vst v17;
	v1 =	vmul.f32 v1, v22  }
0x7d: {  	v17 =	vld [tilespmem:s19+$0xFFFFFFA0];
	[tilespmem:s30+$0x30] =	vst v19  }
0x7e: {  	v19 =	vld [tilespmem:s31+$0xFFFFFFE0];
	v9 =	vadd.f32 v9, v25;
	[tilespmem:s30+$0x50] =	vst v16  }
0x7f: {  	v16 =	vld [tilespmem:s19+$0xFFFFFFF0];
	[tilespmem:s30+$0x60] =	vst v20  }
0x80: {  	v20 =	vld [tilespmem:s31+$0xFFFFFFF0];
	v21 =	vmul.f32 $2.000000030e-01, v9;
	[tilespmem:s30+$0x70] =	vst v14  }
0x81: {  	vm0 =	vge.f32 v9, $0.0e+00;
	v13 =	vadd.f32 v18, v13;
	v14 =	vld [tilespmem:s19+$0x40];
	[tilespmem:s30+$0x80] =	vst v7  }
0x82: {  	v7 =	vld [tilespmem:s31+$0x0];
	v9 =	vsel vm0, v9, v21;
	[tilespmem:s30+$0xA0] =	vst v8  }
0x83: {  	v8 =	vmul.f32 $2.000000030e-01, v13;
	v17 =	vadd.f32 v19, v17;
	v18 =	vld [tilespmem:s19+$0x90];
	v9 =	vmul.f32 $1.442695020e+00, v9;
	[tilespmem:s30+$0xB0] =	vst v10  }
0x84: {  	vm0 =	vge.f32 v13, $0.0e+00;
	v10 =	vld [tilespmem:s31+$0x10];
	[tilespmem:s30+$0xC0] =	vst v11  }
0x85: {  	v11 =	vmul.f32 $2.000000030e-01, v17;
	v16 =	vadd.f32 v20, v16;
	v19 =	vld [tilespmem:s19+$0xE0];
	(erf) = vpow2.f32 v9;
	[tilespmem:s30+$0xD0] =	vst v6  }
0x86: {  	v6 =	vsel vm0, v13, v8;
	vm0 =	vge.f32 v17, $0.0e+00;
	v8 =	vld [tilespmem:s31+$0x20];
	[tilespmem:s30+$0xF0] =	vst v12  }
0x87: {  	v9 =	vld [tilespmem:s19+$0xFFFFFF00];
	vm1 =	vge.f32 v16, $0.0e+00;
	v12 =	vmul.f32 $2.000000030e-01, v16;
	v7 =	vadd.f32 v7, v14;
	[tilespmem:s30+$0x100] =	vst v15  }
0x88: {  	v6 =	vmul.f32 $1.442695020e+00, v6;
	v11 =	vsel vm0, v17, v11;
	v13 =	vld [tilespmem:s19+$0xFFFFFEC0];
	[tilespmem:s30+$0x110] =	vst v1  }
0x89: {  	v14 =	vld [tilespmem:s19+$0xFFFFFED0];
	vm0 =	vge.f32 v7, $0.0e+00;
	v1 =	vmul.f32 $2.000000030e-01, v7;
	v10 =	vadd.f32 v10, v18;
	[tilespmem:s30+$0xFFFFFFF0] =	vst v2  }
0x8a: {  	v2 =	vmul.f32 $1.442695020e+00, v11;
	v11 =	vsel vm1, v16, v12;
	v15 =	vld [tilespmem:s19+$0xFFFFFEE0];
	(erf) = vpow2.f32 v6;
	[tilespmem:s30+$0x40] =	vst v3  }
0x8b: {  	v12 =	vld [tilespmem:s19+$0xFFFFFEF0];
	vm1 =	vge.f32 v10, $0.0e+00;
	v3 =	vmul.f32 $2.000000030e-01, v10;
	v6 =	vadd.f32 v8, v19;
	[tilespmem:s30+$0x90] =	vst v4  }
0x8c: {  	v8 =	vmul.f32 $1.442695020e+00, v11;
	v17 =	vsel vm0, v7, v1;
	v4 =	vadd.f32 v23, v9;
	v7 =	vld [tilespmem:s19+$0x120];
	[tilespmem:s30+$0xE0] =	vst v5;
	s30 =	smov.u32 s19  }
0x8d: {  	v5 =	vld [tilespmem:s19+$0xFFFFFF10];
	v3 =	vsel vm1, v10, v3;
	vm0 =	vge.f32 v6, $0.0e+00;
	v9 =	vmul.f32 $2.000000030e-01, v6  }
0x8e: {  	v16 =	vmul.f32 $1.442695020e+00, v17;
	vm1 =	vge.f32 v4, $0.0e+00;
	v10 =	vmul.f32 $2.000000030e-01, v4;
	v11 =	vld [tilespmem:s19+$0xFFFFFF20];
	v1 =	vpop (erf)  }
0x8f: {  	v3 =	vmul.f32 $1.442695020e+00, v3;
	v17 =	vld [tilespmem:s19+$0xFFFFFF30];
	v6 =	vsel vm0, v6, v9;
	[tilespmem:s19+$0x130] =	vst v1;
	v1 =	vbroadcast v1, $0x0  }
0x90: {  	v4 =	vsel vm1, v4, v10;
	v9 =	vld [tilespmem:s19+$0xFFFFFF40];
	v6 =	vmul.f32 $1.442695020e+00, v6;
	(erf) = vpow2.f32 v2  }
0x91: {  	v18 =	vmul.f32 $1.442695020e+00, v4;
	v4 =	vld [tilespmem:s19+$0xFFFFFF60];
	v7 =	vmul.f32 v7, v1  }
0x92: {  	v10 =	vld [tilespmem:s19+$0xFFFFFF70];
	(erf) = vpow2.f32 v8  }
0x93: {  	v8 =	vld [tilespmem:s19+$0xFFFFFF80];
	[tilespmem:s19+$0x120] =	vst v7;
	(erf) = vpow2.f32 v18;
	v2 =	vpop (erf)  }
0x94: {  	[tilespmem:s19+$0xFFFFFF50] =	vst v2;
	v2 =	vbroadcast v2, $0x0;
	v18 =	vld [tilespmem:s19+$0xFFFFFF90];
	(erf) = vpow2.f32 v16  }
0x95: {  	v16 =	vld [tilespmem:s19+$0xFFFFFFB0];
	(erf) = vpow2.f32 v3  }
0x96: {  	v7 =	vmul.f32 v2, v5;
	v19 =	vld [tilespmem:s19+$0xFFFFFFC0];
	(erf) = vpow2.f32 v6  }
0x97: {  	v5 =	vmul.f32 v2, v11;
	v6 =	vmul.f32 v2, v17;
	v11 =	vld [tilespmem:s19+$0xFFFFFFD0]  }
0x98: {  	[tilespmem:s19+$0xFFFFFF10] =	vst v7;
	v7 =	vmul.f32 v9, v2;
	v17 =	vld [tilespmem:s19+$0xFFFFFFE0]  }
0x99: {  	[tilespmem:s19+$0xFFFFFF20] =	vst v5;
	v20 =	vld [tilespmem:s19+$0x0];
	v3 =	vpop (erf)  }
0x9a: {  	[tilespmem:s19+$0xFFFFFF30] =	vst v6;
	v21 =	vbroadcast v3, $0x0;
	v22 =	vld [tilespmem:s19+$0x10]  }
0x9b: {  	[tilespmem:s19+$0xFFFFFF40] =	vst v7;
	v25 =	vld [tilespmem:s19+$0x20];
	v2 =	vpop (erf)  }
0x9c: {  	[tilespmem:s19+$0xFFFFFFA0] =	vst v3;
	v7 =	vmul.f32 v21, v4;
	v23 =	vbroadcast v2, $0x0;
	v26 =	vld [tilespmem:s19+$0x30];
	v3 =	vpop (erf)  }
0x9d: {  	v24 =	vmul.f32 v21, v10;
	[tilespmem:s19+$0xFFFFFF00] =	vst v3;
	v9 =	vbroadcast v3, $0x0;
	v27 =	vld [tilespmem:s19+$0x50];
	v3 =	vpop (erf)  }
0x9e: {  	v6 =	vmul.f32 v21, v8;
	[tilespmem:s19+$0xFFFFFF60] =	vst v7;
	v28 =	vbroadcast v3, $0x0;
	v29 =	vld [tilespmem:s19+$0x60];
	v4 =	vpop (erf)  }
0x9f: {  	v10 =	vmul.f32 v9, v13;
	[tilespmem:s19+$0xFFFFFF70] =	vst v24;
	v7 =	vbroadcast v4, $0x0;
	v30 =	vld [tilespmem:s19+$0x70];
	v5 =	vpop (erf)  }
0xa0: {  	v13 =	vmul.f32 v9, v14;
	[tilespmem:s19+$0xFFFFFF80] =	vst v6;
	v8 =	vld [tilespmem:s19+$0x80];
	v6 =	vbroadcast v5, $0x0  }
0xa1: {  	v14 =	vmul.f32 v9, v15;
	v12 =	vmul.f32 v12, v9;
	[tilespmem:s19+$0xFFFFFEC0] =	vst v10;
	v9 =	vld [tilespmem:s19+$0xA0]  }
0xa2: {  	v15 =	vmul.f32 v23, v16;
	[tilespmem:s19+$0xFFFFFED0] =	vst v13;
	v13 =	vmul.f32 v18, v21;
	v10 =	vld [tilespmem:s19+$0xB0]  }
.Ltmp1:
0xa3: {  	v24 =	vmul.f32 v23, v11;
	[tilespmem:s19+$0xFFFFFEE0] =	vst v14;
	v14 =	vmul.f32 v23, v19;
	v11 =	vld [tilespmem:s19+$0xC0];
	(pc) =	sbr.rel @p0 .LBB2_5-.Ltmp1, $4  }
0xa4: {  	v18 =	vmul.f32 v28, v20;
	v23 =	vmul.f32 v17, v23;
	[tilespmem:s19+$0xFFFFFEF0] =	vst v12;
	v12 =	vld [tilespmem:s19+$0xD0]  }
0xa5: {  	v21 =	vmul.f32 v28, v22;
	v17 =	vmul.f32 v28, v25;
	[tilespmem:s19+$0xFFFFFF90] =	vst v13;
	v13 =	vld [tilespmem:s19+$0xF0]  }
0xa6: {  	v16 =	vmul.f32 v7, v27;
	v19 =	vmul.f32 v26, v28;
	[tilespmem:s19+$0xFFFFFFB0] =	vst v15;
	v15 =	vld [tilespmem:s19+$0x100]  }
0xa7: {  	v20 =	vmul.f32 v7, v29;
	s19 =	sadd.s32 $0x280, s19;
	[tilespmem:s30+$0xFFFFFFC0] =	vst v14;
	v14 =	vmul.f32 v7, v30;
	v22 =	vld [tilespmem:s30+$0x110]  }
0xa8: {  	[tilespmem:s30+$0xFFFFFFD0] =	vst v24  }
0xa9: {  	[tilespmem:s30+$0xFFFFFFE0] =	vst v23  }
0xaa: {  	[tilespmem:s30+$0x0] =	vst v18  }
0xab: {  	[tilespmem:s30+$0x10] =	vst v21  }
0xac: {  	[tilespmem:s30+$0x20] =	vst v17  }
0xad: {  	[tilespmem:s30+$0x30] =	vst v19  }
0xae: {  	[tilespmem:s30+$0x50] =	vst v16  }
0xaf: {  	[tilespmem:s30+$0xFFFFFFF0] =	vst v2  }
0xb0: {  	[tilespmem:s30+$0x40] =	vst v3  }
0xb1: {  	[tilespmem:s30+$0x90] =	vst v4  }
0xb2: {  	[tilespmem:s30+$0xE0] =	vst v5  }
0xb3: {  	v7 =	vmul.f32 v8, v7;
	[tilespmem:s30+$0x60] =	vst v20  }
0xb4: {  	v8 =	vmul.f32 v6, v9;
	[tilespmem:s30+$0x70] =	vst v14  }
0xb5: {  	v9 =	vmul.f32 v6, v10;
	[tilespmem:s30+$0x80] =	vst v7  }
0xb6: {  	v7 =	vmul.f32 v6, v11;
	[tilespmem:s30+$0xA0] =	vst v8  }
0xb7: {  	v6 =	vmul.f32 v12, v6;
	[tilespmem:s30+$0xB0] =	vst v9  }
0xb8: {  	v8 =	vmul.f32 v1, v13;
	[tilespmem:s30+$0xC0] =	vst v7  }
0xb9: {  	v7 =	vmul.f32 v1, v15;
	[tilespmem:s30+$0xD0] =	vst v6  }
0xba: {  	v1 =	vmul.f32 v1, v22;
	[tilespmem:s30+$0xF0] =	vst v8  }
0xbb: {  	s1 =	sand.u32 $0x3FFFFF00, s29;
	[tilespmem:s30+$0x100] =	vst v7  }
0xbc: {  	s1 =	sadd.s32 $0x2800, s1;
	[tilespmem:s30+$0x110] =	vst v1  }
0xbd: {  	[spmem:s2] =	stream.indirect.scatter.add.f32 [tilespmem:s15], [sflag:$0x5], $0x50, s1, s18, $0xb8;
	[tilespmem:$0x17800] =	vst v63  }
0xbe: {  	p0 =	seq.s32 s28, $0x27;
	_ =	swait.ge [sflag:s16], $0x2800  }
0xbf: {  	s19 =	simm.s32 @!p0 $0x80;
	[sflag:s16] =	ssyncset.done $0x0  }
0xc0: {  	s30 =	simm.s32 @!p0 $0x5000;
	s1 =	sadd.s32 @!p0 $0x100, s29;
	[sflag:s16] =	ssyncadd.s32 $0xFFFFD800  }
0xc1: {  	[tilespmem:s30], [sflag:$0x1] =	stream.indirect.gather @!p0 [hbm4b:s4+s19], $0x50, s1, s19, $0xb8;
	[tilespmem:$0x17800] =	vst v63  }
0xc2: {  	s1 =	sadd.s32 @!p0 $0x2900, s29;
	s29 =	simm.s32 @!p0 $0xA000  }
0xc3: {  	[tilespmem:s29], [sflag:$0x3] =	stream.indirect.gather @!p0 [hbm4b:s5+s19], $0x10, s1, s19, $0xb8;
	[tilespmem:$0x17800] =	vst v63  }
0xc4: {  	_ =	swait.ge [sflag:s24], $0x2800  }
0xc5: {  	[sflag:s24] =	ssyncset.done $0x0  }
0xc6: {  	[sflag:s24] =	ssyncadd.s32 $0xFFFFD800  }
0xc7: {  	_ =	swait.ge [sflag:s25], $0x800  }
0xc8: {  	[sflag:s25] =	ssyncset.done $0x0  }
0xc9: {  	s29 =	simm.s32 $0x7940;
	[sflag:s25] =	ssyncadd.s32 $0xFFFFF800  }
0xca: {  	s30 =	simm.s32 $0xA840;
	v1 =	vld [tilespmem:s29+$0x130]  }
0xcb: {  	v2 =	vld [tilespmem:s30+$0x30];
	_ =	sdelay $0x1  }
0xcc: {  	v4 =	vld [tilespmem:s29+$0xFFFFFF50]  }
0xcd: {  	v5 =	vld [tilespmem:s30+$0xFFFFFFD0]  }
0xce: {  	v6 =	vld [tilespmem:s29+$0xFFFFFFA0]  }
0xcf: {  	v7 =	vld [tilespmem:s30+$0xFFFFFFE0];
	v1 =	vadd.f32 v2, v1  }
0xd0: {  	v3 =	vld [tilespmem:s30+$0xFFFFFFC0]  }
0xd1: {  	v8 =	vld [tilespmem:s29+$0xFFFFFFF0];
	v10 =	vmul.f32 $2.000000030e-01, v1  }
0xd2: {  	v9 =	vld [tilespmem:s29+$0x40];
	v4 =	vadd.f32 v5, v4;
	vm0 =	vge.f32 v1, $0.0e+00  }
0xd3: {  	v5 =	vld [tilespmem:s29+$0x90];
	v1 =	vsel vm0, v1, v10  }
0xd4: {  	v6 =	vadd.f32 v7, v6;
	v7 =	vld [tilespmem:s30+$0x10];
	v10 =	vmul.f32 $2.000000030e-01, v4;
	v1 =	vmul.f32 $1.442695020e+00, v1  }
0xd5: {  	v11 =	vld [tilespmem:s30+$0x0];
	vm10 =	vge.f32 v4, $0.0e+00  }
0xd6: {  	(erf) = vpow2.f32 v1;
	v1 =	vsel vm10, v4, v10;
	v4 =	vld [tilespmem:s29+$0xFFFFFF00]  }
0xd7: {  	v2 =	vld [tilespmem:s30+$0xFFFFFFF0]  }
0xd8: {  	v12 =	vld [tilespmem:s29+$0xE0];
	v13 =	vmul.f32 $2.000000030e-01, v6  }
0xd9: {  	v14 =	vld [tilespmem:s30+$0x20];
	vm11 =	vge.f32 v6, $0.0e+00;
	v5 =	vadd.f32 v7, v5;
	v1 =	vmul.f32 $1.442695020e+00, v1  }
0xda: {  	v17 =	vld [tilespmem:s29+$0xFFFFFF30];
	v6 =	vsel vm11, v6, v13  }
0xdb: {  	v20 =	vld [tilespmem:s29+$0xFFFFFF90];
	v7 =	vmul.f32 $2.000000030e-01, v5;
	(erf) = vpow2.f32 v1;
	v3 =	vadd.f32 v3, v4  }
0xdc: {  	v22 =	vld [tilespmem:s29+$0x10];
	v2 =	vadd.f32 v2, v8;
	v8 =	vadd.f32 v11, v9;
	vm13 =	vge.f32 v5, $0.0e+00  }
0xdd: {  	v25 =	vld [tilespmem:s29+$0x20];
	v6 =	vmul.f32 $1.442695020e+00, v6;
	v5 =	vsel vm13, v5, v7;
	v7 =	vmul.f32 $2.000000030e-01, v3  }
0xde: {  	v26 =	vld [tilespmem:s29+$0x30];
	v10 =	vmul.f32 $2.000000030e-01, v2;
	v1 =	vmul.f32 $2.000000030e-01, v8;
	vm15 =	vge.f32 v3, $0.0e+00  }
0xdf: {  	vm1 =	vge.f32 v2, $0.0e+00;
	vm12 =	vge.f32 v8, $0.0e+00;
	v4 =	vld [tilespmem:s29+$0x120];
	v3 =	vsel vm15, v3, v7  }
0xe0: {  	v28 =	vld [tilespmem:s29+$0x60];
	v2 =	vsel vm1, v2, v10;
	v1 =	vsel vm12, v8, v1;
	v3 =	vmul.f32 $1.442695020e+00, v3  }
0xe1: {  	v12 =	vadd.f32 v14, v12;
	v14 =	vld [tilespmem:s29+$0xFFFFFF20];
	v2 =	vmul.f32 $1.442695020e+00, v2;
	v16 =	vmul.f32 $1.442695020e+00, v1;
	v18 =	vpop (erf)  }
0xe2: {  	v8 =	vld [tilespmem:s29+$0xFFFFFF10];
	(erf) = vpow2.f32 v6;
	v1 =	vbroadcast v18, $0x0  }
0xe3: {  	v29 =	vld [tilespmem:s29+$0x70];
	(erf) = vpow2.f32 v2  }
0xe4: {  	v7 =	vld [tilespmem:s29+$0xFFFFFF40];
	v2 =	vmul.f32 v4, v1;
	(erf) = vpow2.f32 v3;
	v3 =	vpop (erf)  }
0xe5: {  	v13 =	vld [tilespmem:s29+$0xFFFFFEE0];
	v19 =	vbroadcast v3, $0x0  }
0xe6: {  	v15 =	vmul.f32 $2.000000030e-01, v12;
	v9 =	vld [tilespmem:s29+$0xFFFFFEC0];
	(erf) = vpow2.f32 v16;
	[tilespmem:s29+$0x120] =	vst v2  }
0xe7: {  	vm14 =	vge.f32 v12, $0.0e+00;
	v11 =	vld [tilespmem:s29+$0xFFFFFED0];
	[tilespmem:s29+$0xFFFFFF50] =	vst v3;
	v2 =	vmul.f32 v19, v8;
	v3 =	vmul.f32 v19, v14  }
0xe8: {  	v5 =	vmul.f32 $1.442695020e+00, v5;
	v6 =	vsel vm14, v12, v15;
	v12 =	vld [tilespmem:s29+$0xFFFFFF60]  }
0xe9: {  	v15 =	vld [tilespmem:s29+$0xFFFFFF70];
	[tilespmem:s29+$0xFFFFFF10] =	vst v2;
	v2 =	vmul.f32 v7, v19  }
0xea: {  	[tilespmem:s29+$0x130] =	vst v18;
	v4 =	vld [tilespmem:s29+$0xFFFFFF80];
	(erf) = vpow2.f32 v5;
	v5 =	vmul.f32 v19, v17  }
0xeb: {  	v10 =	vld [tilespmem:s29+$0xFFFFFEF0];
	v6 =	vmul.f32 $1.442695020e+00, v6;
	[tilespmem:s29+$0xFFFFFF20] =	vst v3;
	v3 =	vpop (erf)  }
0xec: {  	v16 =	vld [tilespmem:s29+$0xFFFFFFB0];
	[tilespmem:s29+$0xFFFFFF30] =	vst v5;
	v21 =	vbroadcast v3, $0x0  }
0xed: {  	v18 =	vld [tilespmem:s29+$0xFFFFFFC0];
	(erf) = vpow2.f32 v6;
	[tilespmem:s29+$0xFFFFFF40] =	vst v2;
	v2 =	vpop (erf)  }
0xee: {  	v14 =	vld [tilespmem:s29+$0xFFFFFFD0];
	[tilespmem:s29+$0xFFFFFFA0] =	vst v3;
	v5 =	vmul.f32 v21, v12;
	v12 =	vbroadcast v2, $0x0;
	v3 =	vpop (erf)  }
0xef: {  	v17 =	vld [tilespmem:s29+$0xFFFFFFE0];
	v6 =	vmul.f32 v21, v15;
	v8 =	vmul.f32 v21, v4;
	[tilespmem:s29+$0xFFFFFF00] =	vst v3  }
0xf0: {  	v19 =	vld [tilespmem:s29+$0x0];
	v20 =	vmul.f32 v20, v21;
	v23 =	vbroadcast v3, $0x0;
	v3 =	vpop (erf);
	[tilespmem:s29+$0xFFFFFF60] =	vst v5  }
0xf1: {  	v15 =	vld [tilespmem:s29+$0x50];
	v27 =	vbroadcast v3, $0x0;
	[tilespmem:s29+$0xFFFFFF70] =	vst v6;
	v16 =	vmul.f32 v12, v16  }
0xf2: {  	[tilespmem:s29+$0xFFFFFF80] =	vst v8;
	v8 =	vld [tilespmem:s29+$0x80];
	v9 =	vmul.f32 v23, v9;
	v11 =	vmul.f32 v23, v11  }
0xf3: {  	[tilespmem:s29+$0xFFFFFF90] =	vst v20;
	v13 =	vmul.f32 v23, v13;
	v23 =	vmul.f32 v10, v23;
	v10 =	vld [tilespmem:s29+$0xB0]  }
0xf4: {  	v4 =	vpop (erf);
	v21 =	vmul.f32 v12, v18;
	v24 =	vmul.f32 v12, v14;
	[tilespmem:s29+$0xFFFFFEC0] =	vst v9;
	v9 =	vld [tilespmem:s29+$0xA0]  }
0xf5: {  	v7 =	vbroadcast v4, $0x0;
	v18 =	vmul.f32 v27, v19;
	[tilespmem:s29+$0xFFFFFED0] =	vst v11;
	v11 =	vld [tilespmem:s29+$0xC0]  }
0xf6: {  	v5 =	vpop (erf);
	v20 =	vmul.f32 v27, v22;
	[tilespmem:s29+$0xFFFFFEF0] =	vst v23;
	v23 =	vmul.f32 v17, v12;
	v12 =	vld [tilespmem:s29+$0xD0]  }
0xf7: {  	v19 =	vmul.f32 v26, v27;
	v6 =	vbroadcast v5, $0x0;
	[tilespmem:s29+$0xFFFFFEE0] =	vst v13;
	v13 =	vld [tilespmem:s29+$0xF0]  }
0xf8: {  	v14 =	vld [tilespmem:s29+$0x100];
	[tilespmem:s29+$0xFFFFFFB0] =	vst v16;
	v17 =	vmul.f32 v27, v25;
	v15 =	vmul.f32 v7, v15  }
0xf9: {  	s28 =	sadd.s32 $0x1, s28;
	s1 =	simm.s32 $0x0;
	s19 =	simm.s32 $0x7BC0;
	[tilespmem:s29+$0xFFFFFFC0] =	vst v21;
	v22 =	vld [tilespmem:s29+$0x110];
	v21 =	vmul.f32 v7, v28;
	v16 =	vmul.f32 v7, v29  }
.LBB2_7:
0xfa: {  	v25 =	vld [tilespmem:s19+$0x130];
	[tilespmem:s29+$0xFFFFFFD0] =	vst v24;
	v7 =	vmul.f32 v8, v7;
	v8 =	vmul.f32 v6, v9;
	s30 =	sadd.s32 $0x80, s30  }
0xfb: {  	s1 =	sadd.s32 $0x8, s1;
	v10 =	vmul.f32 v6, v10;
	v11 =	vmul.f32 v6, v11;
	v9 =	vld [tilespmem:s30+$0x30];
	[tilespmem:s29+$0xFFFFFFE0] =	vst v23  }
0xfc: {  	p0 =	slt.u32 s1, $0x78;
	v6 =	vmul.f32 v12, v6;
	v23 =	vld [tilespmem:s30+$0xFFFFFFC0];
	[tilespmem:s29+$0x0] =	vst v18;
	v12 =	vmul.f32 v1, v13  }
0xfd: {  	v13 =	vld [tilespmem:s19+$0xFFFFFF50];
	[tilespmem:s29+$0x10] =	vst v20;
	v14 =	vmul.f32 v1, v14  }
0xfe: {  	v18 =	vld [tilespmem:s30+$0xFFFFFFD0];
	[tilespmem:s29+$0x20] =	vst v17;
	v1 =	vmul.f32 v1, v22  }
0xff: {  	v17 =	vld [tilespmem:s19+$0xFFFFFFA0];
	[tilespmem:s29+$0x30] =	vst v19  }
0x100: {  	v19 =	vld [tilespmem:s30+$0xFFFFFFE0];
	v9 =	vadd.f32 v9, v25;
	[tilespmem:s29+$0x50] =	vst v15  }
0x101: {  	v15 =	vld [tilespmem:s19+$0xFFFFFFF0];
	[tilespmem:s29+$0x60] =	vst v21  }
0x102: {  	v20 =	vld [tilespmem:s30+$0xFFFFFFF0];
	v21 =	vmul.f32 $2.000000030e-01, v9;
	[tilespmem:s29+$0x70] =	vst v16  }
0x103: {  	vm0 =	vge.f32 v9, $0.0e+00;
	v13 =	vadd.f32 v18, v13;
	v16 =	vld [tilespmem:s19+$0x40];
	[tilespmem:s29+$0x80] =	vst v7  }
0x104: {  	v7 =	vld [tilespmem:s30+$0x0];
	v9 =	vsel vm0, v9, v21;
	[tilespmem:s29+$0xA0] =	vst v8  }
0x105: {  	v8 =	vmul.f32 $2.000000030e-01, v13;
	v17 =	vadd.f32 v19, v17;
	v18 =	vld [tilespmem:s19+$0x90];
	v9 =	vmul.f32 $1.442695020e+00, v9;
	[tilespmem:s29+$0xB0] =	vst v10  }
0x106: {  	vm0 =	vge.f32 v13, $0.0e+00;
	v10 =	vld [tilespmem:s30+$0x10];
	[tilespmem:s29+$0xC0] =	vst v11  }
0x107: {  	v11 =	vmul.f32 $2.000000030e-01, v17;
	v15 =	vadd.f32 v20, v15;
	v19 =	vld [tilespmem:s19+$0xE0];
	(erf) = vpow2.f32 v9;
	[tilespmem:s29+$0xD0] =	vst v6  }
0x108: {  	v6 =	vsel vm0, v13, v8;
	vm0 =	vge.f32 v17, $0.0e+00;
	v8 =	vld [tilespmem:s30+$0x20];
	[tilespmem:s29+$0xF0] =	vst v12  }
0x109: {  	v9 =	vld [tilespmem:s19+$0xFFFFFF00];
	vm1 =	vge.f32 v15, $0.0e+00;
	v12 =	vmul.f32 $2.000000030e-01, v15;
	v7 =	vadd.f32 v7, v16;
	[tilespmem:s29+$0x100] =	vst v14  }
0x10a: {  	v6 =	vmul.f32 $1.442695020e+00, v6;
	v11 =	vsel vm0, v17, v11;
	v13 =	vld [tilespmem:s19+$0xFFFFFEC0];
	[tilespmem:s29+$0x110] =	vst v1  }
0x10b: {  	v14 =	vld [tilespmem:s19+$0xFFFFFED0];
	vm0 =	vge.f32 v7, $0.0e+00;
	v1 =	vmul.f32 $2.000000030e-01, v7;
	v10 =	vadd.f32 v10, v18;
	[tilespmem:s29+$0xFFFFFFF0] =	vst v2  }
0x10c: {  	v2 =	vmul.f32 $1.442695020e+00, v11;
	v11 =	vsel vm1, v15, v12;
	v16 =	vld [tilespmem:s19+$0xFFFFFEE0];
	(erf) = vpow2.f32 v6;
	[tilespmem:s29+$0x40] =	vst v3  }
0x10d: {  	v12 =	vld [tilespmem:s19+$0xFFFFFEF0];
	vm1 =	vge.f32 v10, $0.0e+00;
	v3 =	vmul.f32 $2.000000030e-01, v10;
	v6 =	vadd.f32 v8, v19;
	[tilespmem:s29+$0x90] =	vst v4  }
0x10e: {  	v8 =	vmul.f32 $1.442695020e+00, v11;
	v17 =	vsel vm0, v7, v1;
	v4 =	vadd.f32 v23, v9;
	v7 =	vld [tilespmem:s19+$0x120];
	[tilespmem:s29+$0xE0] =	vst v5;
	s29 =	smov.u32 s19  }
0x10f: {  	v5 =	vld [tilespmem:s19+$0xFFFFFF10];
	v3 =	vsel vm1, v10, v3;
	vm0 =	vge.f32 v6, $0.0e+00;
	v9 =	vmul.f32 $2.000000030e-01, v6  }
0x110: {  	v15 =	vmul.f32 $1.442695020e+00, v17;
	vm1 =	vge.f32 v4, $0.0e+00;
	v10 =	vmul.f32 $2.000000030e-01, v4;
	v11 =	vld [tilespmem:s19+$0xFFFFFF20];
	v1 =	vpop (erf)  }
0x111: {  	v3 =	vmul.f32 $1.442695020e+00, v3;
	v17 =	vld [tilespmem:s19+$0xFFFFFF30];
	v6 =	vsel vm0, v6, v9;
	[tilespmem:s19+$0x130] =	vst v1;
	v1 =	vbroadcast v1, $0x0  }
0x112: {  	v4 =	vsel vm1, v4, v10;
	v9 =	vld [tilespmem:s19+$0xFFFFFF40];
	v6 =	vmul.f32 $1.442695020e+00, v6;
	(erf) = vpow2.f32 v2  }
0x113: {  	v18 =	vmul.f32 $1.442695020e+00, v4;
	v4 =	vld [tilespmem:s19+$0xFFFFFF60];
	v7 =	vmul.f32 v7, v1  }
0x114: {  	v10 =	vld [tilespmem:s19+$0xFFFFFF70];
	(erf) = vpow2.f32 v8  }
0x115: {  	v8 =	vld [tilespmem:s19+$0xFFFFFF80];
	[tilespmem:s19+$0x120] =	vst v7;
	(erf) = vpow2.f32 v18;
	v2 =	vpop (erf)  }
0x116: {  	[tilespmem:s19+$0xFFFFFF50] =	vst v2;
	v2 =	vbroadcast v2, $0x0;
	v18 =	vld [tilespmem:s19+$0xFFFFFF90];
	(erf) = vpow2.f32 v15  }
0x117: {  	v15 =	vld [tilespmem:s19+$0xFFFFFFB0];
	(erf) = vpow2.f32 v3  }
0x118: {  	v7 =	vmul.f32 v2, v5;
	v19 =	vld [tilespmem:s19+$0xFFFFFFC0];
	(erf) = vpow2.f32 v6  }
0x119: {  	v5 =	vmul.f32 v2, v11;
	v6 =	vmul.f32 v2, v17;
	v11 =	vld [tilespmem:s19+$0xFFFFFFD0]  }
0x11a: {  	[tilespmem:s19+$0xFFFFFF10] =	vst v7;
	v7 =	vmul.f32 v9, v2;
	v17 =	vld [tilespmem:s19+$0xFFFFFFE0]  }
0x11b: {  	[tilespmem:s19+$0xFFFFFF20] =	vst v5;
	v20 =	vld [tilespmem:s19+$0x0];
	v3 =	vpop (erf)  }
0x11c: {  	[tilespmem:s19+$0xFFFFFF30] =	vst v6;
	v21 =	vbroadcast v3, $0x0;
	v22 =	vld [tilespmem:s19+$0x10]  }
0x11d: {  	[tilespmem:s19+$0xFFFFFF40] =	vst v7;
	v25 =	vld [tilespmem:s19+$0x20];
	v2 =	vpop (erf)  }
0x11e: {  	[tilespmem:s19+$0xFFFFFFA0] =	vst v3;
	v7 =	vmul.f32 v21, v4;
	v23 =	vbroadcast v2, $0x0;
	v26 =	vld [tilespmem:s19+$0x30];
	v3 =	vpop (erf)  }
0x11f: {  	v24 =	vmul.f32 v21, v10;
	[tilespmem:s19+$0xFFFFFF00] =	vst v3;
	v9 =	vbroadcast v3, $0x0;
	v27 =	vld [tilespmem:s19+$0x50];
	v3 =	vpop (erf)  }
0x120: {  	v6 =	vmul.f32 v21, v8;
	[tilespmem:s19+$0xFFFFFF60] =	vst v7;
	v28 =	vbroadcast v3, $0x0;
	v29 =	vld [tilespmem:s19+$0x60];
	v4 =	vpop (erf)  }
0x121: {  	v10 =	vmul.f32 v9, v13;
	[tilespmem:s19+$0xFFFFFF70] =	vst v24;
	v7 =	vbroadcast v4, $0x0;
	v30 =	vld [tilespmem:s19+$0x70];
	v5 =	vpop (erf)  }
0x122: {  	v13 =	vmul.f32 v9, v14;
	[tilespmem:s19+$0xFFFFFF80] =	vst v6;
	v8 =	vld [tilespmem:s19+$0x80];
	v6 =	vbroadcast v5, $0x0  }
0x123: {  	v14 =	vmul.f32 v9, v16;
	v12 =	vmul.f32 v12, v9;
	[tilespmem:s19+$0xFFFFFEC0] =	vst v10;
	v9 =	vld [tilespmem:s19+$0xA0]  }
0x124: {  	v15 =	vmul.f32 v23, v15;
	[tilespmem:s19+$0xFFFFFED0] =	vst v13;
	v13 =	vmul.f32 v18, v21;
	v10 =	vld [tilespmem:s19+$0xB0]  }
.Ltmp2:
0x125: {  	v16 =	vmul.f32 v23, v19;
	v24 =	vmul.f32 v23, v11;
	[tilespmem:s19+$0xFFFFFEE0] =	vst v14;
	v11 =	vld [tilespmem:s19+$0xC0];
	(pc) =	sbr.rel @p0 .LBB2_7-.Ltmp2, $4  }
0x126: {  	v23 =	vmul.f32 v17, v23;
	v18 =	vmul.f32 v28, v20;
	[tilespmem:s19+$0xFFFFFEF0] =	vst v12;
	v12 =	vld [tilespmem:s19+$0xD0]  }
0x127: {  	v17 =	vmul.f32 v28, v25;
	v20 =	vmul.f32 v28, v22;
	[tilespmem:s19+$0xFFFFFF90] =	vst v13;
	v13 =	vld [tilespmem:s19+$0xF0]  }
0x128: {  	v19 =	vmul.f32 v26, v28;
	[tilespmem:s19+$0xFFFFFFB0] =	vst v15;
	v15 =	vmul.f32 v7, v27;
	v14 =	vld [tilespmem:s19+$0x100]  }
0x129: {  	v21 =	vmul.f32 v7, v29;
	s19 =	sadd.s32 $0x280, s19;
	[tilespmem:s29+$0xFFFFFFC0] =	vst v16;
	v16 =	vmul.f32 v7, v30;
	v22 =	vld [tilespmem:s29+$0x110]  }
0x12a: {  	[tilespmem:s29+$0xFFFFFFD0] =	vst v24  }
0x12b: {  	[tilespmem:s29+$0xFFFFFFE0] =	vst v23  }
0x12c: {  	[tilespmem:s29+$0x0] =	vst v18  }
0x12d: {  	[tilespmem:s29+$0x10] =	vst v20  }
0x12e: {  	[tilespmem:s29+$0x20] =	vst v17  }
0x12f: {  	[tilespmem:s29+$0x30] =	vst v19  }
0x130: {  	[tilespmem:s29+$0x50] =	vst v15  }
0x131: {  	[tilespmem:s29+$0xFFFFFFF0] =	vst v2  }
0x132: {  	[tilespmem:s29+$0x40] =	vst v3  }
0x133: {  	[tilespmem:s29+$0x90] =	vst v4  }
0x134: {  	[tilespmem:s29+$0xE0] =	vst v5  }
0x135: {  	v7 =	vmul.f32 v8, v7;
	[tilespmem:s29+$0x60] =	vst v21  }
0x136: {  	v58 =	vmul.f32 v6, v9;
	[tilespmem:s29+$0x70] =	vst v16  }
0x137: {  	v59 =	vmul.f32 v6, v10;
	[tilespmem:s29+$0x80] =	vst v7  }
0x138: {  	v60 =	vmul.f32 v6, v11;
	[tilespmem:s29+$0xA0] =	vst v58  }
0x139: {  	v61 =	vmul.f32 v12, v6;
	[tilespmem:s29+$0xB0] =	vst v59  }
0x13a: {  	v62 =	vmul.f32 v1, v13;
	[tilespmem:s29+$0xC0] =	vst v60  }
0x13b: {  	v63 =	vmul.f32 v1, v14;
	[tilespmem:s29+$0xD0] =	vst v61  }
0x13c: {  	v1 =	vmul.f32 v1, v22;
	[tilespmem:s29+$0xF0] =	vst v62  }
0x13d: {  	p0 =	sne.s32 s28, $0x28;
	[tilespmem:s29+$0x100] =	vst v63  }
.Ltmp3:
0x13e: {  	[tilespmem:s29+$0x110] =	vst v1;
	(pc) =	sbr.rel @p0 .LBB2_4-.Ltmp3, $4  }
0x13f: {  	[spmem:s2] =	stream.indirect.scatter.add.f32 [tilespmem:s20], [sflag:$0x5], $0x50, s26, s18, $0xb8;
	[tilespmem:$0x17800] =	vst v63  }
0x140: {  	_ =	swait.ge [sflag:s16], $0x2800  }
0x141: {  	[sflag:s16] =	ssyncset.done $0x0  }
0x142: {  	[sflag:s16] =	ssyncadd.s32 $0xFFFFD800  }
0x143: {  	s3 =	sadd.s32 $0x1, s3  }
0x144: {  	s1 =	sshll.u32 s0, $0x6;
	[bflag:$0x0] =	sbarrier.arrive $0xFFFF;
	p0 =	sne.s32 s3, s14  }
.Ltmp4:
0x145: {  	s19 =	sshrl.u32 s6, $0x3;
	s1 =	sor.u32 $0x1C05, s1;
	(pc) =	sbr.rel @p0 .LBB2_1-.Ltmp4, $4  }
0x146: {  	[hbm:s13], [sflag:s1] =	dma.local [spmem:s19], $0x1900  }
0x147: {  	_ =	swait.ge [sflag:s16], $0x1900  }
0x148: {  	[sflag:s16] =	ssyncset.done $0x0  }
0x149: {  	[sflag:s16] =	ssyncadd.s32 $0xFFFFE700  }
0x14a: {  	_ =	sfence.sel $0x180000  }
0x14b: {  	[bflag:$0x0] =	sbarrier.arrive $0xFFFF  }
0x14c: {  	_ =	strace $0x9000004A  }
0x14d: {  	[bflag:$0x2] =	sbarrier.arrive $0xFFFF  }
0x14e: {  	p0 =	sne.s32 s0, $0x0;
	s0 =	rddreg [dreg:$0x3]  }
0x14f: {  	s0 =	sadd.s32 @!p0 $0x100000, s0  }
0x150: {  	[sflag:s0] =	ssyncadd.tile.s32 @!p0 $0x1;
	_ =	shalt  }
.Lfunc_end2:
_tile_overlayer_lowered:
.L_overlay_start_2:
0x151: {  	(tag) =	ssettag $0x2  }
0x152: {  	s0 =	rddreg [dreg:$0x0];
	s2 =	stileid.u32  }
0x153: {  	s1 =	rddreg [dreg:$0x1];
	p0 =	sne.s32 s2, $0x0  }
0x154: {  	s3 =	rddreg [dreg:$0x2];
	[bflag:$0x3] =	sbarrier.arrive $0xFFFF;
	s2 =	simm.s32 @!p0 $0x1C05  }
0x155: {  	[timem:s3], [sflag:s2] =	dma.local @!p0 [hbm:s0], s1  }
0x156: {  	s0 =	simm.s32 @!p0 $0x5  }
0x157: {  	_ =	swait.ge @!p0 [sflag:s0], s1  }
0x158: {  	s1 =	ssub.s32 @!p0 $0x0, s1;
	[sflag:s0] =	ssyncset.done @!p0 $0x0  }
0x159: {  	[sflag:s0] =	ssyncadd.s32 @!p0 s1  }
0x15a: {  	[bflag:$0x3] =	sbarrier.arrive $0xFFFF  }
0x15b: {  	_ =	shalt  }

// kernel: kernel.7.cloned.1.call-start
scs
__scs_entry_jumppad:
0x0: {  	(pc) =	sbr.rel $0x88, $3  }
0x1: {  	(tag) =	ssettag $0x0;
	lr =	simm.s32 $0x1  }
0x2: {  	[smem:$0x3F95] =	sst lr;
	_ =	strace $0xD0000000  }
0x3: {  	_ = 	snop  }
0x4: {  	_ = 	snop  }
0x5: {  	_ = 	snop  }
0x6: {  	_ = 	snop  }
0x7: {  	_ = 	snop  }
__scs_overlays_trampoline_lowered:
0x8: {  	[smem:$0x3FA4] =	sst s0  }
0x9: {  	[smem:$0x3FA5] =	sst s1  }
0xa: {  	[smem:$0x3FA6] =	sst s2  }
0xb: {  	[smem:$0x3FA7] =	sst s3  }
0xc: {  	[smem:$0x3FA8] =	sst s4  }
0xd: {  	[smem:$0x3FA9] =	sst s5  }
0xe: {  	[smem:$0x3FAA] =	sst s6  }
0xf: {  	[smem:$0x3FAB] =	sst s7  }
0x10: {  	[smem:$0x3FAC] =	sst s8  }
0x11: {  	[smem:$0x3FAD] =	sst s9;
	s0 =	simm.s32 @!p0 $0x0  }
0x12: {  	s1 =	sld [smem:$0x3F93];
	s0 =	simm.s32 @p0 $0x1  }
0x13: {  	[smem:$0x3FAE] =	sst s0;
	s0 =	simm.s32 @!p1 $0x0  }
0x14: {  	s2 =	sld [smem:$0x3F92];
	s0 =	simm.s32 @p1 $0x1  }
0x15: {  	[smem:$0x3FAF] =	sst s0;
	s0 =	simm.s32 @!p2 $0x0  }
0x16: {  	s3 =	sld [smem:$0x3FDB];
	s0 =	simm.s32 @p2 $0x1  }
0x17: {  	s4 =	simm.s32 $0x1BF5;
	[smem:$0x3FB1] =	sst s0  }
0x18: {  	s0 =	sld [smem:$0x3F94];
	_ =	swait.ge [sflag:s4], $0x0  }
0x19: {  	s7 =	sld [smem:$0x3F95]  }
0x1a: {  	s8 =	sadd.s32 $0xFFFFE003, lr  }
0x1b: {  	s9 =	sadd.s32 $0xFFFFFEF7, lr;
	s5 =	simm.s32 $0xFFFFFFFF;
	p2 =	slt.u32 s8, $0xFFFFF086  }
0x1c: {  	p1 =	slt.u32 s9, $0xF7A;
	s5 =	simm.s32 @!p2 $0x0  }
0x1d: {  	s5 =	simm.s32 @p1 $0x1;
	p0 =	seq.s32 s7, s2  }
0x1e: {  	s7 =	smul.u32 @!p0 $0xF7A, s2;
	p2 =	seq.s32 @!p0 s5, $0x0  }
0x1f: {  	s9 =	smul.u32 $0xF7A, s1;
	s8 =	simm.s32 @!p0 $0x1BF5;
	p2 =	por !p2, p0  }
0x20: {  	[sflag:s8] =	ssyncset.s32 @!p0 $0xFFFFF086;
	s6 =	sadd.s32 @!p0 s3, s7;
	s7 =	simm.s32 @!p0 $0x108  }
0x21: {  	s3 =	sadd.s32 s3, s9;
	s6 =	sadd.s32 @!p0 $0x88, s6;
	s7 =	simm.s32 @p2 $0x1082  }
0x22: {  	[simem:s7], [sflag:s8] =	dma.local @!p0 [hbm:s6], $0xF7A  }
0x23: {  	s9 =	sor.u32 $0xD0000000, s2;
	s6 =	simm.s32 $0x108;
	_ =	swait.ge @!p0 [sflag:s8], $0x0  }
0x24: {  	s3 =	sadd.s32 $0x88, s3;
	s6 =	simm.s32 @!p1 $0x1082;
	[sflag:s4] =	ssyncset.s32 $0xFFFFF086  }
0x25: {  	[simem:s6], [sflag:s4] =	dma.local [hbm:s3], $0xF7A  }
0x26: {  	[smem:$0x3F95] =	sst s1;
	(tag) =	ssettag s2;
	_ =	strace s9  }
0x27: {  	s1 =	sld [smem:$0x3FA5]  }
0x28: {  	s2 =	sld [smem:$0x3FA6]  }
0x29: {  	s4 =	sld [smem:$0x3FA8]  }
0x2a: {  	p0 =	seq.s32 s5, $0x0;
	s5 =	sld [smem:$0x3FA9]  }
0x2b: {  	s6 =	sld [smem:$0x3FAA]  }
0x2c: {  	s7 =	sld [smem:$0x3FAB]  }
0x2d: {  	s3 =	simm.s32 $0x108;
	s8 =	sld [smem:$0x3FAC]  }
0x2e: {  	s3 =	simm.s32 @!p0 $0x1082;
	s9 =	sld [smem:$0x3FAD]  }
0x2f: {  	lr =	sadd.s32 s0, s3;
	s0 =	sld [smem:$0x3FA4]  }
0x30: {  	s3 =	sld [smem:$0x3FA7]  }
0x31: {  	[smem:$0x3FB0] =	sst s10  }
0x32: {  	s10 =	sld [smem:$0x3FAE];
	_ =	sdelay $0x3  }
0x33: {  	p0 =	seq.s32 s10, $0x1;
	s10 =	sld [smem:$0x3FB0];
	_ =	sdelay $0x3  }
0x34: {  	[smem:$0x3FB0] =	sst s10  }
0x35: {  	s10 =	sld [smem:$0x3FAF];
	_ =	sdelay $0x3  }
0x36: {  	p1 =	seq.s32 s10, $0x1;
	s10 =	sld [smem:$0x3FB0];
	_ =	sdelay $0x3  }
0x37: {  	[smem:$0x3FB0] =	sst s10  }
0x38: {  	s10 =	sld [smem:$0x3FB1]  }
0x39: {  	_ = 	snop;
	(pc) =	sbr.ind lr, $3  }
0x3a: {  	_ = 	snop  }
0x3b: {  	_ = 	snop  }
0x3c: {  	p2 =	seq.s32 s10, $0x1;
	s10 =	sld [smem:$0x3FB0]  }
0x3d: {  	_ =	shalt  }
0x3e: {  	_ =	shalt  }
0x3f: {  	_ =	shalt  }
0x40: {  	_ =	shalt  }
0x41: {  	_ =	shalt  }
0x42: {  	_ =	shalt  }
0x43: {  	_ =	shalt  }
0x44: {  	_ =	shalt  }
0x45: {  	_ =	shalt  }
0x46: {  	_ =	shalt  }
0x47: {  	_ =	shalt  }
0x48: {  	_ =	shalt  }
0x49: {  	_ =	shalt  }
0x4a: {  	_ =	shalt  }
0x4b: {  	_ =	shalt  }
0x4c: {  	_ =	shalt  }
0x4d: {  	_ =	shalt  }
0x4e: {  	_ =	shalt  }
0x4f: {  	_ =	shalt  }
0x50: {  	_ =	shalt  }
0x51: {  	_ =	shalt  }
0x52: {  	_ =	shalt  }
0x53: {  	_ =	shalt  }
0x54: {  	_ =	shalt  }
0x55: {  	_ =	shalt  }
0x56: {  	_ =	shalt  }
0x57: {  	_ =	shalt  }
0x58: {  	_ =	shalt  }
0x59: {  	_ =	shalt  }
0x5a: {  	_ =	shalt  }
0x5b: {  	_ =	shalt  }
0x5c: {  	_ =	shalt  }
0x5d: {  	_ =	shalt  }
0x5e: {  	_ =	shalt  }
0x5f: {  	_ =	shalt  }
0x60: {  	_ =	shalt  }
0x61: {  	_ =	shalt  }
0x62: {  	_ =	shalt  }
0x63: {  	_ =	shalt  }
0x64: {  	_ =	shalt  }
0x65: {  	_ =	shalt  }
0x66: {  	_ =	shalt  }
0x67: {  	_ =	shalt  }
0x68: {  	_ =	shalt  }
0x69: {  	_ =	shalt  }
0x6a: {  	_ =	shalt  }
0x6b: {  	_ =	shalt  }
0x6c: {  	_ =	shalt  }
0x6d: {  	_ =	shalt  }
0x6e: {  	_ =	shalt  }
0x6f: {  	_ =	shalt  }
0x70: {  	_ =	shalt  }
0x71: {  	_ =	shalt  }
0x72: {  	_ =	shalt  }
0x73: {  	_ =	shalt  }
0x74: {  	_ =	shalt  }
0x75: {  	_ =	shalt  }
0x76: {  	_ =	shalt  }
0x77: {  	_ =	shalt  }
0x78: {  	_ =	shalt  }
0x79: {  	_ =	shalt  }
0x7a: {  	_ =	shalt  }
0x7b: {  	_ =	shalt  }
0x7c: {  	_ =	shalt  }
0x7d: {  	_ =	shalt  }
0x7e: {  	_ =	shalt  }
0x7f: {  	_ =	shalt  }
0x80: {  	_ =	shalt  }
0x81: {  	_ =	shalt  }
0x82: {  	_ =	shalt  }
0x83: {  	_ =	shalt  }
0x84: {  	_ =	shalt  }
0x85: {  	_ =	shalt  }
0x86: {  	_ =	shalt  }
0x87: {  	_ =	shalt  }
.Lfunc_end0:
.L_simem_size_0:
called_computation_lowered:
.L_overlay_start_0:
0x88: {  	s2 =	sld [smem:$0x3FD9]  }
0x89: {  	s3 =	sld [smem:$0x3FFE];
	_ =	sdelay $0x1  }
0x8a: {  	s1 =	srdreg.scid  }
0x8b: {  	s0 =	sand.u32 $0x1, s1  }
0x8c: {  	s17 =	sshll.u32 s0, $0xA;
	s2 =	sadd.s32 s3, s2  }
0x8d: {  	s2 =	sadd.s32 s2, s17  }
0x8e: {  	[smem:$0x3FBC] =	sst s2  }
0x8f: {  	_ = 	snop  }
0x90: {  	s2 =	sld [smem:$0x3FD0];
	(tm) =	ssettm $0x1  }
0x91: {  	s18 =	sld [smem:$0x3FFB];
	_ =	sdelay $0x3  }
0x92: {  	_ =	strace s18  }
0x93: {  	s3 =	sld [smem:$0x3FFC];
	_ =	sdelay $0x3  }
0x94: {  	_ =	strace s3  }
0x95: {  	s3 =	sld [smem:$0x3FFD];
	_ =	sdelay $0x3  }
0x96: {  	_ =	strace s3  }
0x97: {  	_ =	strace $0x8FFFFFFF  }
0x98: {  	s19 =	sld [smem:$0x3FDB];
	_ =	sdelay $0x1  }
0x99: {  	s4 =	simm.s32 $_scs_section_size  }
0x9a: {  	s5 =	simm.s32 $_size__tile_overlayer_lowered;
	s6 =	simm.s32 $_tile_overlayer_lowered  }
0x9b: {  	s22 =	simm.s32 $0x1BFF;
	s21 =	sshll.u32 s6, $0x1;
	s3 =	sadd.s32 s4, s19  }
0x9c: {  	s7 =	simm.s32 $0x0;
	s20 =	sshll.u32 s5, $0x1;
	s5 =	sadd.s32 s21, s3  }
0x9d: {  	[timem:s7], [sflag:s22] =	dma.local [hbm:s5], s20  }
0x9e: {  	_ =	swait.ge [sflag:s22], s20  }
0x9f: {  	s4 =	ssub.s32 $0x0, s20;
	[sflag:s22] =	ssyncset.done $0x0  }
0xa0: {  	[sflag:s22] =	ssyncadd.s32 s4;
	_ =	sdelay $0x1  }
0xa1: {  	s23 =	simm.s32 $0x1B8B  }
0xa2: {  	_ =	swait.ge [sflag:s23], $0x1  }
0xa3: {  	[sflag:s23] =	ssyncset.done $0x0  }
0xa4: {  	s25 =	simm.s32 $0x1B8E;
	s24 =	sld [smem:$0x3FFE];
	[sflag:s23] =	ssyncadd.s32 $0xFFFFFFFF  }
0xa5: {  	s26 =	simm.s32 $execute0_lowered;
	[smem:$0x3FD2] =	sst s25  }
0xa6: {  	s5 =	sshll.u32 s26, $0x1;
	_ =	strace $0x80000046;
	[dreg:$0x1] =	wrdreg $0xFFFFFFFF  }
0xa7: {  	s28 =	simm.s32 $_size_execute0_lowered;
	s3 =	sadd.s32 s3, s5;
	[dreg:$0x0] =	wrdreg $0x0  }
0xa8: {  	s5 =	sshll.u32 s28, $0x1;
	[dreg:$0x2] =	wrdreg s3  }
0xa9: {  	[dreg:$0x3] =	wrdreg s5  }
0xaa: {  	[dreg:$0x4] =	wrdreg $0xC0  }
0xab: {  	_ =	task [dreg:s7], $0x5FFFF  }
0xac: {  	[dreg:$0x1] =	wrdreg $0xFFFFFFFF  }
0xad: {  	[dreg:$0x0] =	wrdreg $0x60  }
0xae: {  	[dreg:$0x2] =	wrdreg s24  }
0xaf: {  	[dreg:$0x3] =	wrdreg s2  }
0xb0: {  	[dreg:$0x4] =	wrdreg $0xB0000  }
0xb1: {  	[dreg:$0x5] =	wrdreg $0x9  }
0xb2: {  	_ =	task.clear_ibuf [dreg:s7], $0x6FFFF;
	_ =	strace $0x90000046  }
0xb3: {  	s29 =	simm.s32 $0x9;
	_ =	strace $0x80000048  }
0xb4: {  	_ =	swait.ge [sflag:s29], $0x1  }
0xb5: {  	[sflag:s29] =	ssyncadd.s32 $0xFFFFFFFF  }
0xb6: {  	_ =	strace $0x90000048  }
0xb7: {  	_ =	sfence  }
0xb8: {  	s30 =	sld [smem:$0x0];
	_ =	sdelay $0x2  }
0xb9: {  	s31 =	sshll.u32 s1, $0xD;
	s1 =	sshrl.u32 s1, $0x2  }
0xba: {  	s3 =	sand.u32 $0x4000, s31;
	s1 =	sadd.s32 s1, s30  }
0xbb: {  	s0 =	sor.u32 s3, s0;
	s1 =	sshll.u32 s1, $0x11  }
0xbc: {  	s0 =	sor.u32 s1, s0  }
0xbd: {  	s0 =	sadd.s32 $0x8F2B, s0  }
0xbe: {  	[sflag:s0] =	ssyncadd.remote.s32 $0x1  }
0xbf: {  	_ =	sfence.sel $0xFFFF  }
0xc0: {  	[dreg:$0x0] =	wrdreg $0xFFFFFFFF;
	(pc) =	sbr.abs _section_cstart, $3  }
0xc1: {  	[dreg:$0x1] =	wrdreg $0xFFFFFFFF  }
0xc2: {  	_ =	task.clear_ibuf [dreg:s7], $0x2FFFF;
	_ =	strace $0x9FFFFFFF  }
0xc3: {  	(tm) =	ssettm $0x7FFFFFFF  }
tec
execute0_lowered:
.L_overlay_start_1:
0x0: {  	(tag) =	ssettag $0x1  }
0x1: {  	s1 =	srdreg.scid  }
0x2: {  	s0 =	stileid.u32;
	s6 =	rddreg [dreg:$0x0]  }
0x3: {  	s11 =	rddreg [dreg:$0x1];
	s15 =	simm.s32 $0x5000;
	s16 =	simm.s32 $0x5  }
0x4: {  	s17 =	simm.s32 $0x2800;
	s18 =	simm.s32 $0x80;
	s20 =	simm.s32 $0x7800  }
0x5: {  	s21 =	simm.s32 $0xA800;
	s22 =	simm.s32 $0x1;
	s23 =	simm.s32 $0x3  }
0x6: {  	s24 =	simm.s32 $0x2;
	s25 =	simm.s32 $0x4;
	s1 =	sand.u32 $0x1, s1  }
0x7: {  	s2 =	sshll.u32 s0, $0x1;
	s7 =	smul.u32 $0xC800, s0;
	s4 =	sadd.s32 $0x400, s6  }
0x8: {  	s9 =	smul.u32 $0x32000, s0;
	s5 =	sadd.s32 $0x19400, s6;
	s3 =	sor.u32 s1, s2  }
0x9: {  	s2 =	rddreg [dreg:$0x2];
	s8 =	smul.u32 $0xC8000, s1;
	s1 =	ssub.s32 $0x2, s1  }
0xa: {  	s12 =	smul.u32 $0x500, s3;
	s3 =	simm.s32 $0x0;
	s9 =	sshrl.u32 s9, $0x2  }
0xb: {  	s31 =	sshrl.u32 s1, $0x1;
	[smem:$0x7FF] =	sst s3;
	s8 =	sadd.s32 s7, s8  }
0xc: {  	s10 =	sadd.s32 s9, s2;
	s1 =	ssub.s32 s1, s31;
	_ =	strace $0x80000047  }
0xd: {  	s13 =	sadd.s32 s12, s6;
	s8 =	sshrl.u32 s8, $0x3;
	s9 =	sadd.s32 $0x7800, s10  }
0xe: {  	s11 =	sadd.s32 s11, s12;
	s14 =	sadd.s32 s8, s6;
	s6 =	sadd.s32 s7, s2  }
0xf: {  	s7 =	sadd.s32 $0x2800, s10;
	s8 =	sadd.s32 $0x5000, s10;
	s10 =	sadd.s32 $0xA000, s10  }
0x10: {  	v0 =	vimm.f32 $0.0e+00;
	s12 =	sadd.s32 $0x1E400, s13;
	s13 =	sadd.s32 $0x28400, s14;
	s14 =	smax.u32 s1, $0x1  }
.LBB2_1:
0x11: {  	s19 =	simm.s32 $0x140;
	s1 =	simm.s32 $0x0  }
.LBB2_2:
0x12: {  	p0 =	sne.s32 s19, $0x9EC0;
	[tilespmem:s1+$0x5040] =	vst v0;
	s26 =	smov.u32 s19;
	s19 =	sadd.s32 $0x140, s19  }
.Ltmp0:
0x13: {  	[tilespmem:s1+$0x5030] =	vst v0;
	(pc) =	sbr.rel @p0 .LBB2_2-.Ltmp0, $4  }
0x14: {  	[tilespmem:s1+$0x5020] =	vst v0  }
0x15: {  	[tilespmem:s1+$0x5000] =	vst v0  }
0x16: {  	[tilespmem:s1+$0x5010] =	vst v0  }
0x17: {  	s1 =	sshra.s32 s26, $0x2  }
0x18: {  	[tilespmem:s1+$0x5040] =	vst v0  }
0x19: {  	[tilespmem:s1+$0x5030] =	vst v0  }
0x1a: {  	[tilespmem:s1+$0x5020] =	vst v0  }
0x1b: {  	[tilespmem:s1+$0x5000] =	vst v0  }
0x1c: {  	[tilespmem:s1+$0x5010] =	vst v0  }
0x1d: {  	[spmem:s6] =	stream.linear.scatter [tilespmem:s15], [sflag:$0x5], $0x2800, $0x38;
	[tilespmem:$0x17800] =	vst v63  }
0x1e: {  	_ =	swait.ge [sflag:s16], $0x2800  }
0x1f: {  	[sflag:s16] =	ssyncset.done $0x0  }
0x20: {  	[sflag:s16] =	ssyncadd.s32 $0xFFFFD800  }
0x21: {  	[spmem:s7] =	stream.linear.scatter [tilespmem:s15], [sflag:$0x5], $0x2800, $0x38;
	[tilespmem:$0x17800] =	vst v63  }
0x22: {  	_ =	swait.ge [sflag:s16], $0x2800  }
0x23: {  	[sflag:s16] =	ssyncset.done $0x0  }
0x24: {  	[sflag:s16] =	ssyncadd.s32 $0xFFFFD800  }
0x25: {  	[spmem:s8] =	stream.linear.scatter [tilespmem:s15], [sflag:$0x5], $0x2800, $0x38;
	[tilespmem:$0x17800] =	vst v63  }
0x26: {  	_ =	swait.ge [sflag:s16], $0x2800  }
0x27: {  	[sflag:s16] =	ssyncset.done $0x0  }
0x28: {  	[sflag:s16] =	ssyncadd.s32 $0xFFFFD800  }
0x29: {  	[spmem:s9] =	stream.linear.scatter [tilespmem:s15], [sflag:$0x5], $0x2800, $0x38;
	[tilespmem:$0x17800] =	vst v63  }
0x2a: {  	_ =	swait.ge [sflag:s16], $0x2800  }
0x2b: {  	[sflag:s16] =	ssyncset.done $0x0  }
0x2c: {  	[sflag:s16] =	ssyncadd.s32 $0xFFFFD800  }
0x2d: {  	[spmem:s10] =	stream.linear.scatter [tilespmem:s15], [sflag:$0x5], $0x2800, $0x38;
	[tilespmem:$0x17800] =	vst v63  }
0x2e: {  	_ =	swait.ge [sflag:s16], $0x2800  }
0x2f: {  	[sflag:s16] =	ssyncset.done $0x0  }
0x30: {  	[sflag:s16] =	ssyncadd.s32 $0xFFFFD800  }
0x31: {  	s28 =	simm.s32 $0x0;
	[bflag:$0x0] =	sbarrier.arrive $0xFFFF  }
0x32: {  	[tilespmem:s28], [sflag:$0x5] =	stream.linear.gather [hbm4b:s11+s28], $0x2800, $0x38;
	[tilespmem:$0x17800] =	vst v63  }
0x33: {  	_ =	swait.ge [sflag:s16], $0x2800  }
0x34: {  	[sflag:s16] =	ssyncset.done $0x0  }
0x35: {  	[sflag:s16] =	ssyncadd.s32 $0xFFFFD800  }
0x36: {  	[tilespmem:s17], [sflag:$0x5] =	stream.linear.gather [hbm4b:s12+s28], $0x2800, $0x38;
	[tilespmem:$0x17800] =	vst v63  }
0x37: {  	_ =	swait.ge [sflag:s16], $0x2800  }
0x38: {  	[sflag:s16] =	ssyncset.done $0x0  }
0x39: {  	[sflag:s16] =	ssyncadd.s32 $0xFFFFD800  }
0x3a: {  	[tilespmem:s15], [sflag:$0x1] =	stream.indirect.gather [hbm4b:s4+s18], $0x50, s28, s18, $0xb8;
	[tilespmem:$0x17800] =	vst v63  }
0x3b: {  	s31 =	simm.s32 $0xA000  }
0x3c: {  	[tilespmem:s31], [sflag:$0x3] =	stream.indirect.gather [hbm4b:s5+s18], $0x10, s17, s18, $0xb8;
	[tilespmem:$0x17800] =	vst v63  }
.LBB2_4:
0x3d: {  	s29 =	sshll.u32 s28, $0x8  }
0x3e: {  	s1 =	sor.u32 $0x80, s29  }
0x3f: {  	[tilespmem:s20], [sflag:$0x2] =	stream.indirect.gather [hbm4b:s4+s18], $0x50, s1, s18, $0xb8;
	[tilespmem:$0x17800] =	vst v63  }
0x40: {  	s26 =	sadd.s32 $0x2880, s29  }
0x41: {  	[tilespmem:s21], [sflag:$0x4] =	stream.indirect.gather [hbm4b:s5+s18], $0x10, s26, s18, $0xb8;
	[tilespmem:$0x17800] =	vst v63  }
0x42: {  	_ =	swait.ge [sflag:s22], $0x2800  }
0x43: {  	[sflag:s22] =	ssyncset.done $0x0  }
0x44: {  	[sflag:s22] =	ssyncadd.s32 $0xFFFFD800  }
0x45: {  	_ =	swait.ge [sflag:s23], $0x800  }
0x46: {  	[sflag:s23] =	ssyncset.done $0x0  }
0x47: {  	s30 =	simm.s32 $0x5140;
	[sflag:s23] =	ssyncadd.s32 $0xFFFFF800  }
0x48: {  	s31 =	simm.s32 $0xA040;
	v1 =	vld [tilespmem:s30+$0x130]  }
0x49: {  	v2 =	vld [tilespmem:s31+$0x30]  }
0x4a: {  	v3 =	vld [tilespmem:s31+$0xFFFFFFC0]  }
0x4b: {  	v4 =	vld [tilespmem:s30+$0xFFFFFF50]  }
0x4c: {  	v5 =	vld [tilespmem:s31+$0xFFFFFFD0]  }
0x4d: {  	v6 =	vld [tilespmem:s30+$0xFFFFFFA0]  }
0x4e: {  	v7 =	vld [tilespmem:s31+$0xFFFFFFE0]  }
0x4f: {  	v8 =	vld [tilespmem:s31+$0xFFFFFFF0]  }
0x50: {  	v12 =	vld [tilespmem:s30+$0xFFFFFF00]  }
0x51: {  	v10 =	vld [tilespmem:s30+$0x40];
	v1 =	vadd.f32 v2, v1  }
0x52: {  	v2 =	vld [tilespmem:s30+$0xFFFFFFF0];
	v4 =	vadd.f32 v5, v4  }
0x53: {  	v5 =	vld [tilespmem:s31+$0x0];
	v9 =	vmul.f32 $2.000000030e-01, v1  }
0x54: {  	v6 =	vadd.f32 v7, v6;
	v7 =	vld [tilespmem:s31+$0x10];
	vm0 =	vge.f32 v1, $0.0e+00;
	v11 =	vmul.f32 $2.000000030e-01, v4  }
0x55: {  	v3 =	vadd.f32 v3, v12;
	vm10 =	vge.f32 v4, $0.0e+00;
	v1 =	vsel vm0, v1, v9;
	v9 =	vld [tilespmem:s30+$0x90]  }
0x56: {  	v4 =	vsel vm10, v4, v11;
	v11 =	vld [tilespmem:s31+$0x20];
	v1 =	vmul.f32 $1.442695020e+00, v1  }
0x57: {  	vm11 =	vge.f32 v6, $0.0e+00;
	vm15 =	vge.f32 v3, $0.0e+00;
	v2 =	vadd.f32 v8, v2;
	v8 =	vld [tilespmem:s30+$0xE0]  }
0x58: {  	v5 =	vadd.f32 v5, v10;
	v4 =	vmul.f32 $1.442695020e+00, v4;
	(erf) = vpow2.f32 v1  }
0x59: {  	v17 =	vld [tilespmem:s30+$0xFFFFFEC0];
	v1 =	vmul.f32 $2.000000030e-01, v6;
	vm1 =	vge.f32 v2, $0.0e+00;
	v10 =	vmul.f32 $2.000000030e-01, v2  }
0x5a: {  	v18 =	vld [tilespmem:s30+$0xFFFFFED0];
	vm12 =	vge.f32 v5, $0.0e+00;
	(erf) = vpow2.f32 v4;
	v7 =	vadd.f32 v7, v9  }
0x5b: {  	v20 =	vld [tilespmem:s30+$0xFFFFFEE0];
	v1 =	vsel vm11, v6, v1;
	v6 =	vmul.f32 $2.000000030e-01, v5;
	v2 =	vsel vm1, v2, v10  }
0x5c: {  	v22 =	vld [tilespmem:s30+$0xFFFFFEF0];
	v9 =	vmul.f32 $2.000000030e-01, v3;
	v8 =	vadd.f32 v11, v8;
	v4 =	vmul.f32 $2.000000030e-01, v7  }
0x5d: {  	v13 =	vld [tilespmem:s30+$0xFFFFFF30];
	v1 =	vmul.f32 $1.442695020e+00, v1;
	v2 =	vmul.f32 $1.442695020e+00, v2;
	vm13 =	vge.f32 v7, $0.0e+00  }
0x5e: {  	v15 =	vld [tilespmem:s30+$0xFFFFFF40];
	v5 =	vsel vm12, v5, v6;
	v4 =	vsel vm13, v7, v4;
	v7 =	vmul.f32 $2.000000030e-01, v8  }
0x5f: {  	v12 =	vld [tilespmem:s30+$0xFFFFFF20];
	v3 =	vsel vm15, v3, v9;
	vm14 =	vge.f32 v8, $0.0e+00;
	v10 =	vmul.f32 $1.442695020e+00, v5  }
0x60: {  	v11 =	vld [tilespmem:s30+$0xFFFFFF10];
	v3 =	vmul.f32 $1.442695020e+00, v3;
	v14 =	vmul.f32 $1.442695020e+00, v4;
	v4 =	vsel vm14, v8, v7  }
0x61: {  	v6 =	vld [tilespmem:s30+$0x120];
	v16 =	vpop (erf);
	v19 =	vmul.f32 $1.442695020e+00, v4;
	(erf) = vpow2.f32 v1  }
0x62: {  	v9 =	vld [tilespmem:s30+$0xFFFFFFC0];
	v5 =	vbroadcast v16, $0x3;
	v1 =	vbroadcast v16, $0x0  }
0x63: {  	v7 =	vld [tilespmem:s30+$0xFFFFFF90];
	(erf) = vpow2.f32 v2;
	v2 =	vbroadcast v16, $0x1;
	v23 =	vpop (erf)  }
0x64: {  	v8 =	vld [tilespmem:s30+$0xFFFFFFB0];
	(erf) = vpow2.f32 v3;
	v24 =	vbroadcast v23, $0x0  }
0x65: {  	v4 =	vld [tilespmem:s30+$0xFFFFFF60];
	v25 =	vbroadcast v23, $0x1;
	v3 =	vbroadcast v16, $0x2  }
0x66: {  	[tilespmem:s30+$0x130] =	vst v16;
	v16 =	vld [tilespmem:s30+$0x50];
	v21 =	vmul.f32 v6, v5;
	(erf) = vpow2.f32 v10  }
0x67: {  	v5 =	vld [tilespmem:s30+$0xFFFFFF70];
	(erf) = vpow2.f32 v14;
	v14 =	vbroadcast v23, $0x2  }
0x68: {  	v6 =	vld [tilespmem:s30+$0xFFFFFF80];
	(erf) = vpow2.f32 v19;
	v19 =	vbroadcast v23, $0x3  }
0x69: {  	v10 =	vld [tilespmem:s30+$0xFFFFFFD0];
	v31 =	vmul.f32 v24, v11;
	v25 =	vmul.f32 v25, v12  }
0x6a: {  	v11 =	vld [tilespmem:s30+$0xFFFFFFE0];
	v32 =	vmul.f32 v14, v13;
	v33 =	vmul.f32 v15, v19;
	v34 =	vpop (erf)  }
0x6b: {  	v12 =	vld [tilespmem:s30+$0x0];
	v30 =	vbroadcast v34, $0x0;
	v28 =	vbroadcast v34, $0x1  }
0x6c: {  	[tilespmem:s30+$0x120] =	vst v21;
	v21 =	vld [tilespmem:s30+$0x70];
	v26 =	vbroadcast v34, $0x2;
	v24 =	vbroadcast v34, $0x3;
	v35 =	vpop (erf)  }
0x6d: {  	[tilespmem:s30+$0xFFFFFF50] =	vst v23;
	v23 =	vld [tilespmem:s30+$0xA0];
	v29 =	vbroadcast v35, $0x0;
	v27 =	vbroadcast v35, $0x1  }
0x6e: {  	v13 =	vld [tilespmem:s30+$0x10];
	v36 =	vpop (erf);
	v39 =	vbroadcast v35, $0x2;
	v38 =	vbroadcast v35, $0x3  }
0x6f: {  	v14 =	vld [tilespmem:s30+$0x20];
	[tilespmem:s30+$0xFFFFFF10] =	vst v31;
	v37 =	vbroadcast v36, $0x0;
	v49 =	vbroadcast v36, $0x1  }
0x70: {  	[tilespmem:s30+$0xFFFFFF20] =	vst v25;
	v25 =	vld [tilespmem:s30+$0xB0];
	v52 =	vbroadcast v36, $0x2;
	v53 =	vbroadcast v36, $0x3;
	v50 =	vpop (erf)  }
0x71: {  	v31 =	vld [tilespmem:s30+$0x80];
	[tilespmem:s30+$0xFFFFFF30] =	vst v32;
	v45 =	vbroadcast v50, $0x0;
	v42 =	vbroadcast v50, $0x1  }
0x72: {  	v15 =	vld [tilespmem:s30+$0x30];
	[tilespmem:s30+$0xFFFFFF40] =	vst v33;
	v54 =	vpop (erf);
	v48 =	vbroadcast v50, $0x2;
	v46 =	vbroadcast v50, $0x3  }
0x73: {  	v19 =	vld [tilespmem:s30+$0x60];
	[tilespmem:s30+$0xFFFFFFA0] =	vst v34;
	v47 =	vbroadcast v54, $0x0;
	v43 =	vbroadcast v54, $0x1  }
0x74: {  	v32 =	vld [tilespmem:s30+$0xC0];
	[tilespmem:s30+$0xFFFFFFF0] =	vst v35;
	v44 =	vbroadcast v54, $0x2;
	v40 =	vbroadcast v54, $0x3  }
0x75: {  	v33 =	vld [tilespmem:s30+$0xF0];
	[tilespmem:s30+$0x40] =	vst v50;
	v51 =	vmul.f32 v37, v17;
	v50 =	vmul.f32 v49, v18  }
0x76: {  	v34 =	vld [tilespmem:s30+$0xD0];
	[tilespmem:s30+$0xFFFFFF00] =	vst v36;
	v55 =	vpop (erf);
	v49 =	vmul.f32 v52, v20;
	v20 =	vmul.f32 v22, v53  }
0x77: {  	v18 =	vld [tilespmem:s30+$0x100];
	[tilespmem:s30+$0x90] =	vst v54;
	v41 =	vbroadcast v55, $0x0;
	v36 =	vbroadcast v55, $0x1  }
0x78: {  	s19 =	simm.s32 $0x53C0;
	s1 =	simm.s32 $0x0;
	v17 =	vld [tilespmem:s30+$0x110];
	[tilespmem:s30+$0xE0] =	vst v55;
	v35 =	vbroadcast v55, $0x2;
	v37 =	vbroadcast v55, $0x3  }
.LBB2_5:
0x79: {  	v22 =	vld [tilespmem:s19+$0x130];
	[tilespmem:s30+$0xFFFFFEC0] =	vst v51;
	v4 =	vmul.f32 v30, v4;
	v5 =	vmul.f32 v28, v5;
	s31 =	sadd.s32 $0x80, s31  }
0x7a: {  	s1 =	sadd.s32 $0x8, s1;
	v6 =	vmul.f32 v26, v6;
	v7 =	vmul.f32 v7, v24;
	v28 =	vld [tilespmem:s31+$0x30];
	[tilespmem:s30+$0xFFFFFED0] =	vst v50  }
0x7b: {  	v8 =	vmul.f32 v29, v8;
	v9 =	vmul.f32 v27, v9;
	p0 =	slt.u32 s1, $0x78;
	v24 =	vld [tilespmem:s31+$0xFFFFFFC0];
	[tilespmem:s30+$0xFFFFFEE0] =	vst v49  }
0x7c: {  	v10 =	vmul.f32 v39, v10;
	v11 =	vmul.f32 v11, v38;
	v26 =	vld [tilespmem:s19+$0xFFFFFF50];
	[tilespmem:s30+$0xFFFFFEF0] =	vst v20  }
0x7d: {  	v20 =	vld [tilespmem:s31+$0xFFFFFFD0];
	[tilespmem:s30+$0xFFFFFF60] =	vst v4;
	v4 =	vmul.f32 v45, v12;
	v12 =	vmul.f32 v42, v13  }
0x7e: {  	v13 =	vld [tilespmem:s19+$0xFFFFFFA0];
	[tilespmem:s30+$0xFFFFFF70] =	vst v5;
	v5 =	vmul.f32 v48, v14;
	v14 =	vmul.f32 v15, v46  }
0x7f: {  	v15 =	vld [tilespmem:s31+$0xFFFFFFE0];
	v22 =	vadd.f32 v28, v22;
	[tilespmem:s30+$0xFFFFFF80] =	vst v6;
	v6 =	vmul.f32 v47, v16;
	v16 =	vmul.f32 v43, v19  }
0x80: {  	v19 =	vld [tilespmem:s19+$0xFFFFFFF0];
	[tilespmem:s30+$0xFFFFFF90] =	vst v7;
	v7 =	vmul.f32 v44, v21;
	v21 =	vmul.f32 v31, v40  }
0x81: {  	v27 =	vld [tilespmem:s31+$0xFFFFFFF0];
	v28 =	vmul.f32 $2.000000030e-01, v22;
	[tilespmem:s30+$0xFFFFFFB0] =	vst v8;
	v8 =	vmul.f32 v41, v23  }
0x82: {  	vm0 =	vge.f32 v22, $0.0e+00;
	v20 =	vadd.f32 v20, v26;
	v23 =	vld [tilespmem:s19+$0x40];
	[tilespmem:s30+$0xFFFFFFC0] =	vst v9;
	v9 =	vmul.f32 v36, v25  }
0x83: {  	v26 =	vmul.f32 v34, v37;
	v25 =	vld [tilespmem:s31+$0x0];
	v22 =	vsel vm0, v22, v28;
	[tilespmem:s30+$0xFFFFFFD0] =	vst v10;
	v10 =	vmul.f32 v35, v32  }
0x84: {  	v28 =	vmul.f32 $2.000000030e-01, v20;
	v13 =	vadd.f32 v15, v13;
	v15 =	vld [tilespmem:s19+$0x90];
	v22 =	vmul.f32 $1.442695020e+00, v22;
	[tilespmem:s30+$0xFFFFFFE0] =	vst v11  }
0x85: {  	v1 =	vmul.f32 v1, v33;
	v2 =	vmul.f32 v2, v18;
	vm0 =	vge.f32 v20, $0.0e+00;
	v11 =	vld [tilespmem:s31+$0x10];
	[tilespmem:s30+$0x0] =	vst v4  }
0x86: {  	v4 =	vmul.f32 $2.000000030e-01, v13;
	v19 =	vadd.f32 v27, v19;
	v27 =	vld [tilespmem:s19+$0xE0];
	(erf) = vpow2.f32 v22;
	[tilespmem:s30+$0x10] =	vst v12  }
0x87: {  	v3 =	vmul.f32 v3, v17;
	v12 =	vsel vm0, v20, v28;
	vm0 =	vge.f32 v13, $0.0e+00;
	v28 =	vld [tilespmem:s31+$0x20];
	[tilespmem:s30+$0x20] =	vst v5  }
0x88: {  	v5 =	vld [tilespmem:s19+$0xFFFFFF00];
	vm1 =	vge.f32 v19, $0.0e+00;
	v22 =	vmul.f32 $2.000000030e-01, v19;
	v23 =	vadd.f32 v25, v23;
	[tilespmem:s30+$0x30] =	vst v14  }
0x89: {  	v12 =	vmul.f32 $1.442695020e+00, v12;
	v4 =	vsel vm0, v13, v4;
	v17 =	vld [tilespmem:s19+$0xFFFFFEC0];
	[tilespmem:s30+$0x50] =	vst v6  }
0x8a: {  	v18 =	vld [tilespmem:s19+$0xFFFFFED0];
	vm0 =	vge.f32 v23, $0.0e+00;
	v6 =	vmul.f32 $2.000000030e-01, v23;
	v11 =	vadd.f32 v11, v15;
	[tilespmem:s30+$0x60] =	vst v16  }
0x8b: {  	v4 =	vmul.f32 $1.442695020e+00, v4;
	v13 =	vsel vm1, v19, v22;
	v20 =	vld [tilespmem:s19+$0xFFFFFEE0];
	(erf) = vpow2.f32 v12;
	[tilespmem:s30+$0x70] =	vst v7  }
0x8c: {  	v22 =	vld [tilespmem:s19+$0xFFFFFEF0];
	vm1 =	vge.f32 v11, $0.0e+00;
	v7 =	vmul.f32 $2.000000030e-01, v11;
	v12 =	vadd.f32 v28, v27;
	[tilespmem:s30+$0x80] =	vst v21  }
0x8d: {  	v13 =	vmul.f32 $1.442695020e+00, v13;
	v6 =	vsel vm0, v23, v6;
	v5 =	vadd.f32 v24, v5;
	v14 =	vld [tilespmem:s19+$0x120];
	[tilespmem:s30+$0xA0] =	vst v8  }
0x8e: {  	v15 =	vld [tilespmem:s19+$0xFFFFFF10];
	v7 =	vsel vm1, v11, v7;
	vm0 =	vge.f32 v12, $0.0e+00;
	v8 =	vmul.f32 $2.000000030e-01, v12;
	[tilespmem:s30+$0xB0] =	vst v9  }
0x8f: {  	v16 =	vmul.f32 $1.442695020e+00, v6;
	vm1 =	vge.f32 v5, $0.0e+00;
	v9 =	vmul.f32 $2.000000030e-01, v5;
	v11 =	vld [tilespmem:s19+$0xFFFFFF20];
	v19 =	vpop (erf);
	[tilespmem:s30+$0xC0] =	vst v10  }
0x90: {  	v10 =	vmul.f32 $1.442695020e+00, v7;
	v21 =	vld [tilespmem:s19+$0xFFFFFF30];
	v6 =	vsel vm0, v12, v8;
	v7 =	vbroadcast v19, $0x3;
	[tilespmem:s30+$0xD0] =	vst v26  }
0x91: {  	v5 =	vsel vm1, v5, v9;
	v12 =	vld [tilespmem:s19+$0xFFFFFF40];
	v23 =	vmul.f32 $1.442695020e+00, v6;
	(erf) = vpow2.f32 v4;
	[tilespmem:s30+$0xF0] =	vst v1  }
0x92: {  	v8 =	vmul.f32 $1.442695020e+00, v5;
	v4 =	vld [tilespmem:s19+$0xFFFFFF60];
	v7 =	vmul.f32 v14, v7;
	[tilespmem:s30+$0x100] =	vst v2  }
0x93: {  	v1 =	vbroadcast v19, $0x0;
	v5 =	vld [tilespmem:s19+$0xFFFFFF70];
	(erf) = vpow2.f32 v13;
	[tilespmem:s30+$0x110] =	vst v3;
	s30 =	smov.u32 s19  }
0x94: {  	v2 =	vbroadcast v19, $0x1;
	v6 =	vld [tilespmem:s19+$0xFFFFFF80];
	[tilespmem:s19+$0x120] =	vst v7;
	(erf) = vpow2.f32 v8;
	v3 =	vpop (erf)  }
0x95: {  	[tilespmem:s19+$0xFFFFFF50] =	vst v3;
	v13 =	vbroadcast v3, $0x0;
	v7 =	vld [tilespmem:s19+$0xFFFFFF90];
	(erf) = vpow2.f32 v16  }
0x96: {  	v14 =	vbroadcast v3, $0x1;
	v8 =	vld [tilespmem:s19+$0xFFFFFFB0];
	[tilespmem:s19+$0x130] =	vst v19;
	(erf) = vpow2.f32 v10  }
0x97: {  	v16 =	vbroadcast v3, $0x2;
	v9 =	vld [tilespmem:s19+$0xFFFFFFC0];
	(erf) = vpow2.f32 v23  }
0x98: {  	v23 =	vbroadcast v3, $0x3;
	v3 =	vbroadcast v19, $0x2;
	v10 =	vld [tilespmem:s19+$0xFFFFFFD0]  }
0x99: {  	v13 =	vmul.f32 v13, v15;
	v14 =	vmul.f32 v14, v11;
	v11 =	vld [tilespmem:s19+$0xFFFFFFE0]  }
0x9a: {  	v15 =	vmul.f32 v16, v21;
	v16 =	vmul.f32 v12, v23;
	v12 =	vld [tilespmem:s19+$0x0];
	v21 =	vpop (erf)  }
0x9b: {  	[tilespmem:s19+$0xFFFFFF10] =	vst v13;
	v30 =	vbroadcast v21, $0x0;
	v28 =	vbroadcast v21, $0x1;
	v13 =	vld [tilespmem:s19+$0x10]  }
0x9c: {  	v26 =	vbroadcast v21, $0x2;
	v24 =	vbroadcast v21, $0x3;
	[tilespmem:s19+$0xFFFFFF20] =	vst v14;
	v14 =	vld [tilespmem:s19+$0x20];
	v23 =	vpop (erf)  }
0x9d: {  	[tilespmem:s19+$0xFFFFFF30] =	vst v15;
	v29 =	vbroadcast v23, $0x0;
	v27 =	vbroadcast v23, $0x1;
	v15 =	vld [tilespmem:s19+$0x30];
	v19 =	vpop (erf)  }
0x9e: {  	v49 =	vbroadcast v19, $0x0;
	v50 =	vbroadcast v19, $0x1;
	[tilespmem:s19+$0xFFFFFF40] =	vst v16;
	v16 =	vld [tilespmem:s19+$0x50];
	v25 =	vpop (erf)  }
0x9f: {  	v52 =	vbroadcast v19, $0x2;
	v53 =	vbroadcast v19, $0x3;
	[tilespmem:s19+$0xFFFFFF00] =	vst v19;
	v19 =	vld [tilespmem:s19+$0x60];
	v32 =	vpop (erf)  }
0xa0: {  	v39 =	vbroadcast v23, $0x2;
	v38 =	vbroadcast v23, $0x3;
	[tilespmem:s19+$0xFFFFFFA0] =	vst v21;
	v21 =	vld [tilespmem:s19+$0x70];
	v33 =	vpop (erf)  }
0xa1: {  	v45 =	vbroadcast v25, $0x0;
	v42 =	vbroadcast v25, $0x1;
	[tilespmem:s19+$0xFFFFFFF0] =	vst v23;
	v31 =	vld [tilespmem:s19+$0x80]  }
0xa2: {  	v48 =	vbroadcast v25, $0x2;
	v46 =	vbroadcast v25, $0x3;
	[tilespmem:s19+$0x40] =	vst v25;
	v23 =	vld [tilespmem:s19+$0xA0]  }
0xa3: {  	v47 =	vbroadcast v32, $0x0;
	v43 =	vbroadcast v32, $0x1;
	[tilespmem:s19+$0x90] =	vst v32;
	v25 =	vld [tilespmem:s19+$0xB0]  }
.Ltmp1:
0xa4: {  	v44 =	vbroadcast v32, $0x2;
	v40 =	vbroadcast v32, $0x3;
	[tilespmem:s19+$0xE0] =	vst v33;
	v32 =	vld [tilespmem:s19+$0xC0];
	(pc) =	sbr.rel @p0 .LBB2_5-.Ltmp1, $4  }
0xa5: {  	v41 =	vbroadcast v33, $0x0;
	v36 =	vbroadcast v33, $0x1;
	v34 =	vld [tilespmem:s19+$0xD0]  }
0xa6: {  	v35 =	vbroadcast v33, $0x2;
	v37 =	vbroadcast v33, $0x3;
	v33 =	vld [tilespmem:s19+$0xF0]  }
0xa7: {  	v51 =	vmul.f32 v49, v17;
	v50 =	vmul.f32 v50, v18;
	v18 =	vld [tilespmem:s19+$0x100]  }
0xa8: {  	v49 =	vmul.f32 v52, v20;
	v20 =	vmul.f32 v22, v53;
	s19 =	sadd.s32 $0x280, s19;
	v17 =	vld [tilespmem:s30+$0x110]  }
0xa9: {  	[tilespmem:s30+$0xFFFFFEC0] =	vst v51  }
0xaa: {  	[tilespmem:s30+$0xFFFFFED0] =	vst v50  }
0xab: {  	v4 =	vmul.f32 v30, v4;
	[tilespmem:s30+$0xFFFFFEE0] =	vst v49  }
0xac: {  	v5 =	vmul.f32 v28, v5;
	[tilespmem:s30+$0xFFFFFEF0] =	vst v20  }
0xad: {  	v6 =	vmul.f32 v26, v6;
	[tilespmem:s30+$0xFFFFFF60] =	vst v4  }
0xae: {  	v4 =	vmul.f32 v7, v24;
	[tilespmem:s30+$0xFFFFFF70] =	vst v5  }
0xaf: {  	v5 =	vmul.f32 v29, v8;
	[tilespmem:s30+$0xFFFFFF80] =	vst v6  }
0xb0: {  	v6 =	vmul.f32 v27, v9;
	[tilespmem:s30+$0xFFFFFF90] =	vst v4  }
0xb1: {  	v1 =	vmul.f32 v1, v33;
	[tilespmem:s30+$0xFFFFFFB0] =	vst v5  }
0xb2: {  	v2 =	vmul.f32 v2, v18;
	[tilespmem:s30+$0xFFFFFFC0] =	vst v6  }
0xb3: {  	v4 =	vmul.f32 v39, v10;
	[tilespmem:s30+$0xF0] =	vst v1  }
0xb4: {  	v5 =	vmul.f32 v11, v38;
	[tilespmem:s30+$0x100] =	vst v2  }
0xb5: {  	v6 =	vmul.f32 v45, v12;
	[tilespmem:s30+$0xFFFFFFD0] =	vst v4  }
0xb6: {  	v3 =	vmul.f32 v3, v17;
	[tilespmem:s30+$0xFFFFFFE0] =	vst v5  }
0xb7: {  	v4 =	vmul.f32 v42, v13;
	[tilespmem:s30+$0x0] =	vst v6  }
0xb8: {  	v5 =	vmul.f32 v48, v14;
	[tilespmem:s30+$0x110] =	vst v3  }
0xb9: {  	v6 =	vmul.f32 v15, v46;
	[tilespmem:s30+$0x10] =	vst v4  }
0xba: {  	v4 =	vmul.f32 v47, v16;
	[tilespmem:s30+$0x20] =	vst v5  }
0xbb: {  	v5 =	vmul.f32 v43, v19;
	[tilespmem:s30+$0x30] =	vst v6  }
0xbc: {  	v6 =	vmul.f32 v44, v21;
	[tilespmem:s30+$0x50] =	vst v4  }
0xbd: {  	v4 =	vmul.f32 v31, v40;
	[tilespmem:s30+$0x60] =	vst v5  }
0xbe: {  	v5 =	vmul.f32 v41, v23;
	[tilespmem:s30+$0x70] =	vst v6  }
0xbf: {  	v6 =	vmul.f32 v36, v25;
	[tilespmem:s30+$0x80] =	vst v4  }
0xc0: {  	v4 =	vmul.f32 v35, v32;
	[tilespmem:s30+$0xA0] =	vst v5  }
0xc1: {  	v5 =	vmul.f32 v34, v37;
	[tilespmem:s30+$0xB0] =	vst v6  }
0xc2: {  	s1 =	sand.u32 $0x3FFFFF00, s29;
	[tilespmem:s30+$0xC0] =	vst v4  }
0xc3: {  	s1 =	sadd.s32 $0x2800, s1;
	[tilespmem:s30+$0xD0] =	vst v5  }
0xc4: {  	[spmem:s2] =	stream.indirect.scatter.add.f32 [tilespmem:s15], [sflag:$0x5], $0x50, s1, s18, $0xb8;
	[tilespmem:$0x17800] =	vst v63  }
0xc5: {  	p0 =	seq.s32 s28, $0x27;
	_ =	swait.ge [sflag:s16], $0x2800  }
0xc6: {  	s19 =	simm.s32 @!p0 $0x80;
	[sflag:s16] =	ssyncset.done $0x0  }
0xc7: {  	s30 =	simm.s32 @!p0 $0x5000;
	s1 =	sadd.s32 @!p0 $0x100, s29;
	[sflag:s16] =	ssyncadd.s32 $0xFFFFD800  }
0xc8: {  	[tilespmem:s30], [sflag:$0x1] =	stream.indirect.gather @!p0 [hbm4b:s4+s19], $0x50, s1, s19, $0xb8;
	[tilespmem:$0x17800] =	vst v63  }
0xc9: {  	s1 =	sadd.s32 @!p0 $0x2900, s29;
	s29 =	simm.s32 @!p0 $0xA000  }
0xca: {  	[tilespmem:s29], [sflag:$0x3] =	stream.indirect.gather @!p0 [hbm4b:s5+s19], $0x10, s1, s19, $0xb8;
	[tilespmem:$0x17800] =	vst v63  }
0xcb: {  	_ =	swait.ge [sflag:s24], $0x2800  }
0xcc: {  	[sflag:s24] =	ssyncset.done $0x0  }
0xcd: {  	[sflag:s24] =	ssyncadd.s32 $0xFFFFD800  }
0xce: {  	_ =	swait.ge [sflag:s25], $0x800  }
0xcf: {  	[sflag:s25] =	ssyncset.done $0x0  }
0xd0: {  	s29 =	simm.s32 $0x7940;
	[sflag:s25] =	ssyncadd.s32 $0xFFFFF800  }
0xd1: {  	s30 =	simm.s32 $0xA840;
	v1 =	vld [tilespmem:s29+$0x130]  }
0xd2: {  	v2 =	vld [tilespmem:s30+$0x30]  }
0xd3: {  	v3 =	vld [tilespmem:s30+$0xFFFFFFC0]  }
0xd4: {  	v4 =	vld [tilespmem:s29+$0xFFFFFF50]  }
0xd5: {  	v5 =	vld [tilespmem:s30+$0xFFFFFFD0]  }
0xd6: {  	v6 =	vld [tilespmem:s29+$0xFFFFFFA0]  }
0xd7: {  	v7 =	vld [tilespmem:s30+$0xFFFFFFE0]  }
0xd8: {  	v8 =	vld [tilespmem:s30+$0xFFFFFFF0]  }
0xd9: {  	v12 =	vld [tilespmem:s29+$0xFFFFFF00]  }
0xda: {  	v10 =	vld [tilespmem:s29+$0x40];
	v1 =	vadd.f32 v2, v1  }
0xdb: {  	v2 =	vld [tilespmem:s29+$0xFFFFFFF0];
	v4 =	vadd.f32 v5, v4  }
0xdc: {  	v5 =	vld [tilespmem:s30+$0x0];
	v9 =	vmul.f32 $2.000000030e-01, v1  }
0xdd: {  	v6 =	vadd.f32 v7, v6;
	v7 =	vld [tilespmem:s30+$0x10];
	vm0 =	vge.f32 v1, $0.0e+00;
	v11 =	vmul.f32 $2.000000030e-01, v4  }
0xde: {  	v3 =	vadd.f32 v3, v12;
	vm10 =	vge.f32 v4, $0.0e+00;
	v1 =	vsel vm0, v1, v9;
	v9 =	vld [tilespmem:s29+$0x90]  }
0xdf: {  	v4 =	vsel vm10, v4, v11;
	v11 =	vld [tilespmem:s30+$0x20];
	v1 =	vmul.f32 $1.442695020e+00, v1  }
0xe0: {  	vm11 =	vge.f32 v6, $0.0e+00;
	vm15 =	vge.f32 v3, $0.0e+00;
	v2 =	vadd.f32 v8, v2;
	v8 =	vld [tilespmem:s29+$0xE0]  }
0xe1: {  	v5 =	vadd.f32 v5, v10;
	v4 =	vmul.f32 $1.442695020e+00, v4;
	(erf) = vpow2.f32 v1  }
0xe2: {  	v17 =	vld [tilespmem:s29+$0xFFFFFEC0];
	v1 =	vmul.f32 $2.000000030e-01, v6;
	vm1 =	vge.f32 v2, $0.0e+00;
	v10 =	vmul.f32 $2.000000030e-01, v2  }
0xe3: {  	v19 =	vld [tilespmem:s29+$0xFFFFFED0];
	vm12 =	vge.f32 v5, $0.0e+00;
	(erf) = vpow2.f32 v4;
	v7 =	vadd.f32 v7, v9  }
0xe4: {  	v20 =	vld [tilespmem:s29+$0xFFFFFEE0];
	v1 =	vsel vm11, v6, v1;
	v6 =	vmul.f32 $2.000000030e-01, v5;
	v2 =	vsel vm1, v2, v10  }
0xe5: {  	v22 =	vld [tilespmem:s29+$0xFFFFFEF0];
	v9 =	vmul.f32 $2.000000030e-01, v3;
	v8 =	vadd.f32 v11, v8;
	v4 =	vmul.f32 $2.000000030e-01, v7  }
0xe6: {  	v13 =	vld [tilespmem:s29+$0xFFFFFF30];
	v1 =	vmul.f32 $1.442695020e+00, v1;
	v2 =	vmul.f32 $1.442695020e+00, v2;
	vm13 =	vge.f32 v7, $0.0e+00  }
0xe7: {  	v15 =	vld [tilespmem:s29+$0xFFFFFF40];
	v5 =	vsel vm12, v5, v6;
	v4 =	vsel vm13, v7, v4;
	v7 =	vmul.f32 $2.000000030e-01, v8  }
0xe8: {  	v32 =	vld [tilespmem:s29+$0xC0];
	v3 =	vsel vm15, v3, v9;
	vm14 =	vge.f32 v8, $0.0e+00;
	v10 =	vmul.f32 $1.442695020e+00, v5  }
0xe9: {  	v34 =	vld [tilespmem:s29+$0xD0];
	v3 =	vmul.f32 $1.442695020e+00, v3;
	v14 =	vmul.f32 $1.442695020e+00, v4;
	v4 =	vsel vm14, v8, v7  }
0xea: {  	v6 =	vld [tilespmem:s29+$0x120];
	v16 =	vpop (erf);
	v18 =	vmul.f32 $1.442695020e+00, v4;
	(erf) = vpow2.f32 v1  }
0xeb: {  	v33 =	vld [tilespmem:s29+$0xF0];
	v5 =	vbroadcast v16, $0x3;
	v1 =	vbroadcast v16, $0x0  }
0xec: {  	v12 =	vld [tilespmem:s29+$0xFFFFFF20];
	(erf) = vpow2.f32 v2;
	v2 =	vbroadcast v16, $0x1;
	v23 =	vpop (erf)  }
0xed: {  	v11 =	vld [tilespmem:s29+$0xFFFFFF10];
	(erf) = vpow2.f32 v3;
	v24 =	vbroadcast v23, $0x0  }
0xee: {  	v9 =	vld [tilespmem:s29+$0xFFFFFFC0];
	v25 =	vbroadcast v23, $0x1;
	v3 =	vbroadcast v16, $0x2  }
0xef: {  	v7 =	vld [tilespmem:s29+$0xFFFFFF90];
	v21 =	vmul.f32 v6, v5;
	(erf) = vpow2.f32 v10  }
0xf0: {  	v8 =	vld [tilespmem:s29+$0xFFFFFFB0];
	(erf) = vpow2.f32 v14;
	v14 =	vbroadcast v23, $0x2  }
0xf1: {  	v4 =	vld [tilespmem:s29+$0xFFFFFF60];
	(erf) = vpow2.f32 v18;
	v18 =	vbroadcast v23, $0x3  }
0xf2: {  	[tilespmem:s29+$0x130] =	vst v16;
	v16 =	vld [tilespmem:s29+$0x50];
	v31 =	vmul.f32 v24, v11;
	v25 =	vmul.f32 v25, v12  }
0xf3: {  	v5 =	vld [tilespmem:s29+$0xFFFFFF70];
	v56 =	vmul.f32 v14, v13;
	v57 =	vmul.f32 v15, v18;
	v58 =	vpop (erf)  }
0xf4: {  	v6 =	vld [tilespmem:s29+$0xFFFFFF80];
	v30 =	vbroadcast v58, $0x0;
	v28 =	vbroadcast v58, $0x1  }
0xf5: {  	v10 =	vld [tilespmem:s29+$0xFFFFFFD0];
	v26 =	vbroadcast v58, $0x2;
	v24 =	vbroadcast v58, $0x3;
	v59 =	vpop (erf)  }
0xf6: {  	[tilespmem:s29+$0xFFFFFF50] =	vst v23;
	v11 =	vld [tilespmem:s29+$0xFFFFFFE0];
	v29 =	vbroadcast v59, $0x0;
	v27 =	vbroadcast v59, $0x1  }
0xf7: {  	v12 =	vld [tilespmem:s29+$0x0];
	[tilespmem:s29+$0x120] =	vst v21;
	v60 =	vpop (erf);
	v39 =	vbroadcast v59, $0x2;
	v38 =	vbroadcast v59, $0x3  }
0xf8: {  	v21 =	vld [tilespmem:s29+$0x70];
	[tilespmem:s29+$0xFFFFFF10] =	vst v31;
	v61 =	vbroadcast v60, $0x0;
	v62 =	vbroadcast v60, $0x1  }
0xf9: {  	v23 =	vld [tilespmem:s29+$0xA0];
	[tilespmem:s29+$0xFFFFFF20] =	vst v25;
	v63 =	vbroadcast v60, $0x2;
	v52 =	vbroadcast v60, $0x3;
	v53 =	vpop (erf)  }
0xfa: {  	v13 =	vld [tilespmem:s29+$0x10];
	[tilespmem:s29+$0xFFFFFF30] =	vst v56;
	v45 =	vbroadcast v53, $0x0;
	v42 =	vbroadcast v53, $0x1  }
0xfb: {  	v14 =	vld [tilespmem:s29+$0x20];
	[tilespmem:s29+$0xFFFFFF40] =	vst v57;
	v54 =	vpop (erf);
	v48 =	vbroadcast v53, $0x2;
	v46 =	vbroadcast v53, $0x3  }
0xfc: {  	v25 =	vld [tilespmem:s29+$0xB0];
	[tilespmem:s29+$0xFFFFFFA0] =	vst v58;
	v47 =	vbroadcast v54, $0x0;
	v43 =	vbroadcast v54, $0x1  }
0xfd: {  	v31 =	vld [tilespmem:s29+$0x80];
	[tilespmem:s29+$0xFFFFFFF0] =	vst v59;
	v44 =	vbroadcast v54, $0x2;
	v40 =	vbroadcast v54, $0x3  }
0xfe: {  	v15 =	vld [tilespmem:s29+$0x30];
	[tilespmem:s29+$0xFFFFFF00] =	vst v60;
	v51 =	vmul.f32 v61, v17;
	v49 =	vmul.f32 v62, v19  }
0xff: {  	v18 =	vld [tilespmem:s29+$0x60];
	[tilespmem:s29+$0x40] =	vst v53;
	v55 =	vpop (erf);
	v50 =	vmul.f32 v63, v20;
	v20 =	vmul.f32 v22, v52  }
0x100: {  	v19 =	vld [tilespmem:s29+$0x100];
	[tilespmem:s29+$0x90] =	vst v54;
	v41 =	vbroadcast v55, $0x0;
	v36 =	vbroadcast v55, $0x1  }
0x101: {  	s28 =	sadd.s32 $0x1, s28;
	s1 =	simm.s32 $0x0;
	s19 =	simm.s32 $0x7BC0;
	v17 =	vld [tilespmem:s29+$0x110];
	[tilespmem:s29+$0xE0] =	vst v55;
	v35 =	vbroadcast v55, $0x2;
	v37 =	vbroadcast v55, $0x3  }
.LBB2_7:
0x102: {  	v22 =	vld [tilespmem:s19+$0x130];
	[tilespmem:s29+$0xFFFFFEC0] =	vst v51;
	v4 =	vmul.f32 v30, v4;
	v5 =	vmul.f32 v28, v5;
	s30 =	sadd.s32 $0x80, s30  }
0x103: {  	s1 =	sadd.s32 $0x8, s1;
	v6 =	vmul.f32 v26, v6;
	v7 =	vmul.f32 v7, v24;
	v28 =	vld [tilespmem:s30+$0x30];
	[tilespmem:s29+$0xFFFFFED0] =	vst v49  }
0x104: {  	v8 =	vmul.f32 v29, v8;
	v9 =	vmul.f32 v27, v9;
	p0 =	slt.u32 s1, $0x78;
	v24 =	vld [tilespmem:s30+$0xFFFFFFC0];
	[tilespmem:s29+$0xFFFFFEE0] =	vst v50  }
0x105: {  	v10 =	vmul.f32 v39, v10;
	v11 =	vmul.f32 v11, v38;
	v26 =	vld [tilespmem:s19+$0xFFFFFF50];
	[tilespmem:s29+$0xFFFFFEF0] =	vst v20  }
0x106: {  	v20 =	vld [tilespmem:s30+$0xFFFFFFD0];
	[tilespmem:s29+$0xFFFFFF60] =	vst v4;
	v4 =	vmul.f32 v45, v12;
	v12 =	vmul.f32 v42, v13  }
0x107: {  	v13 =	vld [tilespmem:s19+$0xFFFFFFA0];
	[tilespmem:s29+$0xFFFFFF70] =	vst v5;
	v5 =	vmul.f32 v48, v14;
	v14 =	vmul.f32 v15, v46  }
0x108: {  	v15 =	vld [tilespmem:s30+$0xFFFFFFE0];
	v22 =	vadd.f32 v28, v22;
	[tilespmem:s29+$0xFFFFFF80] =	vst v6;
	v6 =	vmul.f32 v47, v16;
	v16 =	vmul.f32 v43, v18  }
0x109: {  	v18 =	vld [tilespmem:s19+$0xFFFFFFF0];
	[tilespmem:s29+$0xFFFFFF90] =	vst v7;
	v7 =	vmul.f32 v44, v21;
	v21 =	vmul.f32 v31, v40  }
0x10a: {  	v27 =	vld [tilespmem:s30+$0xFFFFFFF0];
	v28 =	vmul.f32 $2.000000030e-01, v22;
	[tilespmem:s29+$0xFFFFFFB0] =	vst v8;
	v8 =	vmul.f32 v41, v23  }
0x10b: {  	vm0 =	vge.f32 v22, $0.0e+00;
	v20 =	vadd.f32 v20, v26;
	v23 =	vld [tilespmem:s19+$0x40];
	[tilespmem:s29+$0xFFFFFFC0] =	vst v9;
	v9 =	vmul.f32 v36, v25  }
0x10c: {  	v26 =	vmul.f32 v34, v37;
	v25 =	vld [tilespmem:s30+$0x0];
	v22 =	vsel vm0, v22, v28;
	[tilespmem:s29+$0xFFFFFFD0] =	vst v10;
	v10 =	vmul.f32 v35, v32  }
0x10d: {  	v28 =	vmul.f32 $2.000000030e-01, v20;
	v13 =	vadd.f32 v15, v13;
	v15 =	vld [tilespmem:s19+$0x90];
	v22 =	vmul.f32 $1.442695020e+00, v22;
	[tilespmem:s29+$0xFFFFFFE0] =	vst v11  }
0x10e: {  	v1 =	vmul.f32 v1, v33;
	v2 =	vmul.f32 v2, v19;
	vm0 =	vge.f32 v20, $0.0e+00;
	v11 =	vld [tilespmem:s30+$0x10];
	[tilespmem:s29+$0x0] =	vst v4  }
0x10f: {  	v4 =	vmul.f32 $2.000000030e-01, v13;
	v18 =	vadd.f32 v27, v18;
	v27 =	vld [tilespmem:s19+$0xE0];
	(erf) = vpow2.f32 v22;
	[tilespmem:s29+$0x10] =	vst v12  }
0x110: {  	v3 =	vmul.f32 v3, v17;
	v12 =	vsel vm0, v20, v28;
	vm0 =	vge.f32 v13, $0.0e+00;
	v28 =	vld [tilespmem:s30+$0x20];
	[tilespmem:s29+$0x20] =	vst v5  }
0x111: {  	v5 =	vld [tilespmem:s19+$0xFFFFFF00];
	vm1 =	vge.f32 v18, $0.0e+00;
	v22 =	vmul.f32 $2.000000030e-01, v18;
	v23 =	vadd.f32 v25, v23;
	[tilespmem:s29+$0x30] =	vst v14  }
0x112: {  	v12 =	vmul.f32 $1.442695020e+00, v12;
	v4 =	vsel vm0, v13, v4;
	v17 =	vld [tilespmem:s19+$0xFFFFFEC0];
	[tilespmem:s29+$0x50] =	vst v6  }
0x113: {  	v19 =	vld [tilespmem:s19+$0xFFFFFED0];
	vm0 =	vge.f32 v23, $0.0e+00;
	v6 =	vmul.f32 $2.000000030e-01, v23;
	v11 =	vadd.f32 v11, v15;
	[tilespmem:s29+$0x60] =	vst v16  }
0x114: {  	v4 =	vmul.f32 $1.442695020e+00, v4;
	v13 =	vsel vm1, v18, v22;
	v20 =	vld [tilespmem:s19+$0xFFFFFEE0];
	(erf) = vpow2.f32 v12;
	[tilespmem:s29+$0x70] =	vst v7  }
0x115: {  	v22 =	vld [tilespmem:s19+$0xFFFFFEF0];
	vm1 =	vge.f32 v11, $0.0e+00;
	v7 =	vmul.f32 $2.000000030e-01, v11;
	v12 =	vadd.f32 v28, v27;
	[tilespmem:s29+$0x80] =	vst v21  }
0x116: {  	v13 =	vmul.f32 $1.442695020e+00, v13;
	v6 =	vsel vm0, v23, v6;
	v5 =	vadd.f32 v24, v5;
	v14 =	vld [tilespmem:s19+$0x120];
	[tilespmem:s29+$0xA0] =	vst v8  }
0x117: {  	v15 =	vld [tilespmem:s19+$0xFFFFFF10];
	v7 =	vsel vm1, v11, v7;
	vm0 =	vge.f32 v12, $0.0e+00;
	v8 =	vmul.f32 $2.000000030e-01, v12;
	[tilespmem:s29+$0xB0] =	vst v9  }
0x118: {  	v16 =	vmul.f32 $1.442695020e+00, v6;
	vm1 =	vge.f32 v5, $0.0e+00;
	v9 =	vmul.f32 $2.000000030e-01, v5;
	v11 =	vld [tilespmem:s19+$0xFFFFFF20];
	v18 =	vpop (erf);
	[tilespmem:s29+$0xC0] =	vst v10  }
0x119: {  	v10 =	vmul.f32 $1.442695020e+00, v7;
	v21 =	vld [tilespmem:s19+$0xFFFFFF30];
	v6 =	vsel vm0, v12, v8;
	v7 =	vbroadcast v18, $0x3;
	[tilespmem:s29+$0xD0] =	vst v26  }
0x11a: {  	v5 =	vsel vm1, v5, v9;
	v12 =	vld [tilespmem:s19+$0xFFFFFF40];
	v23 =	vmul.f32 $1.442695020e+00, v6;
	(erf) = vpow2.f32 v4;
	[tilespmem:s29+$0xF0] =	vst v1  }
0x11b: {  	v8 =	vmul.f32 $1.442695020e+00, v5;
	v4 =	vld [tilespmem:s19+$0xFFFFFF60];
	v7 =	vmul.f32 v14, v7;
	[tilespmem:s29+$0x100] =	vst v2  }
0x11c: {  	v1 =	vbroadcast v18, $0x0;
	v5 =	vld [tilespmem:s19+$0xFFFFFF70];
	(erf) = vpow2.f32 v13;
	[tilespmem:s29+$0x110] =	vst v3;
	s29 =	smov.u32 s19  }
0x11d: {  	v2 =	vbroadcast v18, $0x1;
	v6 =	vld [tilespmem:s19+$0xFFFFFF80];
	[tilespmem:s19+$0x120] =	vst v7;
	(erf) = vpow2.f32 v8;
	v3 =	vpop (erf)  }
0x11e: {  	[tilespmem:s19+$0xFFFFFF50] =	vst v3;
	v13 =	vbroadcast v3, $0x0;
	v7 =	vld [tilespmem:s19+$0xFFFFFF90];
	(erf) = vpow2.f32 v16  }
0x11f: {  	v14 =	vbroadcast v3, $0x1;
	v8 =	vld [tilespmem:s19+$0xFFFFFFB0];
	[tilespmem:s19+$0x130] =	vst v18;
	(erf) = vpow2.f32 v10  }
0x120: {  	v16 =	vbroadcast v3, $0x2;
	v9 =	vld [tilespmem:s19+$0xFFFFFFC0];
	(erf) = vpow2.f32 v23  }
0x121: {  	v23 =	vbroadcast v3, $0x3;
	v3 =	vbroadcast v18, $0x2;
	v10 =	vld [tilespmem:s19+$0xFFFFFFD0]  }
0x122: {  	v13 =	vmul.f32 v13, v15;
	v14 =	vmul.f32 v14, v11;
	v11 =	vld [tilespmem:s19+$0xFFFFFFE0]  }
0x123: {  	v15 =	vmul.f32 v16, v21;
	v16 =	vmul.f32 v12, v23;
	v12 =	vld [tilespmem:s19+$0x0];
	v21 =	vpop (erf)  }
0x124: {  	[tilespmem:s19+$0xFFFFFF10] =	vst v13;
	v30 =	vbroadcast v21, $0x0;
	v28 =	vbroadcast v21, $0x1;
	v13 =	vld [tilespmem:s19+$0x10]  }
0x125: {  	v26 =	vbroadcast v21, $0x2;
	v24 =	vbroadcast v21, $0x3;
	[tilespmem:s19+$0xFFFFFF20] =	vst v14;
	v14 =	vld [tilespmem:s19+$0x20];
	v23 =	vpop (erf)  }
0x126: {  	[tilespmem:s19+$0xFFFFFF30] =	vst v15;
	v29 =	vbroadcast v23, $0x0;
	v27 =	vbroadcast v23, $0x1;
	v15 =	vld [tilespmem:s19+$0x30];
	v18 =	vpop (erf)  }
0x127: {  	v49 =	vbroadcast v18, $0x0;
	v50 =	vbroadcast v18, $0x1;
	[tilespmem:s19+$0xFFFFFF40] =	vst v16;
	v16 =	vld [tilespmem:s19+$0x50];
	v25 =	vpop (erf)  }
0x128: {  	v52 =	vbroadcast v18, $0x2;
	v53 =	vbroadcast v18, $0x3;
	[tilespmem:s19+$0xFFFFFF00] =	vst v18;
	v18 =	vld [tilespmem:s19+$0x60];
	v32 =	vpop (erf)  }
0x129: {  	v39 =	vbroadcast v23, $0x2;
	v38 =	vbroadcast v23, $0x3;
	[tilespmem:s19+$0xFFFFFFA0] =	vst v21;
	v21 =	vld [tilespmem:s19+$0x70];
	v33 =	vpop (erf)  }
0x12a: {  	v45 =	vbroadcast v25, $0x0;
	v42 =	vbroadcast v25, $0x1;
	[tilespmem:s19+$0xFFFFFFF0] =	vst v23;
	v31 =	vld [tilespmem:s19+$0x80]  }
0x12b: {  	v48 =	vbroadcast v25, $0x2;
	v46 =	vbroadcast v25, $0x3;
	[tilespmem:s19+$0x40] =	vst v25;
	v23 =	vld [tilespmem:s19+$0xA0]  }
0x12c: {  	v47 =	vbroadcast v32, $0x0;
	v43 =	vbroadcast v32, $0x1;
	[tilespmem:s19+$0x90] =	vst v32;
	v25 =	vld [tilespmem:s19+$0xB0]  }
.Ltmp2:
0x12d: {  	v44 =	vbroadcast v32, $0x2;
	v40 =	vbroadcast v32, $0x3;
	[tilespmem:s19+$0xE0] =	vst v33;
	v32 =	vld [tilespmem:s19+$0xC0];
	(pc) =	sbr.rel @p0 .LBB2_7-.Ltmp2, $4  }
0x12e: {  	v41 =	vbroadcast v33, $0x0;
	v36 =	vbroadcast v33, $0x1;
	v34 =	vld [tilespmem:s19+$0xD0]  }
0x12f: {  	v35 =	vbroadcast v33, $0x2;
	v37 =	vbroadcast v33, $0x3;
	v33 =	vld [tilespmem:s19+$0xF0]  }
0x130: {  	v51 =	vmul.f32 v49, v17;
	v49 =	vmul.f32 v50, v19;
	v19 =	vld [tilespmem:s19+$0x100]  }
0x131: {  	v50 =	vmul.f32 v52, v20;
	v20 =	vmul.f32 v22, v53;
	s19 =	sadd.s32 $0x280, s19;
	v17 =	vld [tilespmem:s29+$0x110]  }
0x132: {  	[tilespmem:s29+$0xFFFFFEC0] =	vst v51  }
0x133: {  	[tilespmem:s29+$0xFFFFFED0] =	vst v49  }
0x134: {  	v4 =	vmul.f32 v30, v4;
	[tilespmem:s29+$0xFFFFFEE0] =	vst v50  }
0x135: {  	v5 =	vmul.f32 v28, v5;
	[tilespmem:s29+$0xFFFFFEF0] =	vst v20  }
0x136: {  	v6 =	vmul.f32 v26, v6;
	[tilespmem:s29+$0xFFFFFF60] =	vst v4  }
0x137: {  	v28 =	vmul.f32 v7, v24;
	[tilespmem:s29+$0xFFFFFF70] =	vst v5  }
0x138: {  	v30 =	vmul.f32 v29, v8;
	[tilespmem:s29+$0xFFFFFF80] =	vst v6  }
0x139: {  	v49 =	vmul.f32 v27, v9;
	[tilespmem:s29+$0xFFFFFF90] =	vst v28  }
0x13a: {  	v51 =	vmul.f32 v11, v38;
	[tilespmem:s29+$0xFFFFFFB0] =	vst v30  }
0x13b: {  	v52 =	vmul.f32 v45, v12;
	[tilespmem:s29+$0xFFFFFFC0] =	vst v49  }
0x13c: {  	v53 =	vmul.f32 v42, v13;
	[tilespmem:s29+$0xFFFFFFE0] =	vst v51  }
0x13d: {  	v54 =	vmul.f32 v48, v14;
	[tilespmem:s29+$0x0] =	vst v52  }
0x13e: {  	v55 =	vmul.f32 v15, v46;
	[tilespmem:s29+$0x10] =	vst v53  }
0x13f: {  	v56 =	vmul.f32 v47, v16;
	[tilespmem:s29+$0x20] =	vst v54  }
0x140: {  	v57 =	vmul.f32 v43, v18;
	[tilespmem:s29+$0x30] =	vst v55  }
0x141: {  	v58 =	vmul.f32 v44, v21;
	[tilespmem:s29+$0x50] =	vst v56  }
0x142: {  	v59 =	vmul.f32 v31, v40;
	[tilespmem:s29+$0x60] =	vst v57  }
0x143: {  	v60 =	vmul.f32 v41, v23;
	[tilespmem:s29+$0x70] =	vst v58  }
0x144: {  	v61 =	vmul.f32 v36, v25;
	[tilespmem:s29+$0x80] =	vst v59  }
0x145: {  	v62 =	vmul.f32 v35, v32;
	[tilespmem:s29+$0xA0] =	vst v60  }
0x146: {  	v50 =	vmul.f32 v39, v10;
	[tilespmem:s29+$0xB0] =	vst v61  }
0x147: {  	v63 =	vmul.f32 v34, v37;
	[tilespmem:s29+$0xC0] =	vst v62  }
0x148: {  	v1 =	vmul.f32 v1, v33;
	[tilespmem:s29+$0xFFFFFFD0] =	vst v50  }
0x149: {  	v2 =	vmul.f32 v2, v19;
	[tilespmem:s29+$0xD0] =	vst v63  }
0x14a: {  	v3 =	vmul.f32 v3, v17;
	[tilespmem:s29+$0xF0] =	vst v1  }
0x14b: {  	p0 =	sne.s32 s28, $0x28;
	[tilespmem:s29+$0x100] =	vst v2  }
.Ltmp3:
0x14c: {  	[tilespmem:s29+$0x110] =	vst v3;
	(pc) =	sbr.rel @p0 .LBB2_4-.Ltmp3, $4  }
0x14d: {  	[spmem:s2] =	stream.indirect.scatter.add.f32 [tilespmem:s20], [sflag:$0x5], $0x50, s26, s18, $0xb8;
	[tilespmem:$0x17800] =	vst v63  }
0x14e: {  	_ =	swait.ge [sflag:s16], $0x2800  }
0x14f: {  	[sflag:s16] =	ssyncset.done $0x0  }
0x150: {  	[sflag:s16] =	ssyncadd.s32 $0xFFFFD800  }
0x151: {  	s3 =	sadd.s32 $0x1, s3  }
0x152: {  	s1 =	sshll.u32 s0, $0x6;
	[bflag:$0x0] =	sbarrier.arrive $0xFFFF;
	p0 =	sne.s32 s3, s14  }
.Ltmp4:
0x153: {  	s19 =	sshrl.u32 s6, $0x3;
	s1 =	sor.u32 $0x1C05, s1;
	(pc) =	sbr.rel @p0 .LBB2_1-.Ltmp4, $4  }
0x154: {  	[hbm:s13], [sflag:s1] =	dma.local [spmem:s19], $0x1900  }
0x155: {  	_ =	swait.ge [sflag:s16], $0x1900  }
0x156: {  	[sflag:s16] =	ssyncset.done $0x0  }
0x157: {  	[sflag:s16] =	ssyncadd.s32 $0xFFFFE700  }
0x158: {  	_ =	sfence.sel $0x180000  }
0x159: {  	[bflag:$0x0] =	sbarrier.arrive $0xFFFF  }
0x15a: {  	_ =	strace $0x90000047  }
0x15b: {  	[bflag:$0x2] =	sbarrier.arrive $0xFFFF  }
0x15c: {  	p0 =	sne.s32 s0, $0x0;
	s0 =	rddreg [dreg:$0x3]  }
0x15d: {  	s0 =	sadd.s32 @!p0 $0x100000, s0  }
0x15e: {  	[sflag:s0] =	ssyncadd.tile.s32 @!p0 $0x1;
	_ =	shalt  }
.Lfunc_end2:
_tile_overlayer_lowered:
.L_overlay_start_2:
0x15f: {  	(tag) =	ssettag $0x2  }
0x160: {  	s0 =	rddreg [dreg:$0x0];
	s2 =	stileid.u32  }
0x161: {  	s1 =	rddreg [dreg:$0x1];
	p0 =	sne.s32 s2, $0x0  }
0x162: {  	s3 =	rddreg [dreg:$0x2];
	[bflag:$0x3] =	sbarrier.arrive $0xFFFF;
	s2 =	simm.s32 @!p0 $0x1C05  }
0x163: {  	[timem:s3], [sflag:s2] =	dma.local @!p0 [hbm:s0], s1  }
0x164: {  	s0 =	simm.s32 @!p0 $0x5  }
0x165: {  	_ =	swait.ge @!p0 [sflag:s0], s1  }
0x166: {  	s1 =	ssub.s32 @!p0 $0x0, s1;
	[sflag:s0] =	ssyncset.done @!p0 $0x0  }
0x167: {  	[sflag:s0] =	ssyncadd.s32 @!p0 s1  }
0x168: {  	[bflag:$0x3] =	sbarrier.arrive $0xFFFF  }
0x169: {  	_ =	shalt  }

</sc_bundles>
